<compile_context>
chip_gen: v7x
topology: tpu7x:2x2x1
jax: 0.10.2.dev20260603
libtpu: 0.0.44.dev20260713+nightly
codegen_flags: <defaults>
</compile_context>

<pallas_src>
import functools

import jax
import jax.numpy as jnp
from jax import lax
from jax.experimental import pallas as pl
from jax.experimental.pallas import tpu as pltpu
from jax.experimental.pallas import tpu_sc as plsc

VOCAB = 1024
D = 64
BATCH = 4096
SEQ = 200

NC = 2
NS = 16
NW = NC * NS
SGRP = 2
NSTEP = SEQ // SGRP


_mesh = plsc.VectorSubcoreMesh(
    core_axis_name="c", subcore_axis_name="s", num_cores=NC, num_subcores=NS
)


@functools.partial(
    pl.kernel,
    out_type=jax.ShapeDtypeStruct((SEQ, 8, NW, 8, 128), jnp.float32),
    mesh=_mesh,
    scratch_types=[
        pltpu.VMEM((VOCAB, D), jnp.float32),
        pltpu.VMEM((SEQ, 128), jnp.int32),
        pltpu.VMEM((2, SGRP, 8, 8, 128), jnp.float32),
        pltpu.SemaphoreType.DMA,
        pltpu.SemaphoreType.DMA,
    ],
    compiler_params=pltpu.CompilerParams(
        use_tc_tiling_on_sc=False, needs_layout_passes=False
    ),
)
def _gather_kernel(table_hbm, idsT_hbm, out_hbm, table_v, idx_v, trows_v, s0, s1):
    wid = lax.axis_index("s") * NC + lax.axis_index("c")
    bcol = wid * 128
    ssem = (s0, s1)
    iota16 = lax.iota(jnp.int32, 16)

    pltpu.sync_copy(table_hbm, table_v)
    pltpu.sync_copy(idsT_hbm.at[:, pl.ds(bcol, 128)], idx_v)

    def build_slab(ci, slot):
        for k in range(SGRP):
            ids_ref = idx_v.at[ci * SGRP + k]
            dst = trows_v.at[slot, k]

            @plsc.parallel_loop(0, 128, unroll=4)
            def _u(u):
                bg = u >> 4
                j = u & 15
                iv = ids_ref[pl.ds(16 * bg, 16)]
                a = iota16 + 16 * bg
                mj = (iota16 + j) & 15
                dtb = mj >> 3
                dlj = mj & 7
                for kk in range(4):
                    v = plsc.load_gather(table_v, [iv, mj + 16 * kk])
                    plsc.store_scatter(dst, [dtb + 2 * kk, dlj, a], v)

    def start_store(ci, slot):
        pltpu.make_async_copy(
            trows_v.at[slot],
            out_hbm.at[pl.ds(ci * SGRP, SGRP), :, wid],
            ssem[slot],
        ).start()

    def wait_store(ci, slot):
        pltpu.make_async_copy(
            trows_v.at[slot],
            out_hbm.at[pl.ds(ci * SGRP, SGRP), :, wid],
            ssem[slot],
        ).wait()

    build_slab(0, 0)
    start_store(0, 0)
    build_slab(1, 1)
    start_store(1, 1)

    @pl.loop(1, NSTEP // 2)
    def _pair(j):
        a = 2 * j
        wait_store(a - 2, 0)
        build_slab(a, 0)
        start_store(a, 0)
        wait_store(a - 1, 1)
        build_slab(a + 1, 1)
        start_store(a + 1, 1)

    wait_store(NSTEP - 2, 0)
    wait_store(NSTEP - 1, 1)


def kernel(ids, emb_table):
    idsT = ids.astype(jnp.int32).T
    out5 = _gather_kernel(emb_table, idsT)
    return out5.transpose(2, 4, 0, 1, 3).reshape(BATCH, SEQ, D)

# --- scband reference (transcript-rebuilt; emitter-appended) ---
"""Pipeline reference for scband-fake-text-encoder-18433999634790 (READ-ONLY COPY).

The authoritative reference and input builder live on the scoring server;
editing this copy changes nothing except your own understanding.
"""

import jax, jax.numpy as jnp
import numpy as np

VOCAB = 1024
HIDDEN_DIM = 64
BATCH = 4096
SEQ = 200

def setup_inputs(seed: int = 0) -> dict:
    key = jax.random.key(seed)
    k_ids, k_emb = jax.random.split(key)
    ids = jax.random.randint(k_ids, (BATCH, SEQ), 0, VOCAB, dtype=jnp.int64) if jax.config.jax_enable_x64 else jax.random.randint(k_ids, (BATCH, SEQ), 0, VOCAB, dtype=jnp.int32)
    emb_table = jax.random.normal(k_emb, (VOCAB, HIDDEN_DIM), dtype=jnp.float32)
    return {"ids": ids, "emb_table": emb_table}

def reference(ids, emb_table):
    # Faithful translation of FakeTextEncoder.forward with output_hidden_states=False:
    #   x = self.emb(ids); return (x,)
    x = jnp.take(emb_table, ids, axis=0)
    return x

if __name__ == "__main__":
    import jax
    _d = setup_inputs()
    print(jax.jit(kernel)(*tuple(_d.values())))

</pallas_src>

<mosaic_0001>
#map = affine_map<(d0, d1) -> (0, 0)>
#map1 = affine_map<(d0, d1) -> (0, 0, 0, 0, 0)>
module attributes {stable_mosaic.version = 14 : i64} {
  func.func @_gather_kernel(%arg0: i32, %arg1: i32, %arg2: memref<1024x64xf32, #tpu.memory_space<hbm>>, %arg3: memref<200x4096xi32, #tpu.memory_space<hbm>>, %arg4: memref<200x8x32x8x128xf32, #tpu.memory_space<hbm>>, %arg5: memref<1024x64xf32, #tpu.memory_space<vmem>>, %arg6: memref<200x128xi32, #tpu.memory_space<vmem>>, %arg7: memref<2x2x8x8x128xf32, #tpu.memory_space<vmem>>, %arg8: memref<!tpu.dma_semaphore, #tpu.memory_space<semaphore_mem>>, %arg9: memref<!tpu.dma_semaphore, #tpu.memory_space<semaphore_mem>>) attributes {dimension_semantics = [#tpu.dimension_semantics<core_parallel>, #tpu.dimension_semantics<subcore_parallel>], iteration_bounds = array<i64: 2, 16>, scalar_prefetch = 0 : i64, scratch_operands = 5 : i64, tpu.core_type = #tpu.core_type<sc_vector_subcore>, window_params = [{transform_indices = #map}, {transform_indices = #map}, {transform_indices = #map1}]} {
    %mul3A = arith.constant 2 : i32
    %mul3A_0 = arith.muli %arg1, %mul3A : i32
    %add3A = arith.addi %mul3A_0, %arg0 : i32
    %mul3A_1 = arith.constant 128 : i32
    %mul3A_2 = arith.muli %add3A, %mul3A_1 : i32
    %iota3A = tpu.iota {dimensions = array<i32: 0>} : vector<16xi32>
    "tpu.region"() ({
      %run_scoped3A = tpu.sem_alloc : memref<!tpu.dma_semaphore, #tpu.memory_space<semaphore_mem>>
      tpu.enqueue_dma source(%arg2 : memref<1024x64xf32, #tpu.memory_space<hbm>>) target(%arg5 : memref<1024x64xf32, #tpu.memory_space<vmem>>) target_semaphore(%run_scoped3A : memref<!tpu.dma_semaphore, #tpu.memory_space<semaphore_mem>>)
      tpu.wait_dma2 semaphore(%run_scoped3A : memref<!tpu.dma_semaphore, #tpu.memory_space<semaphore_mem>>) src(%arg2 : memref<1024x64xf32, #tpu.memory_space<hbm>>) dst(%arg5 : memref<1024x64xf32, #tpu.memory_space<vmem>>)
      tpu.yield
    }) : () -> ()
    "tpu.region"() ({
      %run_scoped3A = tpu.sem_alloc : memref<!tpu.dma_semaphore, #tpu.memory_space<semaphore_mem>>
      %dma_start3A_128 = arith.constant 0 : i32
      %dma_start3A_129 = tpu.memref_slice %arg3[%dma_start3A_128, %mul3A_2] : memref<200x4096xi32, #tpu.memory_space<hbm>> -> memref<200x128xi32, #tpu.memory_space<hbm>>
      %dma_start3A_130 = arith.constant 0 : i32
      %dma_start3A_131 = tpu.memref_slice %arg3[%dma_start3A_130, %mul3A_2] : memref<200x4096xi32, #tpu.memory_space<hbm>> -> memref<200x128xi32, #tpu.memory_space<hbm>>
      tpu.enqueue_dma source(%dma_start3A_131 : memref<200x128xi32, #tpu.memory_space<hbm>>) target(%arg6 : memref<200x128xi32, #tpu.memory_space<vmem>>) target_semaphore(%run_scoped3A : memref<!tpu.dma_semaphore, #tpu.memory_space<semaphore_mem>>)
      %dma_wait3A_132 = arith.constant 0 : i32
      %dma_wait3A_133 = tpu.memref_slice %arg3[%dma_wait3A_132, %mul3A_2] : memref<200x4096xi32, #tpu.memory_space<hbm>> -> memref<200x128xi32, #tpu.memory_space<hbm>>
      %dma_wait3A_134 = arith.constant 0 : i32
      %dma_wait3A_135 = tpu.memref_slice %arg3[%dma_wait3A_134, %mul3A_2] : memref<200x4096xi32, #tpu.memory_space<hbm>> -> memref<200x128xi32, #tpu.memory_space<hbm>>
      tpu.wait_dma2 semaphore(%run_scoped3A : memref<!tpu.dma_semaphore, #tpu.memory_space<semaphore_mem>>) src(%dma_wait3A_135 : memref<200x128xi32, #tpu.memory_space<hbm>>) dst(%arg6 : memref<200x128xi32, #tpu.memory_space<vmem>>)
      tpu.yield
    }) : () -> ()
    %parallel_loop3A = arith.constant 0 : i32
    %parallel_loop3A_3 = arith.constant 128 : i32
    %parallel_loop3A_4 = arith.constant 1 : i32
    %parallel_loop3A_5 = arith.constant 0 : i32
    %parallel_loop3A_6 = arith.constant 0 : i32
    %parallel_loop3A_7 = arith.constant 0 : i32
    scf.for %parallel_loop3A_128 = %parallel_loop3A to %parallel_loop3A_3 step %parallel_loop3A_4  : i32 {
      %parallel_loop3A_129 = arith.constant 4 : i32
      %parallel_loop3A_130 = arith.shrsi %parallel_loop3A_128, %parallel_loop3A_129 : i32
      %parallel_loop3A_131 = arith.constant 15 : i32
      %parallel_loop3A_132 = arith.andi %parallel_loop3A_128, %parallel_loop3A_131 : i32
      %parallel_loop3A_133 = arith.constant 16 : i32
      %parallel_loop3A_134 = arith.muli %parallel_loop3A_133, %parallel_loop3A_130 : i32
      %parallel_loop3A_135 = arith.constant 0 : i32
      %parallel_loop3A_136 = tpu.memref_slice %arg6[%parallel_loop3A_5, %parallel_loop3A_135] : memref<200x128xi32, #tpu.memory_space<vmem>> -> memref<1x128xi32, #tpu.memory_space<vmem>>
      %parallel_loop3A_137 = tpu.memref_squeeze %parallel_loop3A_136 : memref<1x128xi32, #tpu.memory_space<vmem>> -> memref<128xi32, #tpu.memory_space<vmem>>
      %parallel_loop3A_138 = arith.index_cast %parallel_loop3A_134 : i32 to index
      %parallel_loop3A_139 = tpu.vector_load %parallel_loop3A_137[%parallel_loop3A_138] {strides = array<i32>} : memref<128xi32, #tpu.memory_space<vmem>>, vector<16xi32>,
      %parallel_loop3A_140 = arith.constant 16 : i32
      %parallel_loop3A_141 = arith.muli %parallel_loop3A_140, %parallel_loop3A_130 : i32
      %parallel_loop3A_142 = vector.broadcast %parallel_loop3A_141 : i32 to vector<16xi32>
      %parallel_loop3A_143 = arith.addi %iota3A, %parallel_loop3A_142 : vector<16xi32>
      %parallel_loop3A_144 = vector.broadcast %parallel_loop3A_132 : i32 to vector<16xi32>
      %parallel_loop3A_145 = arith.addi %iota3A, %parallel_loop3A_144 : vector<16xi32>
      %parallel_loop3A_146 = arith.constant 15 : i32
      %parallel_loop3A_147 = vector.broadcast %parallel_loop3A_146 : i32 to vector<16xi32>
      %parallel_loop3A_148 = arith.andi %parallel_loop3A_145, %parallel_loop3A_147 : vector<16xi32>
      %parallel_loop3A_149 = arith.constant 3 : i32
      %parallel_loop3A_150 = vector.broadcast %parallel_loop3A_149 : i32 to vector<16xi32>
      %parallel_loop3A_151 = arith.shrsi %parallel_loop3A_148, %parallel_loop3A_150 : vector<16xi32>
      %parallel_loop3A_152 = arith.constant 7 : i32
      %parallel_loop3A_153 = vector.broadcast %parallel_loop3A_152 : i32 to vector<16xi32>
      %parallel_loop3A_154 = arith.andi %parallel_loop3A_148, %parallel_loop3A_153 : vector<16xi32>
      %parallel_loop3A_155 = arith.constant 0 : i32
      %parallel_loop3A_156 = vector.broadcast %parallel_loop3A_155 : i32 to vector<16xi32>
      %parallel_loop3A_157 = arith.addi %parallel_loop3A_148, %parallel_loop3A_156 : vector<16xi32>
      %parallel_loop3A_158 = tpu.vector_load_idx %arg5[%parallel_loop3A_139, %parallel_loop3A_157] : memref<1024x64xf32, #tpu.memory_space<vmem>>[vector<16xi32>, vector<16xi32>], vector<16xf32>,
      %parallel_loop3A_159 = arith.constant 0 : i32
      %parallel_loop3A_160 = vector.broadcast %parallel_loop3A_159 : i32 to vector<16xi32>
      %parallel_loop3A_161 = arith.addi %parallel_loop3A_151, %parallel_loop3A_160 : vector<16xi32>
      %parallel_loop3A_162 = arith.constant 0 : i32
      %parallel_loop3A_163 = arith.constant 0 : i32
      %parallel_loop3A_164 = arith.constant 0 : i32
      %parallel_loop3A_165 = tpu.memref_slice %arg7[%parallel_loop3A_6, %parallel_loop3A_7, %parallel_loop3A_162, %parallel_loop3A_163, %parallel_loop3A_164] : memref<2x2x8x8x128xf32, #tpu.memory_space<vmem>> -> memref<1x1x8x8x128xf32, #tpu.memory_space<vmem>>
      %parallel_loop3A_166 = tpu.memref_squeeze %parallel_loop3A_165 : memref<1x1x8x8x128xf32, #tpu.memory_space<vmem>> -> memref<8x8x128xf32, #tpu.memory_space<vmem>>
      tpu.vector_store_idx %parallel_loop3A_166[%parallel_loop3A_161, %parallel_loop3A_154, %parallel_loop3A_143], %parallel_loop3A_158 : memref<8x8x128xf32, #tpu.memory_space<vmem>>[vector<16xi32>, vector<16xi32>, vector<16xi32>], vector<16xf32>,
      %parallel_loop3A_167 = arith.constant 16 : i32
      %parallel_loop3A_168 = vector.broadcast %parallel_loop3A_167 : i32 to vector<16xi32>
      %parallel_loop3A_169 = arith.addi %parallel_loop3A_148, %parallel_loop3A_168 : vector<16xi32>
      %parallel_loop3A_170 = tpu.vector_load_idx %arg5[%parallel_loop3A_139, %parallel_loop3A_169] : memref<1024x64xf32, #tpu.memory_space<vmem>>[vector<16xi32>, vector<16xi32>], vector<16xf32>,
      %parallel_loop3A_171 = arith.constant 2 : i32
      %parallel_loop3A_172 = vector.broadcast %parallel_loop3A_171 : i32 to vector<16xi32>
      %parallel_loop3A_173 = arith.addi %parallel_loop3A_151, %parallel_loop3A_172 : vector<16xi32>
      %parallel_loop3A_174 = arith.constant 0 : i32
      %parallel_loop3A_175 = arith.constant 0 : i32
      %parallel_loop3A_176 = arith.constant 0 : i32
      %parallel_loop3A_177 = tpu.memref_slice %arg7[%parallel_loop3A_6, %parallel_loop3A_7, %parallel_loop3A_174, %parallel_loop3A_175, %parallel_loop3A_176] : memref<2x2x8x8x128xf32, #tpu.memory_space<vmem>> -> memref<1x1x8x8x128xf32, #tpu.memory_space<vmem>>
      %parallel_loop3A_178 = tpu.memref_squeeze %parallel_loop3A_177 : memref<1x1x8x8x128xf32, #tpu.memory_space<vmem>> -> memref<8x8x128xf32, #tpu.memory_space<vmem>>
      tpu.vector_store_idx %parallel_loop3A_178[%parallel_loop3A_173, %parallel_loop3A_154, %parallel_loop3A_143], %parallel_loop3A_170 : memref<8x8x128xf32, #tpu.memory_space<vmem>>[vector<16xi32>, vector<16xi32>, vector<16xi32>], vector<16xf32>,
      %parallel_loop3A_179 = arith.constant 32 : i32
      %parallel_loop3A_180 = vector.broadcast %parallel_loop3A_179 : i32 to vector<16xi32>
      %parallel_loop3A_181 = arith.addi %parallel_loop3A_148, %parallel_loop3A_180 : vector<16xi32>
      %parallel_loop3A_182 = tpu.vector_load_idx %arg5[%parallel_loop3A_139, %parallel_loop3A_181] : memref<1024x64xf32, #tpu.memory_space<vmem>>[vector<16xi32>, vector<16xi32>], vector<16xf32>,
      %parallel_loop3A_183 = arith.constant 4 : i32
      %parallel_loop3A_184 = vector.broadcast %parallel_loop3A_183 : i32 to vector<16xi32>
      %parallel_loop3A_185 = arith.addi %parallel_loop3A_151, %parallel_loop3A_184 : vector<16xi32>
      %parallel_loop3A_186 = arith.constant 0 : i32
      %parallel_loop3A_187 = arith.constant 0 : i32
      %parallel_loop3A_188 = arith.constant 0 : i32
      %parallel_loop3A_189 = tpu.memref_slice %arg7[%parallel_loop3A_6, %parallel_loop3A_7, %parallel_loop3A_186, %parallel_loop3A_187, %parallel_loop3A_188] : memref<2x2x8x8x128xf32, #tpu.memory_space<vmem>> -> memref<1x1x8x8x128xf32, #tpu.memory_space<vmem>>
      %parallel_loop3A_190 = tpu.memref_squeeze %parallel_loop3A_189 : memref<1x1x8x8x128xf32, #tpu.memory_space<vmem>> -> memref<8x8x128xf32, #tpu.memory_space<vmem>>
      tpu.vector_store_idx %parallel_loop3A_190[%parallel_loop3A_185, %parallel_loop3A_154, %parallel_loop3A_143], %parallel_loop3A_182 : memref<8x8x128xf32, #tpu.memory_space<vmem>>[vector<16xi32>, vector<16xi32>, vector<16xi32>], vector<16xf32>,
      %parallel_loop3A_191 = arith.constant 48 : i32
      %parallel_loop3A_192 = vector.broadcast %parallel_loop3A_191 : i32 to vector<16xi32>
      %parallel_loop3A_193 = arith.addi %parallel_loop3A_148, %parallel_loop3A_192 : vector<16xi32>
      %parallel_loop3A_194 = tpu.vector_load_idx %arg5[%parallel_loop3A_139, %parallel_loop3A_193] : memref<1024x64xf32, #tpu.memory_space<vmem>>[vector<16xi32>, vector<16xi32>], vector<16xf32>,
      %parallel_loop3A_195 = arith.constant 6 : i32
      %parallel_loop3A_196 = vector.broadcast %parallel_loop3A_195 : i32 to vector<16xi32>
      %parallel_loop3A_197 = arith.addi %parallel_loop3A_151, %parallel_loop3A_196 : vector<16xi32>
      %parallel_loop3A_198 = arith.constant 0 : i32
      %parallel_loop3A_199 = arith.constant 0 : i32
      %parallel_loop3A_200 = arith.constant 0 : i32
      %parallel_loop3A_201 = tpu.memref_slice %arg7[%parallel_loop3A_6, %parallel_loop3A_7, %parallel_loop3A_198, %parallel_loop3A_199, %parallel_loop3A_200] : memref<2x2x8x8x128xf32, #tpu.memory_space<vmem>> -> memref<1x1x8x8x128xf32, #tpu.memory_space<vmem>>
      %parallel_loop3A_202 = tpu.memref_squeeze %parallel_loop3A_201 : memref<1x1x8x8x128xf32, #tpu.memory_space<vmem>> -> memref<8x8x128xf32, #tpu.memory_space<vmem>>
      tpu.vector_store_idx %parallel_loop3A_202[%parallel_loop3A_197, %parallel_loop3A_154, %parallel_loop3A_143], %parallel_loop3A_194 : memref<8x8x128xf32, #tpu.memory_space<vmem>>[vector<16xi32>, vector<16xi32>, vector<16xi32>], vector<16xf32>,
    } {sc.loop_unroll_factor = 4 : i64, sc.parallel_access}
    %parallel_loop3A_8 = arith.constant 0 : i32
    %parallel_loop3A_9 = arith.constant 128 : i32
    %parallel_loop3A_10 = arith.constant 1 : i32
    %parallel_loop3A_11 = arith.constant 1 : i32
    %parallel_loop3A_12 = arith.constant 0 : i32
    %parallel_loop3A_13 = arith.constant 1 : i32
    scf.for %parallel_loop3A_128 = %parallel_loop3A_8 to %parallel_loop3A_9 step %parallel_loop3A_10  : i32 {
      %parallel_loop3A_129 = arith.constant 4 : i32
      %parallel_loop3A_130 = arith.shrsi %parallel_loop3A_128, %parallel_loop3A_129 : i32
      %parallel_loop3A_131 = arith.constant 15 : i32
      %parallel_loop3A_132 = arith.andi %parallel_loop3A_128, %parallel_loop3A_131 : i32
      %parallel_loop3A_133 = arith.constant 16 : i32
      %parallel_loop3A_134 = arith.muli %parallel_loop3A_133, %parallel_loop3A_130 : i32
      %parallel_loop3A_135 = arith.constant 0 : i32
      %parallel_loop3A_136 = tpu.memref_slice %arg6[%parallel_loop3A_11, %parallel_loop3A_135] : memref<200x128xi32, #tpu.memory_space<vmem>> -> memref<1x128xi32, #tpu.memory_space<vmem>>
      %parallel_loop3A_137 = tpu.memref_squeeze %parallel_loop3A_136 : memref<1x128xi32, #tpu.memory_space<vmem>> -> memref<128xi32, #tpu.memory_space<vmem>>
      %parallel_loop3A_138 = arith.index_cast %parallel_loop3A_134 : i32 to index
      %parallel_loop3A_139 = tpu.vector_load %parallel_loop3A_137[%parallel_loop3A_138] {strides = array<i32>} : memref<128xi32, #tpu.memory_space<vmem>>, vector<16xi32>,
      %parallel_loop3A_140 = arith.constant 16 : i32
      %parallel_loop3A_141 = arith.muli %parallel_loop3A_140, %parallel_loop3A_130 : i32
      %parallel_loop3A_142 = vector.broadcast %parallel_loop3A_141 : i32 to vector<16xi32>
      %parallel_loop3A_143 = arith.addi %iota3A, %parallel_loop3A_142 : vector<16xi32>
      %parallel_loop3A_144 = vector.broadcast %parallel_loop3A_132 : i32 to vector<16xi32>
      %parallel_loop3A_145 = arith.addi %iota3A, %parallel_loop3A_144 : vector<16xi32>
      %parallel_loop3A_146 = arith.constant 15 : i32
      %parallel_loop3A_147 = vector.broadcast %parallel_loop3A_146 : i32 to vector<16xi32>
      %parallel_loop3A_148 = arith.andi %parallel_loop3A_145, %parallel_loop3A_147 : vector<16xi32>
      %parallel_loop3A_149 = arith.constant 3 : i32
      %parallel_loop3A_150 = vector.broadcast %parallel_loop3A_149 : i32 to vector<16xi32>
      %parallel_loop3A_151 = arith.shrsi %parallel_loop3A_148, %parallel_loop3A_150 : vector<16xi32>
      %parallel_loop3A_152 = arith.constant 7 : i32
      %parallel_loop3A_153 = vector.broadcast %parallel_loop3A_152 : i32 to vector<16xi32>
      %parallel_loop3A_154 = arith.andi %parallel_loop3A_148, %parallel_loop3A_153 : vector<16xi32>
      %parallel_loop3A_155 = arith.constant 0 : i32
      %parallel_loop3A_156 = vector.broadcast %parallel_loop3A_155 : i32 to vector<16xi32>
      %parallel_loop3A_157 = arith.addi %parallel_loop3A_148, %parallel_loop3A_156 : vector<16xi32>
      %parallel_loop3A_158 = tpu.vector_load_idx %arg5[%parallel_loop3A_139, %parallel_loop3A_157] : memref<1024x64xf32, #tpu.memory_space<vmem>>[vector<16xi32>, vector<16xi32>], vector<16xf32>,
      %parallel_loop3A_159 = arith.constant 0 : i32
      %parallel_loop3A_160 = vector.broadcast %parallel_loop3A_159 : i32 to vector<16xi32>
      %parallel_loop3A_161 = arith.addi %parallel_loop3A_151, %parallel_loop3A_160 : vector<16xi32>
      %parallel_loop3A_162 = arith.constant 0 : i32
      %parallel_loop3A_163 = arith.constant 0 : i32
      %parallel_loop3A_164 = arith.constant 0 : i32
      %parallel_loop3A_165 = tpu.memref_slice %arg7[%parallel_loop3A_12, %parallel_loop3A_13, %parallel_loop3A_162, %parallel_loop3A_163, %parallel_loop3A_164] : memref<2x2x8x8x128xf32, #tpu.memory_space<vmem>> -> memref<1x1x8x8x128xf32, #tpu.memory_space<vmem>>
      %parallel_loop3A_166 = tpu.memref_squeeze %parallel_loop3A_165 : memref<1x1x8x8x128xf32, #tpu.memory_space<vmem>> -> memref<8x8x128xf32, #tpu.memory_space<vmem>>
      tpu.vector_store_idx %parallel_loop3A_166[%parallel_loop3A_161, %parallel_loop3A_154, %parallel_loop3A_143], %parallel_loop3A_158 : memref<8x8x128xf32, #tpu.memory_space<vmem>>[vector<16xi32>, vector<16xi32>, vector<16xi32>], vector<16xf32>,
      %parallel_loop3A_167 = arith.constant 16 : i32
      %parallel_loop3A_168 = vector.broadcast %parallel_loop3A_167 : i32 to vector<16xi32>
      %parallel_loop3A_169 = arith.addi %parallel_loop3A_148, %parallel_loop3A_168 : vector<16xi32>
      %parallel_loop3A_170 = tpu.vector_load_idx %arg5[%parallel_loop3A_139, %parallel_loop3A_169] : memref<1024x64xf32, #tpu.memory_space<vmem>>[vector<16xi32>, vector<16xi32>], vector<16xf32>,
      %parallel_loop3A_171 = arith.constant 2 : i32
      %parallel_loop3A_172 = vector.broadcast %parallel_loop3A_171 : i32 to vector<16xi32>
      %parallel_loop3A_173 = arith.addi %parallel_loop3A_151, %parallel_loop3A_172 : vector<16xi32>
      %parallel_loop3A_174 = arith.constant 0 : i32
      %parallel_loop3A_175 = arith.constant 0 : i32
      %parallel_loop3A_176 = arith.constant 0 : i32
      %parallel_loop3A_177 = tpu.memref_slice %arg7[%parallel_loop3A_12, %parallel_loop3A_13, %parallel_loop3A_174, %parallel_loop3A_175, %parallel_loop3A_176] : memref<2x2x8x8x128xf32, #tpu.memory_space<vmem>> -> memref<1x1x8x8x128xf32, #tpu.memory_space<vmem>>
      %parallel_loop3A_178 = tpu.memref_squeeze %parallel_loop3A_177 : memref<1x1x8x8x128xf32, #tpu.memory_space<vmem>> -> memref<8x8x128xf32, #tpu.memory_space<vmem>>
      tpu.vector_store_idx %parallel_loop3A_178[%parallel_loop3A_173, %parallel_loop3A_154, %parallel_loop3A_143], %parallel_loop3A_170 : memref<8x8x128xf32, #tpu.memory_space<vmem>>[vector<16xi32>, vector<16xi32>, vector<16xi32>], vector<16xf32>,
      %parallel_loop3A_179 = arith.constant 32 : i32
      %parallel_loop3A_180 = vector.broadcast %parallel_loop3A_179 : i32 to vector<16xi32>
      %parallel_loop3A_181 = arith.addi %parallel_loop3A_148, %parallel_loop3A_180 : vector<16xi32>
      %parallel_loop3A_182 = tpu.vector_load_idx %arg5[%parallel_loop3A_139, %parallel_loop3A_181] : memref<1024x64xf32, #tpu.memory_space<vmem>>[vector<16xi32>, vector<16xi32>], vector<16xf32>,
      %parallel_loop3A_183 = arith.constant 4 : i32
      %parallel_loop3A_184 = vector.broadcast %parallel_loop3A_183 : i32 to vector<16xi32>
      %parallel_loop3A_185 = arith.addi %parallel_loop3A_151, %parallel_loop3A_184 : vector<16xi32>
      %parallel_loop3A_186 = arith.constant 0 : i32
      %parallel_loop3A_187 = arith.constant 0 : i32
      %parallel_loop3A_188 = arith.constant 0 : i32
      %parallel_loop3A_189 = tpu.memref_slice %arg7[%parallel_loop3A_12, %parallel_loop3A_13, %parallel_loop3A_186, %parallel_loop3A_187, %parallel_loop3A_188] : memref<2x2x8x8x128xf32, #tpu.memory_space<vmem>> -> memref<1x1x8x8x128xf32, #tpu.memory_space<vmem>>
      %parallel_loop3A_190 = tpu.memref_squeeze %parallel_loop3A_189 : memref<1x1x8x8x128xf32, #tpu.memory_space<vmem>> -> memref<8x8x128xf32, #tpu.memory_space<vmem>>
      tpu.vector_store_idx %parallel_loop3A_190[%parallel_loop3A_185, %parallel_loop3A_154, %parallel_loop3A_143], %parallel_loop3A_182 : memref<8x8x128xf32, #tpu.memory_space<vmem>>[vector<16xi32>, vector<16xi32>, vector<16xi32>], vector<16xf32>,
      %parallel_loop3A_191 = arith.constant 48 : i32
      %parallel_loop3A_192 = vector.broadcast %parallel_loop3A_191 : i32 to vector<16xi32>
      %parallel_loop3A_193 = arith.addi %parallel_loop3A_148, %parallel_loop3A_192 : vector<16xi32>
      %parallel_loop3A_194 = tpu.vector_load_idx %arg5[%parallel_loop3A_139, %parallel_loop3A_193] : memref<1024x64xf32, #tpu.memory_space<vmem>>[vector<16xi32>, vector<16xi32>], vector<16xf32>,
      %parallel_loop3A_195 = arith.constant 6 : i32
      %parallel_loop3A_196 = vector.broadcast %parallel_loop3A_195 : i32 to vector<16xi32>
      %parallel_loop3A_197 = arith.addi %parallel_loop3A_151, %parallel_loop3A_196 : vector<16xi32>
      %parallel_loop3A_198 = arith.constant 0 : i32
      %parallel_loop3A_199 = arith.constant 0 : i32
      %parallel_loop3A_200 = arith.constant 0 : i32
      %parallel_loop3A_201 = tpu.memref_slice %arg7[%parallel_loop3A_12, %parallel_loop3A_13, %parallel_loop3A_198, %parallel_loop3A_199, %parallel_loop3A_200] : memref<2x2x8x8x128xf32, #tpu.memory_space<vmem>> -> memref<1x1x8x8x128xf32, #tpu.memory_space<vmem>>
      %parallel_loop3A_202 = tpu.memref_squeeze %parallel_loop3A_201 : memref<1x1x8x8x128xf32, #tpu.memory_space<vmem>> -> memref<8x8x128xf32, #tpu.memory_space<vmem>>
      tpu.vector_store_idx %parallel_loop3A_202[%parallel_loop3A_197, %parallel_loop3A_154, %parallel_loop3A_143], %parallel_loop3A_194 : memref<8x8x128xf32, #tpu.memory_space<vmem>>[vector<16xi32>, vector<16xi32>, vector<16xi32>], vector<16xf32>,
    } {sc.loop_unroll_factor = 4 : i64, sc.parallel_access}
    %dma_start3A = arith.constant 0 : i32
    %dma_start3A_14 = arith.constant 0 : i32
    %dma_start3A_15 = arith.constant 0 : i32
    %dma_start3A_16 = arith.constant 0 : i32
    %dma_start3A_17 = arith.constant 0 : i32
    %dma_start3A_18 = tpu.memref_slice %arg7[%dma_start3A, %dma_start3A_14, %dma_start3A_15, %dma_start3A_16, %dma_start3A_17] : memref<2x2x8x8x128xf32, #tpu.memory_space<vmem>> -> memref<1x2x8x8x128xf32, #tpu.memory_space<vmem>>
    %dma_start3A_19 = tpu.memref_squeeze %dma_start3A_18 : memref<1x2x8x8x128xf32, #tpu.memory_space<vmem>> -> memref<2x8x8x128xf32, #tpu.memory_space<vmem>>
    %dma_start3A_20 = arith.constant 0 : i32
    %dma_start3A_21 = arith.constant 0 : i32
    %dma_start3A_22 = arith.constant 0 : i32
    %dma_start3A_23 = arith.constant 0 : i32
    %dma_start3A_24 = tpu.memref_slice %arg4[%dma_start3A_20, %dma_start3A_21, %add3A, %dma_start3A_22, %dma_start3A_23] : memref<200x8x32x8x128xf32, #tpu.memory_space<hbm>> -> memref<2x8x1x8x128xf32, #tpu.memory_space<hbm>>
    %dma_start3A_25 = tpu.memref_squeeze %dma_start3A_24 : memref<2x8x1x8x128xf32, #tpu.memory_space<hbm>> -> memref<2x8x8x128xf32, #tpu.memory_space<hbm>>
    %dma_start3A_26 = arith.constant 0 : i32
    %dma_start3A_27 = arith.constant 0 : i32
    %dma_start3A_28 = arith.constant 0 : i32
    %dma_start3A_29 = arith.constant 0 : i32
    %dma_start3A_30 = tpu.memref_slice %arg4[%dma_start3A_26, %dma_start3A_27, %add3A, %dma_start3A_28, %dma_start3A_29] : memref<200x8x32x8x128xf32, #tpu.memory_space<hbm>> -> memref<2x8x1x8x128xf32, #tpu.memory_space<hbm>>
    %dma_start3A_31 = tpu.memref_squeeze %dma_start3A_30 : memref<2x8x1x8x128xf32, #tpu.memory_space<hbm>> -> memref<2x8x8x128xf32, #tpu.memory_space<hbm>>
    %dma_start3A_32 = arith.constant 0 : i32
    %dma_start3A_33 = arith.constant 0 : i32
    %dma_start3A_34 = arith.constant 0 : i32
    %dma_start3A_35 = arith.constant 0 : i32
    %dma_start3A_36 = tpu.memref_slice %arg7[%dma_start3A, %dma_start3A_32, %dma_start3A_33, %dma_start3A_34, %dma_start3A_35] : memref<2x2x8x8x128xf32, #tpu.memory_space<vmem>> -> memref<1x2x8x8x128xf32, #tpu.memory_space<vmem>>
    %dma_start3A_37 = tpu.memref_squeeze %dma_start3A_36 : memref<1x2x8x8x128xf32, #tpu.memory_space<vmem>> -> memref<2x8x8x128xf32, #tpu.memory_space<vmem>>
    tpu.enqueue_dma source(%dma_start3A_37 : memref<2x8x8x128xf32, #tpu.memory_space<vmem>>) target(%dma_start3A_31 : memref<2x8x8x128xf32, #tpu.memory_space<hbm>>) target_semaphore(%arg8 : memref<!tpu.dma_semaphore, #tpu.memory_space<semaphore_mem>>)
    %parallel_loop3A_38 = arith.constant 0 : i32
    %parallel_loop3A_39 = arith.constant 128 : i32
    %parallel_loop3A_40 = arith.constant 1 : i32
    %parallel_loop3A_41 = arith.constant 2 : i32
    %parallel_loop3A_42 = arith.constant 1 : i32
    %parallel_loop3A_43 = arith.constant 0 : i32
    scf.for %parallel_loop3A_128 = %parallel_loop3A_38 to %parallel_loop3A_39 step %parallel_loop3A_40  : i32 {
      %parallel_loop3A_129 = arith.constant 4 : i32
      %parallel_loop3A_130 = arith.shrsi %parallel_loop3A_128, %parallel_loop3A_129 : i32
      %parallel_loop3A_131 = arith.constant 15 : i32
      %parallel_loop3A_132 = arith.andi %parallel_loop3A_128, %parallel_loop3A_131 : i32
      %parallel_loop3A_133 = arith.constant 16 : i32
      %parallel_loop3A_134 = arith.muli %parallel_loop3A_133, %parallel_loop3A_130 : i32
      %parallel_loop3A_135 = arith.constant 0 : i32
      %parallel_loop3A_136 = tpu.memref_slice %arg6[%parallel_loop3A_41, %parallel_loop3A_135] : memref<200x128xi32, #tpu.memory_space<vmem>> -> memref<1x128xi32, #tpu.memory_space<vmem>>
      %parallel_loop3A_137 = tpu.memref_squeeze %parallel_loop3A_136 : memref<1x128xi32, #tpu.memory_space<vmem>> -> memref<128xi32, #tpu.memory_space<vmem>>
      %parallel_loop3A_138 = arith.index_cast %parallel_loop3A_134 : i32 to index
      %parallel_loop3A_139 = tpu.vector_load %parallel_loop3A_137[%parallel_loop3A_138] {strides = array<i32>} : memref<128xi32, #tpu.memory_space<vmem>>, vector<16xi32>,
      %parallel_loop3A_140 = arith.constant 16 : i32
      %parallel_loop3A_141 = arith.muli %parallel_loop3A_140, %parallel_loop3A_130 : i32
      %parallel_loop3A_142 = vector.broadcast %parallel_loop3A_141 : i32 to vector<16xi32>
      %parallel_loop3A_143 = arith.addi %iota3A, %parallel_loop3A_142 : vector<16xi32>
      %parallel_loop3A_144 = vector.broadcast %parallel_loop3A_132 : i32 to vector<16xi32>
      %parallel_loop3A_145 = arith.addi %iota3A, %parallel_loop3A_144 : vector<16xi32>
      %parallel_loop3A_146 = arith.constant 15 : i32
      %parallel_loop3A_147 = vector.broadcast %parallel_loop3A_146 : i32 to vector<16xi32>
      %parallel_loop3A_148 = arith.andi %parallel_loop3A_145, %parallel_loop3A_147 : vector<16xi32>
      %parallel_loop3A_149 = arith.constant 3 : i32
      %parallel_loop3A_150 = vector.broadcast %parallel_loop3A_149 : i32 to vector<16xi32>
      %parallel_loop3A_151 = arith.shrsi %parallel_loop3A_148, %parallel_loop3A_150 : vector<16xi32>
      %parallel_loop3A_152 = arith.constant 7 : i32
      %parallel_loop3A_153 = vector.broadcast %parallel_loop3A_152 : i32 to vector<16xi32>
      %parallel_loop3A_154 = arith.andi %parallel_loop3A_148, %parallel_loop3A_153 : vector<16xi32>
      %parallel_loop3A_155 = arith.constant 0 : i32
      %parallel_loop3A_156 = vector.broadcast %parallel_loop3A_155 : i32 to vector<16xi32>
      %parallel_loop3A_157 = arith.addi %parallel_loop3A_148, %parallel_loop3A_156 : vector<16xi32>
      %parallel_loop3A_158 = tpu.vector_load_idx %arg5[%parallel_loop3A_139, %parallel_loop3A_157] : memref<1024x64xf32, #tpu.memory_space<vmem>>[vector<16xi32>, vector<16xi32>], vector<16xf32>,
      %parallel_loop3A_159 = arith.constant 0 : i32
      %parallel_loop3A_160 = vector.broadcast %parallel_loop3A_159 : i32 to vector<16xi32>
      %parallel_loop3A_161 = arith.addi %parallel_loop3A_151, %parallel_loop3A_160 : vector<16xi32>
      %parallel_loop3A_162 = arith.constant 0 : i32
      %parallel_loop3A_163 = arith.constant 0 : i32
      %parallel_loop3A_164 = arith.constant 0 : i32
      %parallel_loop3A_165 = tpu.memref_slice %arg7[%parallel_loop3A_42, %parallel_loop3A_43, %parallel_loop3A_162, %parallel_loop3A_163, %parallel_loop3A_164] : memref<2x2x8x8x128xf32, #tpu.memory_space<vmem>> -> memref<1x1x8x8x128xf32, #tpu.memory_space<vmem>>
      %parallel_loop3A_166 = tpu.memref_squeeze %parallel_loop3A_165 : memref<1x1x8x8x128xf32, #tpu.memory_space<vmem>> -> memref<8x8x128xf32, #tpu.memory_space<vmem>>
      tpu.vector_store_idx %parallel_loop3A_166[%parallel_loop3A_161, %parallel_loop3A_154, %parallel_loop3A_143], %parallel_loop3A_158 : memref<8x8x128xf32, #tpu.memory_space<vmem>>[vector<16xi32>, vector<16xi32>, vector<16xi32>], vector<16xf32>,
      %parallel_loop3A_167 = arith.constant 16 : i32
      %parallel_loop3A_168 = vector.broadcast %parallel_loop3A_167 : i32 to vector<16xi32>
      %parallel_loop3A_169 = arith.addi %parallel_loop3A_148, %parallel_loop3A_168 : vector<16xi32>
      %parallel_loop3A_170 = tpu.vector_load_idx %arg5[%parallel_loop3A_139, %parallel_loop3A_169] : memref<1024x64xf32, #tpu.memory_space<vmem>>[vector<16xi32>, vector<16xi32>], vector<16xf32>,
      %parallel_loop3A_171 = arith.constant 2 : i32
      %parallel_loop3A_172 = vector.broadcast %parallel_loop3A_171 : i32 to vector<16xi32>
      %parallel_loop3A_173 = arith.addi %parallel_loop3A_151, %parallel_loop3A_172 : vector<16xi32>
      %parallel_loop3A_174 = arith.constant 0 : i32
      %parallel_loop3A_175 = arith.constant 0 : i32
      %parallel_loop3A_176 = arith.constant 0 : i32
      %parallel_loop3A_177 = tpu.memref_slice %arg7[%parallel_loop3A_42, %parallel_loop3A_43, %parallel_loop3A_174, %parallel_loop3A_175, %parallel_loop3A_176] : memref<2x2x8x8x128xf32, #tpu.memory_space<vmem>> -> memref<1x1x8x8x128xf32, #tpu.memory_space<vmem>>
      %parallel_loop3A_178 = tpu.memref_squeeze %parallel_loop3A_177 : memref<1x1x8x8x128xf32, #tpu.memory_space<vmem>> -> memref<8x8x128xf32, #tpu.memory_space<vmem>>
      tpu.vector_store_idx %parallel_loop3A_178[%parallel_loop3A_173, %parallel_loop3A_154, %parallel_loop3A_143], %parallel_loop3A_170 : memref<8x8x128xf32, #tpu.memory_space<vmem>>[vector<16xi32>, vector<16xi32>, vector<16xi32>], vector<16xf32>,
      %parallel_loop3A_179 = arith.constant 32 : i32
      %parallel_loop3A_180 = vector.broadcast %parallel_loop3A_179 : i32 to vector<16xi32>
      %parallel_loop3A_181 = arith.addi %parallel_loop3A_148, %parallel_loop3A_180 : vector<16xi32>
      %parallel_loop3A_182 = tpu.vector_load_idx %arg5[%parallel_loop3A_139, %parallel_loop3A_181] : memref<1024x64xf32, #tpu.memory_space<vmem>>[vector<16xi32>, vector<16xi32>], vector<16xf32>,
      %parallel_loop3A_183 = arith.constant 4 : i32
      %parallel_loop3A_184 = vector.broadcast %parallel_loop3A_183 : i32 to vector<16xi32>
      %parallel_loop3A_185 = arith.addi %parallel_loop3A_151, %parallel_loop3A_184 : vector<16xi32>
      %parallel_loop3A_186 = arith.constant 0 : i32
      %parallel_loop3A_187 = arith.constant 0 : i32
      %parallel_loop3A_188 = arith.constant 0 : i32
      %parallel_loop3A_189 = tpu.memref_slice %arg7[%parallel_loop3A_42, %parallel_loop3A_43, %parallel_loop3A_186, %parallel_loop3A_187, %parallel_loop3A_188] : memref<2x2x8x8x128xf32, #tpu.memory_space<vmem>> -> memref<1x1x8x8x128xf32, #tpu.memory_space<vmem>>
      %parallel_loop3A_190 = tpu.memref_squeeze %parallel_loop3A_189 : memref<1x1x8x8x128xf32, #tpu.memory_space<vmem>> -> memref<8x8x128xf32, #tpu.memory_space<vmem>>
      tpu.vector_store_idx %parallel_loop3A_190[%parallel_loop3A_185, %parallel_loop3A_154, %parallel_loop3A_143], %parallel_loop3A_182 : memref<8x8x128xf32, #tpu.memory_space<vmem>>[vector<16xi32>, vector<16xi32>, vector<16xi32>], vector<16xf32>,
      %parallel_loop3A_191 = arith.constant 48 : i32
      %parallel_loop3A_192 = vector.broadcast %parallel_loop3A_191 : i32 to vector<16xi32>
      %parallel_loop3A_193 = arith.addi %parallel_loop3A_148, %parallel_loop3A_192 : vector<16xi32>
      %parallel_loop3A_194 = tpu.vector_load_idx %arg5[%parallel_loop3A_139, %parallel_loop3A_193] : memref<1024x64xf32, #tpu.memory_space<vmem>>[vector<16xi32>, vector<16xi32>], vector<16xf32>,
      %parallel_loop3A_195 = arith.constant 6 : i32
      %parallel_loop3A_196 = vector.broadcast %parallel_loop3A_195 : i32 to vector<16xi32>
      %parallel_loop3A_197 = arith.addi %parallel_loop3A_151, %parallel_loop3A_196 : vector<16xi32>
      %parallel_loop3A_198 = arith.constant 0 : i32
      %parallel_loop3A_199 = arith.constant 0 : i32
      %parallel_loop3A_200 = arith.constant 0 : i32
      %parallel_loop3A_201 = tpu.memref_slice %arg7[%parallel_loop3A_42, %parallel_loop3A_43, %parallel_loop3A_198, %parallel_loop3A_199, %parallel_loop3A_200] : memref<2x2x8x8x128xf32, #tpu.memory_space<vmem>> -> memref<1x1x8x8x128xf32, #tpu.memory_space<vmem>>
      %parallel_loop3A_202 = tpu.memref_squeeze %parallel_loop3A_201 : memref<1x1x8x8x128xf32, #tpu.memory_space<vmem>> -> memref<8x8x128xf32, #tpu.memory_space<vmem>>
      tpu.vector_store_idx %parallel_loop3A_202[%parallel_loop3A_197, %parallel_loop3A_154, %parallel_loop3A_143], %parallel_loop3A_194 : memref<8x8x128xf32, #tpu.memory_space<vmem>>[vector<16xi32>, vector<16xi32>, vector<16xi32>], vector<16xf32>,
    } {sc.loop_unroll_factor = 4 : i64, sc.parallel_access}
    %parallel_loop3A_44 = arith.constant 0 : i32
    %parallel_loop3A_45 = arith.constant 128 : i32
    %parallel_loop3A_46 = arith.constant 1 : i32
    %parallel_loop3A_47 = arith.constant 3 : i32
    %parallel_loop3A_48 = arith.constant 1 : i32
    %parallel_loop3A_49 = arith.constant 1 : i32
    scf.for %parallel_loop3A_128 = %parallel_loop3A_44 to %parallel_loop3A_45 step %parallel_loop3A_46  : i32 {
      %parallel_loop3A_129 = arith.constant 4 : i32
      %parallel_loop3A_130 = arith.shrsi %parallel_loop3A_128, %parallel_loop3A_129 : i32
      %parallel_loop3A_131 = arith.constant 15 : i32
      %parallel_loop3A_132 = arith.andi %parallel_loop3A_128, %parallel_loop3A_131 : i32
      %parallel_loop3A_133 = arith.constant 16 : i32
      %parallel_loop3A_134 = arith.muli %parallel_loop3A_133, %parallel_loop3A_130 : i32
      %parallel_loop3A_135 = arith.constant 0 : i32
      %parallel_loop3A_136 = tpu.memref_slice %arg6[%parallel_loop3A_47, %parallel_loop3A_135] : memref<200x128xi32, #tpu.memory_space<vmem>> -> memref<1x128xi32, #tpu.memory_space<vmem>>
      %parallel_loop3A_137 = tpu.memref_squeeze %parallel_loop3A_136 : memref<1x128xi32, #tpu.memory_space<vmem>> -> memref<128xi32, #tpu.memory_space<vmem>>
      %parallel_loop3A_138 = arith.index_cast %parallel_loop3A_134 : i32 to index
      %parallel_loop3A_139 = tpu.vector_load %parallel_loop3A_137[%parallel_loop3A_138] {strides = array<i32>} : memref<128xi32, #tpu.memory_space<vmem>>, vector<16xi32>,
      %parallel_loop3A_140 = arith.constant 16 : i32
      %parallel_loop3A_141 = arith.muli %parallel_loop3A_140, %parallel_loop3A_130 : i32
      %parallel_loop3A_142 = vector.broadcast %parallel_loop3A_141 : i32 to vector<16xi32>
      %parallel_loop3A_143 = arith.addi %iota3A, %parallel_loop3A_142 : vector<16xi32>
      %parallel_loop3A_144 = vector.broadcast %parallel_loop3A_132 : i32 to vector<16xi32>
      %parallel_loop3A_145 = arith.addi %iota3A, %parallel_loop3A_144 : vector<16xi32>
      %parallel_loop3A_146 = arith.constant 15 : i32
      %parallel_loop3A_147 = vector.broadcast %parallel_loop3A_146 : i32 to vector<16xi32>
      %parallel_loop3A_148 = arith.andi %parallel_loop3A_145, %parallel_loop3A_147 : vector<16xi32>
      %parallel_loop3A_149 = arith.constant 3 : i32
      %parallel_loop3A_150 = vector.broadcast %parallel_loop3A_149 : i32 to vector<16xi32>
      %parallel_loop3A_151 = arith.shrsi %parallel_loop3A_148, %parallel_loop3A_150 : vector<16xi32>
      %parallel_loop3A_152 = arith.constant 7 : i32
      %parallel_loop3A_153 = vector.broadcast %parallel_loop3A_152 : i32 to vector<16xi32>
      %parallel_loop3A_154 = arith.andi %parallel_loop3A_148, %parallel_loop3A_153 : vector<16xi32>
      %parallel_loop3A_155 = arith.constant 0 : i32
      %parallel_loop3A_156 = vector.broadcast %parallel_loop3A_155 : i32 to vector<16xi32>
      %parallel_loop3A_157 = arith.addi %parallel_loop3A_148, %parallel_loop3A_156 : vector<16xi32>
      %parallel_loop3A_158 = tpu.vector_load_idx %arg5[%parallel_loop3A_139, %parallel_loop3A_157] : memref<1024x64xf32, #tpu.memory_space<vmem>>[vector<16xi32>, vector<16xi32>], vector<16xf32>,
      %parallel_loop3A_159 = arith.constant 0 : i32
      %parallel_loop3A_160 = vector.broadcast %parallel_loop3A_159 : i32 to vector<16xi32>
      %parallel_loop3A_161 = arith.addi %parallel_loop3A_151, %parallel_loop3A_160 : vector<16xi32>
      %parallel_loop3A_162 = arith.constant 0 : i32
      %parallel_loop3A_163 = arith.constant 0 : i32
      %parallel_loop3A_164 = arith.constant 0 : i32
      %parallel_loop3A_165 = tpu.memref_slice %arg7[%parallel_loop3A_48, %parallel_loop3A_49, %parallel_loop3A_162, %parallel_loop3A_163, %parallel_loop3A_164] : memref<2x2x8x8x128xf32, #tpu.memory_space<vmem>> -> memref<1x1x8x8x128xf32, #tpu.memory_space<vmem>>
      %parallel_loop3A_166 = tpu.memref_squeeze %parallel_loop3A_165 : memref<1x1x8x8x128xf32, #tpu.memory_space<vmem>> -> memref<8x8x128xf32, #tpu.memory_space<vmem>>
      tpu.vector_store_idx %parallel_loop3A_166[%parallel_loop3A_161, %parallel_loop3A_154, %parallel_loop3A_143], %parallel_loop3A_158 : memref<8x8x128xf32, #tpu.memory_space<vmem>>[vector<16xi32>, vector<16xi32>, vector<16xi32>], vector<16xf32>,
      %parallel_loop3A_167 = arith.constant 16 : i32
      %parallel_loop3A_168 = vector.broadcast %parallel_loop3A_167 : i32 to vector<16xi32>
      %parallel_loop3A_169 = arith.addi %parallel_loop3A_148, %parallel_loop3A_168 : vector<16xi32>
      %parallel_loop3A_170 = tpu.vector_load_idx %arg5[%parallel_loop3A_139, %parallel_loop3A_169] : memref<1024x64xf32, #tpu.memory_space<vmem>>[vector<16xi32>, vector<16xi32>], vector<16xf32>,
      %parallel_loop3A_171 = arith.constant 2 : i32
      %parallel_loop3A_172 = vector.broadcast %parallel_loop3A_171 : i32 to vector<16xi32>
      %parallel_loop3A_173 = arith.addi %parallel_loop3A_151, %parallel_loop3A_172 : vector<16xi32>
      %parallel_loop3A_174 = arith.constant 0 : i32
      %parallel_loop3A_175 = arith.constant 0 : i32
      %parallel_loop3A_176 = arith.constant 0 : i32
      %parallel_loop3A_177 = tpu.memref_slice %arg7[%parallel_loop3A_48, %parallel_loop3A_49, %parallel_loop3A_174, %parallel_loop3A_175, %parallel_loop3A_176] : memref<2x2x8x8x128xf32, #tpu.memory_space<vmem>> -> memref<1x1x8x8x128xf32, #tpu.memory_space<vmem>>
      %parallel_loop3A_178 = tpu.memref_squeeze %parallel_loop3A_177 : memref<1x1x8x8x128xf32, #tpu.memory_space<vmem>> -> memref<8x8x128xf32, #tpu.memory_space<vmem>>
      tpu.vector_store_idx %parallel_loop3A_178[%parallel_loop3A_173, %parallel_loop3A_154, %parallel_loop3A_143], %parallel_loop3A_170 : memref<8x8x128xf32, #tpu.memory_space<vmem>>[vector<16xi32>, vector<16xi32>, vector<16xi32>], vector<16xf32>,
      %parallel_loop3A_179 = arith.constant 32 : i32
      %parallel_loop3A_180 = vector.broadcast %parallel_loop3A_179 : i32 to vector<16xi32>
      %parallel_loop3A_181 = arith.addi %parallel_loop3A_148, %parallel_loop3A_180 : vector<16xi32>
      %parallel_loop3A_182 = tpu.vector_load_idx %arg5[%parallel_loop3A_139, %parallel_loop3A_181] : memref<1024x64xf32, #tpu.memory_space<vmem>>[vector<16xi32>, vector<16xi32>], vector<16xf32>,
      %parallel_loop3A_183 = arith.constant 4 : i32
      %parallel_loop3A_184 = vector.broadcast %parallel_loop3A_183 : i32 to vector<16xi32>
      %parallel_loop3A_185 = arith.addi %parallel_loop3A_151, %parallel_loop3A_184 : vector<16xi32>
      %parallel_loop3A_186 = arith.constant 0 : i32
      %parallel_loop3A_187 = arith.constant 0 : i32
      %parallel_loop3A_188 = arith.constant 0 : i32
      %parallel_loop3A_189 = tpu.memref_slice %arg7[%parallel_loop3A_48, %parallel_loop3A_49, %parallel_loop3A_186, %parallel_loop3A_187, %parallel_loop3A_188] : memref<2x2x8x8x128xf32, #tpu.memory_space<vmem>> -> memref<1x1x8x8x128xf32, #tpu.memory_space<vmem>>
      %parallel_loop3A_190 = tpu.memref_squeeze %parallel_loop3A_189 : memref<1x1x8x8x128xf32, #tpu.memory_space<vmem>> -> memref<8x8x128xf32, #tpu.memory_space<vmem>>
      tpu.vector_store_idx %parallel_loop3A_190[%parallel_loop3A_185, %parallel_loop3A_154, %parallel_loop3A_143], %parallel_loop3A_182 : memref<8x8x128xf32, #tpu.memory_space<vmem>>[vector<16xi32>, vector<16xi32>, vector<16xi32>], vector<16xf32>,
      %parallel_loop3A_191 = arith.constant 48 : i32
      %parallel_loop3A_192 = vector.broadcast %parallel_loop3A_191 : i32 to vector<16xi32>
      %parallel_loop3A_193 = arith.addi %parallel_loop3A_148, %parallel_loop3A_192 : vector<16xi32>
      %parallel_loop3A_194 = tpu.vector_load_idx %arg5[%parallel_loop3A_139, %parallel_loop3A_193] : memref<1024x64xf32, #tpu.memory_space<vmem>>[vector<16xi32>, vector<16xi32>], vector<16xf32>,
      %parallel_loop3A_195 = arith.constant 6 : i32
      %parallel_loop3A_196 = vector.broadcast %parallel_loop3A_195 : i32 to vector<16xi32>
      %parallel_loop3A_197 = arith.addi %parallel_loop3A_151, %parallel_loop3A_196 : vector<16xi32>
      %parallel_loop3A_198 = arith.constant 0 : i32
      %parallel_loop3A_199 = arith.constant 0 : i32
      %parallel_loop3A_200 = arith.constant 0 : i32
      %parallel_loop3A_201 = tpu.memref_slice %arg7[%parallel_loop3A_48, %parallel_loop3A_49, %parallel_loop3A_198, %parallel_loop3A_199, %parallel_loop3A_200] : memref<2x2x8x8x128xf32, #tpu.memory_space<vmem>> -> memref<1x1x8x8x128xf32, #tpu.memory_space<vmem>>
      %parallel_loop3A_202 = tpu.memref_squeeze %parallel_loop3A_201 : memref<1x1x8x8x128xf32, #tpu.memory_space<vmem>> -> memref<8x8x128xf32, #tpu.memory_space<vmem>>
      tpu.vector_store_idx %parallel_loop3A_202[%parallel_loop3A_197, %parallel_loop3A_154, %parallel_loop3A_143], %parallel_loop3A_194 : memref<8x8x128xf32, #tpu.memory_space<vmem>>[vector<16xi32>, vector<16xi32>, vector<16xi32>], vector<16xf32>,
    } {sc.loop_unroll_factor = 4 : i64, sc.parallel_access}
    %dma_start3A_50 = arith.constant 1 : i32
    %dma_start3A_51 = arith.constant 0 : i32
    %dma_start3A_52 = arith.constant 0 : i32
    %dma_start3A_53 = arith.constant 0 : i32
    %dma_start3A_54 = arith.constant 0 : i32
    %dma_start3A_55 = tpu.memref_slice %arg7[%dma_start3A_50, %dma_start3A_51, %dma_start3A_52, %dma_start3A_53, %dma_start3A_54] : memref<2x2x8x8x128xf32, #tpu.memory_space<vmem>> -> memref<1x2x8x8x128xf32, #tpu.memory_space<vmem>>
    %dma_start3A_56 = tpu.memref_squeeze %dma_start3A_55 : memref<1x2x8x8x128xf32, #tpu.memory_space<vmem>> -> memref<2x8x8x128xf32, #tpu.memory_space<vmem>>
    %dma_start3A_57 = arith.constant 2 : i32
    %dma_start3A_58 = arith.constant 0 : i32
    %dma_start3A_59 = arith.constant 0 : i32
    %dma_start3A_60 = arith.constant 0 : i32
    %dma_start3A_61 = tpu.memref_slice %arg4[%dma_start3A_57, %dma_start3A_58, %add3A, %dma_start3A_59, %dma_start3A_60] : memref<200x8x32x8x128xf32, #tpu.memory_space<hbm>> -> memref<2x8x1x8x128xf32, #tpu.memory_space<hbm>>
    %dma_start3A_62 = tpu.memref_squeeze %dma_start3A_61 : memref<2x8x1x8x128xf32, #tpu.memory_space<hbm>> -> memref<2x8x8x128xf32, #tpu.memory_space<hbm>>
    %dma_start3A_63 = arith.constant 2 : i32
    %dma_start3A_64 = arith.constant 0 : i32
    %dma_start3A_65 = arith.constant 0 : i32
    %dma_start3A_66 = arith.constant 0 : i32
    %dma_start3A_67 = tpu.memref_slice %arg4[%dma_start3A_63, %dma_start3A_64, %add3A, %dma_start3A_65, %dma_start3A_66] : memref<200x8x32x8x128xf32, #tpu.memory_space<hbm>> -> memref<2x8x1x8x128xf32, #tpu.memory_space<hbm>>
    %dma_start3A_68 = tpu.memref_squeeze %dma_start3A_67 : memref<2x8x1x8x128xf32, #tpu.memory_space<hbm>> -> memref<2x8x8x128xf32, #tpu.memory_space<hbm>>
    %dma_start3A_69 = arith.constant 0 : i32
    %dma_start3A_70 = arith.constant 0 : i32
    %dma_start3A_71 = arith.constant 0 : i32
    %dma_start3A_72 = arith.constant 0 : i32
    %dma_start3A_73 = tpu.memref_slice %arg7[%dma_start3A_50, %dma_start3A_69, %dma_start3A_70, %dma_start3A_71, %dma_start3A_72] : memref<2x2x8x8x128xf32, #tpu.memory_space<vmem>> -> memref<1x2x8x8x128xf32, #tpu.memory_space<vmem>>
    %dma_start3A_74 = tpu.memref_squeeze %dma_start3A_73 : memref<1x2x8x8x128xf32, #tpu.memory_space<vmem>> -> memref<2x8x8x128xf32, #tpu.memory_space<vmem>>
    tpu.enqueue_dma source(%dma_start3A_74 : memref<2x8x8x128xf32, #tpu.memory_space<vmem>>) target(%dma_start3A_68 : memref<2x8x8x128xf32, #tpu.memory_space<hbm>>) target_semaphore(%arg9 : memref<!tpu.dma_semaphore, #tpu.memory_space<semaphore_mem>>)
    %scan3A = arith.constant 0 : i32
    %scan3A_75 = arith.constant 49 : i32
    %scan3A_76 = arith.addi %scan3A, %scan3A_75 : i32
    %scan3A_77 = arith.constant 1 : i32
    scf.for %scan3A_128 = %scan3A to %scan3A_76 step %scan3A_77  : i32 {
      %mul3A_129 = arith.constant 1 : i32
      %mul3A_130 = arith.muli %scan3A_128, %mul3A_129 : i32
      %add3A_131 = arith.constant 1 : i32
      %add3A_132 = arith.addi %add3A_131, %mul3A_130 : i32
      %mul3A_133 = arith.constant 2 : i32
      %mul3A_134 = arith.muli %mul3A_133, %add3A_132 : i32
      %sub3A = arith.constant 2 : i32
      %sub3A_135 = arith.subi %mul3A_134, %sub3A : i32
      %mul3A_136 = arith.constant 2 : i32
      %mul3A_137 = arith.muli %sub3A_135, %mul3A_136 : i32
      %dma_wait3A_138 = arith.constant 0 : i32
      %dma_wait3A_139 = arith.constant 0 : i32
      %dma_wait3A_140 = arith.constant 0 : i32
      %dma_wait3A_141 = arith.constant 0 : i32
      %dma_wait3A_142 = arith.constant 0 : i32
      %dma_wait3A_143 = tpu.memref_slice %arg7[%dma_wait3A_138, %dma_wait3A_139, %dma_wait3A_140, %dma_wait3A_141, %dma_wait3A_142] : memref<2x2x8x8x128xf32, #tpu.memory_space<vmem>> -> memref<1x2x8x8x128xf32, #tpu.memory_space<vmem>>
      %dma_wait3A_144 = tpu.memref_squeeze %dma_wait3A_143 : memref<1x2x8x8x128xf32, #tpu.memory_space<vmem>> -> memref<2x8x8x128xf32, #tpu.memory_space<vmem>>
      %dma_wait3A_145 = arith.constant 0 : i32
      %dma_wait3A_146 = arith.constant 0 : i32
      %dma_wait3A_147 = arith.constant 0 : i32
      %dma_wait3A_148 = tpu.memref_slice %arg4[%mul3A_137, %dma_wait3A_145, %add3A, %dma_wait3A_146, %dma_wait3A_147] : memref<200x8x32x8x128xf32, #tpu.memory_space<hbm>> -> memref<2x8x1x8x128xf32, #tpu.memory_space<hbm>>
      %dma_wait3A_149 = tpu.memref_squeeze %dma_wait3A_148 : memref<2x8x1x8x128xf32, #tpu.memory_space<hbm>> -> memref<2x8x8x128xf32, #tpu.memory_space<hbm>>
      %dma_wait3A_150 = arith.constant 0 : i32
      %dma_wait3A_151 = arith.constant 0 : i32
      %dma_wait3A_152 = arith.constant 0 : i32
      %dma_wait3A_153 = tpu.memref_slice %arg4[%mul3A_137, %dma_wait3A_150, %add3A, %dma_wait3A_151, %dma_wait3A_152] : memref<200x8x32x8x128xf32, #tpu.memory_space<hbm>> -> memref<2x8x1x8x128xf32, #tpu.memory_space<hbm>>
      %dma_wait3A_154 = tpu.memref_squeeze %dma_wait3A_153 : memref<2x8x1x8x128xf32, #tpu.memory_space<hbm>> -> memref<2x8x8x128xf32, #tpu.memory_space<hbm>>
      %dma_wait3A_155 = arith.constant 0 : i32
      %dma_wait3A_156 = arith.constant 0 : i32
      %dma_wait3A_157 = arith.constant 0 : i32
      %dma_wait3A_158 = arith.constant 0 : i32
      %dma_wait3A_159 = tpu.memref_slice %arg7[%dma_wait3A_138, %dma_wait3A_155, %dma_wait3A_156, %dma_wait3A_157, %dma_wait3A_158] : memref<2x2x8x8x128xf32, #tpu.memory_space<vmem>> -> memref<1x2x8x8x128xf32, #tpu.memory_space<vmem>>
      %dma_wait3A_160 = tpu.memref_squeeze %dma_wait3A_159 : memref<1x2x8x8x128xf32, #tpu.memory_space<vmem>> -> memref<2x8x8x128xf32, #tpu.memory_space<vmem>>
      tpu.wait_dma2 semaphore(%arg8 : memref<!tpu.dma_semaphore, #tpu.memory_space<semaphore_mem>>) src(%dma_wait3A_160 : memref<2x8x8x128xf32, #tpu.memory_space<vmem>>) dst(%dma_wait3A_154 : memref<2x8x8x128xf32, #tpu.memory_space<hbm>>)
      %mul3A_161 = arith.constant 2 : i32
      %mul3A_162 = arith.muli %mul3A_134, %mul3A_161 : i32
      %add3A_163 = arith.constant 0 : i32
      %add3A_164 = arith.addi %mul3A_162, %add3A_163 : i32
      %parallel_loop3A_165 = arith.constant 0 : i32
      %parallel_loop3A_166 = arith.constant 128 : i32
      %parallel_loop3A_167 = arith.constant 1 : i32
      %parallel_loop3A_168 = arith.constant 0 : i32
      %parallel_loop3A_169 = arith.constant 0 : i32
      scf.for %parallel_loop3A_278 = %parallel_loop3A_165 to %parallel_loop3A_166 step %parallel_loop3A_167  : i32 {
        %parallel_loop3A_279 = arith.constant 4 : i32
        %parallel_loop3A_280 = arith.shrsi %parallel_loop3A_278, %parallel_loop3A_279 : i32
        %parallel_loop3A_281 = arith.constant 15 : i32
        %parallel_loop3A_282 = arith.andi %parallel_loop3A_278, %parallel_loop3A_281 : i32
        %parallel_loop3A_283 = arith.constant 16 : i32
        %parallel_loop3A_284 = arith.muli %parallel_loop3A_283, %parallel_loop3A_280 : i32
        %parallel_loop3A_285 = arith.constant 0 : i32
        %parallel_loop3A_286 = tpu.memref_slice %arg6[%add3A_164, %parallel_loop3A_285] : memref<200x128xi32, #tpu.memory_space<vmem>> -> memref<1x128xi32, #tpu.memory_space<vmem>>
        %parallel_loop3A_287 = tpu.memref_squeeze %parallel_loop3A_286 : memref<1x128xi32, #tpu.memory_space<vmem>> -> memref<128xi32, #tpu.memory_space<vmem>>
        %parallel_loop3A_288 = arith.index_cast %parallel_loop3A_284 : i32 to index
        %parallel_loop3A_289 = tpu.vector_load %parallel_loop3A_287[%parallel_loop3A_288] {strides = array<i32>} : memref<128xi32, #tpu.memory_space<vmem>>, vector<16xi32>,
        %parallel_loop3A_290 = arith.constant 16 : i32
        %parallel_loop3A_291 = arith.muli %parallel_loop3A_290, %parallel_loop3A_280 : i32
        %parallel_loop3A_292 = vector.broadcast %parallel_loop3A_291 : i32 to vector<16xi32>
        %parallel_loop3A_293 = arith.addi %iota3A, %parallel_loop3A_292 : vector<16xi32>
        %parallel_loop3A_294 = vector.broadcast %parallel_loop3A_282 : i32 to vector<16xi32>
        %parallel_loop3A_295 = arith.addi %iota3A, %parallel_loop3A_294 : vector<16xi32>
        %parallel_loop3A_296 = arith.constant 15 : i32
        %parallel_loop3A_297 = vector.broadcast %parallel_loop3A_296 : i32 to vector<16xi32>
        %parallel_loop3A_298 = arith.andi %parallel_loop3A_295, %parallel_loop3A_297 : vector<16xi32>
        %parallel_loop3A_299 = arith.constant 3 : i32
        %parallel_loop3A_300 = vector.broadcast %parallel_loop3A_299 : i32 to vector<16xi32>
        %parallel_loop3A_301 = arith.shrsi %parallel_loop3A_298, %parallel_loop3A_300 : vector<16xi32>
        %parallel_loop3A_302 = arith.constant 7 : i32
        %parallel_loop3A_303 = vector.broadcast %parallel_loop3A_302 : i32 to vector<16xi32>
        %parallel_loop3A_304 = arith.andi %parallel_loop3A_298, %parallel_loop3A_303 : vector<16xi32>
        %parallel_loop3A_305 = arith.constant 0 : i32
        %parallel_loop3A_306 = vector.broadcast %parallel_loop3A_305 : i32 to vector<16xi32>
        %parallel_loop3A_307 = arith.addi %parallel_loop3A_298, %parallel_loop3A_306 : vector<16xi32>
        %parallel_loop3A_308 = tpu.vector_load_idx %arg5[%parallel_loop3A_289, %parallel_loop3A_307] : memref<1024x64xf32, #tpu.memory_space<vmem>>[vector<16xi32>, vector<16xi32>], vector<16xf32>,
        %parallel_loop3A_309 = arith.constant 0 : i32
        %parallel_loop3A_310 = vector.broadcast %parallel_loop3A_309 : i32 to vector<16xi32>
        %parallel_loop3A_311 = arith.addi %parallel_loop3A_301, %parallel_loop3A_310 : vector<16xi32>
        %parallel_loop3A_312 = arith.constant 0 : i32
        %parallel_loop3A_313 = arith.constant 0 : i32
        %parallel_loop3A_314 = arith.constant 0 : i32
        %parallel_loop3A_315 = tpu.memref_slice %arg7[%parallel_loop3A_168, %parallel_loop3A_169, %parallel_loop3A_312, %parallel_loop3A_313, %parallel_loop3A_314] : memref<2x2x8x8x128xf32, #tpu.memory_space<vmem>> -> memref<1x1x8x8x128xf32, #tpu.memory_space<vmem>>
        %parallel_loop3A_316 = tpu.memref_squeeze %parallel_loop3A_315 : memref<1x1x8x8x128xf32, #tpu.memory_space<vmem>> -> memref<8x8x128xf32, #tpu.memory_space<vmem>>
        tpu.vector_store_idx %parallel_loop3A_316[%parallel_loop3A_311, %parallel_loop3A_304, %parallel_loop3A_293], %parallel_loop3A_308 : memref<8x8x128xf32, #tpu.memory_space<vmem>>[vector<16xi32>, vector<16xi32>, vector<16xi32>], vector<16xf32>,
        %parallel_loop3A_317 = arith.constant 16 : i32
        %parallel_loop3A_318 = vector.broadcast %parallel_loop3A_317 : i32 to vector<16xi32>
        %parallel_loop3A_319 = arith.addi %parallel_loop3A_298, %parallel_loop3A_318 : vector<16xi32>
        %parallel_loop3A_320 = tpu.vector_load_idx %arg5[%parallel_loop3A_289, %parallel_loop3A_319] : memref<1024x64xf32, #tpu.memory_space<vmem>>[vector<16xi32>, vector<16xi32>], vector<16xf32>,
        %parallel_loop3A_321 = arith.constant 2 : i32
        %parallel_loop3A_322 = vector.broadcast %parallel_loop3A_321 : i32 to vector<16xi32>
        %parallel_loop3A_323 = arith.addi %parallel_loop3A_301, %parallel_loop3A_322 : vector<16xi32>
        %parallel_loop3A_324 = arith.constant 0 : i32
        %parallel_loop3A_325 = arith.constant 0 : i32
        %parallel_loop3A_326 = arith.constant 0 : i32
        %parallel_loop3A_327 = tpu.memref_slice %arg7[%parallel_loop3A_168, %parallel_loop3A_169, %parallel_loop3A_324, %parallel_loop3A_325, %parallel_loop3A_326] : memref<2x2x8x8x128xf32, #tpu.memory_space<vmem>> -> memref<1x1x8x8x128xf32, #tpu.memory_space<vmem>>
        %parallel_loop3A_328 = tpu.memref_squeeze %parallel_loop3A_327 : memref<1x1x8x8x128xf32, #tpu.memory_space<vmem>> -> memref<8x8x128xf32, #tpu.memory_space<vmem>>
        tpu.vector_store_idx %parallel_loop3A_328[%parallel_loop3A_323, %parallel_loop3A_304, %parallel_loop3A_293], %parallel_loop3A_320 : memref<8x8x128xf32, #tpu.memory_space<vmem>>[vector<16xi32>, vector<16xi32>, vector<16xi32>], vector<16xf32>,
        %parallel_loop3A_329 = arith.constant 32 : i32
        %parallel_loop3A_330 = vector.broadcast %parallel_loop3A_329 : i32 to vector<16xi32>
        %parallel_loop3A_331 = arith.addi %parallel_loop3A_298, %parallel_loop3A_330 : vector<16xi32>
        %parallel_loop3A_332 = tpu.vector_load_idx %arg5[%parallel_loop3A_289, %parallel_loop3A_331] : memref<1024x64xf32, #tpu.memory_space<vmem>>[vector<16xi32>, vector<16xi32>], vector<16xf32>,
        %parallel_loop3A_333 = arith.constant 4 : i32
        %parallel_loop3A_334 = vector.broadcast %parallel_loop3A_333 : i32 to vector<16xi32>
        %parallel_loop3A_335 = arith.addi %parallel_loop3A_301, %parallel_loop3A_334 : vector<16xi32>
        %parallel_loop3A_336 = arith.constant 0 : i32
        %parallel_loop3A_337 = arith.constant 0 : i32
        %parallel_loop3A_338 = arith.constant 0 : i32
        %parallel_loop3A_339 = tpu.memref_slice %arg7[%parallel_loop3A_168, %parallel_loop3A_169, %parallel_loop3A_336, %parallel_loop3A_337, %parallel_loop3A_338] : memref<2x2x8x8x128xf32, #tpu.memory_space<vmem>> -> memref<1x1x8x8x128xf32, #tpu.memory_space<vmem>>
        %parallel_loop3A_340 = tpu.memref_squeeze %parallel_loop3A_339 : memref<1x1x8x8x128xf32, #tpu.memory_space<vmem>> -> memref<8x8x128xf32, #tpu.memory_space<vmem>>
        tpu.vector_store_idx %parallel_loop3A_340[%parallel_loop3A_335, %parallel_loop3A_304, %parallel_loop3A_293], %parallel_loop3A_332 : memref<8x8x128xf32, #tpu.memory_space<vmem>>[vector<16xi32>, vector<16xi32>, vector<16xi32>], vector<16xf32>,
        %parallel_loop3A_341 = arith.constant 48 : i32
        %parallel_loop3A_342 = vector.broadcast %parallel_loop3A_341 : i32 to vector<16xi32>
        %parallel_loop3A_343 = arith.addi %parallel_loop3A_298, %parallel_loop3A_342 : vector<16xi32>
        %parallel_loop3A_344 = tpu.vector_load_idx %arg5[%parallel_loop3A_289, %parallel_loop3A_343] : memref<1024x64xf32, #tpu.memory_space<vmem>>[vector<16xi32>, vector<16xi32>], vector<16xf32>,
        %parallel_loop3A_345 = arith.constant 6 : i32
        %parallel_loop3A_346 = vector.broadcast %parallel_loop3A_345 : i32 to vector<16xi32>
        %parallel_loop3A_347 = arith.addi %parallel_loop3A_301, %parallel_loop3A_346 : vector<16xi32>
        %parallel_loop3A_348 = arith.constant 0 : i32
        %parallel_loop3A_349 = arith.constant 0 : i32
        %parallel_loop3A_350 = arith.constant 0 : i32
        %parallel_loop3A_351 = tpu.memref_slice %arg7[%parallel_loop3A_168, %parallel_loop3A_169, %parallel_loop3A_348, %parallel_loop3A_349, %parallel_loop3A_350] : memref<2x2x8x8x128xf32, #tpu.memory_space<vmem>> -> memref<1x1x8x8x128xf32, #tpu.memory_space<vmem>>
        %parallel_loop3A_352 = tpu.memref_squeeze %parallel_loop3A_351 : memref<1x1x8x8x128xf32, #tpu.memory_space<vmem>> -> memref<8x8x128xf32, #tpu.memory_space<vmem>>
        tpu.vector_store_idx %parallel_loop3A_352[%parallel_loop3A_347, %parallel_loop3A_304, %parallel_loop3A_293], %parallel_loop3A_344 : memref<8x8x128xf32, #tpu.memory_space<vmem>>[vector<16xi32>, vector<16xi32>, vector<16xi32>], vector<16xf32>,
      } {sc.loop_unroll_factor = 4 : i64, sc.parallel_access}
      %mul3A_170 = arith.constant 2 : i32
      %mul3A_171 = arith.muli %mul3A_134, %mul3A_170 : i32
      %add3A_172 = arith.constant 1 : i32
      %add3A_173 = arith.addi %mul3A_171, %add3A_172 : i32
      %parallel_loop3A_174 = arith.constant 0 : i32
      %parallel_loop3A_175 = arith.constant 128 : i32
      %parallel_loop3A_176 = arith.constant 1 : i32
      %parallel_loop3A_177 = arith.constant 0 : i32
      %parallel_loop3A_178 = arith.constant 1 : i32
      scf.for %parallel_loop3A_278 = %parallel_loop3A_174 to %parallel_loop3A_175 step %parallel_loop3A_176  : i32 {
        %parallel_loop3A_279 = arith.constant 4 : i32
        %parallel_loop3A_280 = arith.shrsi %parallel_loop3A_278, %parallel_loop3A_279 : i32
        %parallel_loop3A_281 = arith.constant 15 : i32
        %parallel_loop3A_282 = arith.andi %parallel_loop3A_278, %parallel_loop3A_281 : i32
        %parallel_loop3A_283 = arith.constant 16 : i32
        %parallel_loop3A_284 = arith.muli %parallel_loop3A_283, %parallel_loop3A_280 : i32
        %parallel_loop3A_285 = arith.constant 0 : i32
        %parallel_loop3A_286 = tpu.memref_slice %arg6[%add3A_173, %parallel_loop3A_285] : memref<200x128xi32, #tpu.memory_space<vmem>> -> memref<1x128xi32, #tpu.memory_space<vmem>>
        %parallel_loop3A_287 = tpu.memref_squeeze %parallel_loop3A_286 : memref<1x128xi32, #tpu.memory_space<vmem>> -> memref<128xi32, #tpu.memory_space<vmem>>
        %parallel_loop3A_288 = arith.index_cast %parallel_loop3A_284 : i32 to index
        %parallel_loop3A_289 = tpu.vector_load %parallel_loop3A_287[%parallel_loop3A_288] {strides = array<i32>} : memref<128xi32, #tpu.memory_space<vmem>>, vector<16xi32>,
        %parallel_loop3A_290 = arith.constant 16 : i32
        %parallel_loop3A_291 = arith.muli %parallel_loop3A_290, %parallel_loop3A_280 : i32
        %parallel_loop3A_292 = vector.broadcast %parallel_loop3A_291 : i32 to vector<16xi32>
        %parallel_loop3A_293 = arith.addi %iota3A, %parallel_loop3A_292 : vector<16xi32>
        %parallel_loop3A_294 = vector.broadcast %parallel_loop3A_282 : i32 to vector<16xi32>
        %parallel_loop3A_295 = arith.addi %iota3A, %parallel_loop3A_294 : vector<16xi32>
        %parallel_loop3A_296 = arith.constant 15 : i32
        %parallel_loop3A_297 = vector.broadcast %parallel_loop3A_296 : i32 to vector<16xi32>
        %parallel_loop3A_298 = arith.andi %parallel_loop3A_295, %parallel_loop3A_297 : vector<16xi32>
        %parallel_loop3A_299 = arith.constant 3 : i32
        %parallel_loop3A_300 = vector.broadcast %parallel_loop3A_299 : i32 to vector<16xi32>
        %parallel_loop3A_301 = arith.shrsi %parallel_loop3A_298, %parallel_loop3A_300 : vector<16xi32>
        %parallel_loop3A_302 = arith.constant 7 : i32
        %parallel_loop3A_303 = vector.broadcast %parallel_loop3A_302 : i32 to vector<16xi32>
        %parallel_loop3A_304 = arith.andi %parallel_loop3A_298, %parallel_loop3A_303 : vector<16xi32>
        %parallel_loop3A_305 = arith.constant 0 : i32
        %parallel_loop3A_306 = vector.broadcast %parallel_loop3A_305 : i32 to vector<16xi32>
        %parallel_loop3A_307 = arith.addi %parallel_loop3A_298, %parallel_loop3A_306 : vector<16xi32>
        %parallel_loop3A_308 = tpu.vector_load_idx %arg5[%parallel_loop3A_289, %parallel_loop3A_307] : memref<1024x64xf32, #tpu.memory_space<vmem>>[vector<16xi32>, vector<16xi32>], vector<16xf32>,
        %parallel_loop3A_309 = arith.constant 0 : i32
        %parallel_loop3A_310 = vector.broadcast %parallel_loop3A_309 : i32 to vector<16xi32>
        %parallel_loop3A_311 = arith.addi %parallel_loop3A_301, %parallel_loop3A_310 : vector<16xi32>
        %parallel_loop3A_312 = arith.constant 0 : i32
        %parallel_loop3A_313 = arith.constant 0 : i32
        %parallel_loop3A_314 = arith.constant 0 : i32
        %parallel_loop3A_315 = tpu.memref_slice %arg7[%parallel_loop3A_177, %parallel_loop3A_178, %parallel_loop3A_312, %parallel_loop3A_313, %parallel_loop3A_314] : memref<2x2x8x8x128xf32, #tpu.memory_space<vmem>> -> memref<1x1x8x8x128xf32, #tpu.memory_space<vmem>>
        %parallel_loop3A_316 = tpu.memref_squeeze %parallel_loop3A_315 : memref<1x1x8x8x128xf32, #tpu.memory_space<vmem>> -> memref<8x8x128xf32, #tpu.memory_space<vmem>>
        tpu.vector_store_idx %parallel_loop3A_316[%parallel_loop3A_311, %parallel_loop3A_304, %parallel_loop3A_293], %parallel_loop3A_308 : memref<8x8x128xf32, #tpu.memory_space<vmem>>[vector<16xi32>, vector<16xi32>, vector<16xi32>], vector<16xf32>,
        %parallel_loop3A_317 = arith.constant 16 : i32
        %parallel_loop3A_318 = vector.broadcast %parallel_loop3A_317 : i32 to vector<16xi32>
        %parallel_loop3A_319 = arith.addi %parallel_loop3A_298, %parallel_loop3A_318 : vector<16xi32>
        %parallel_loop3A_320 = tpu.vector_load_idx %arg5[%parallel_loop3A_289, %parallel_loop3A_319] : memref<1024x64xf32, #tpu.memory_space<vmem>>[vector<16xi32>, vector<16xi32>], vector<16xf32>,
        %parallel_loop3A_321 = arith.constant 2 : i32
        %parallel_loop3A_322 = vector.broadcast %parallel_loop3A_321 : i32 to vector<16xi32>
        %parallel_loop3A_323 = arith.addi %parallel_loop3A_301, %parallel_loop3A_322 : vector<16xi32>
        %parallel_loop3A_324 = arith.constant 0 : i32
        %parallel_loop3A_325 = arith.constant 0 : i32
        %parallel_loop3A_326 = arith.constant 0 : i32
        %parallel_loop3A_327 = tpu.memref_slice %arg7[%parallel_loop3A_177, %parallel_loop3A_178, %parallel_loop3A_324, %parallel_loop3A_325, %parallel_loop3A_326] : memref<2x2x8x8x128xf32, #tpu.memory_space<vmem>> -> memref<1x1x8x8x128xf32, #tpu.memory_space<vmem>>
        %parallel_loop3A_328 = tpu.memref_squeeze %parallel_loop3A_327 : memref<1x1x8x8x128xf32, #tpu.memory_space<vmem>> -> memref<8x8x128xf32, #tpu.memory_space<vmem>>
        tpu.vector_store_idx %parallel_loop3A_328[%parallel_loop3A_323, %parallel_loop3A_304, %parallel_loop3A_293], %parallel_loop3A_320 : memref<8x8x128xf32, #tpu.memory_space<vmem>>[vector<16xi32>, vector<16xi32>, vector<16xi32>], vector<16xf32>,
        %parallel_loop3A_329 = arith.constant 32 : i32
        %parallel_loop3A_330 = vector.broadcast %parallel_loop3A_329 : i32 to vector<16xi32>
        %parallel_loop3A_331 = arith.addi %parallel_loop3A_298, %parallel_loop3A_330 : vector<16xi32>
        %parallel_loop3A_332 = tpu.vector_load_idx %arg5[%parallel_loop3A_289, %parallel_loop3A_331] : memref<1024x64xf32, #tpu.memory_space<vmem>>[vector<16xi32>, vector<16xi32>], vector<16xf32>,
        %parallel_loop3A_333 = arith.constant 4 : i32
        %parallel_loop3A_334 = vector.broadcast %parallel_loop3A_333 : i32 to vector<16xi32>
        %parallel_loop3A_335 = arith.addi %parallel_loop3A_301, %parallel_loop3A_334 : vector<16xi32>
        %parallel_loop3A_336 = arith.constant 0 : i32
        %parallel_loop3A_337 = arith.constant 0 : i32
        %parallel_loop3A_338 = arith.constant 0 : i32
        %parallel_loop3A_339 = tpu.memref_slice %arg7[%parallel_loop3A_177, %parallel_loop3A_178, %parallel_loop3A_336, %parallel_loop3A_337, %parallel_loop3A_338] : memref<2x2x8x8x128xf32, #tpu.memory_space<vmem>> -> memref<1x1x8x8x128xf32, #tpu.memory_space<vmem>>
        %parallel_loop3A_340 = tpu.memref_squeeze %parallel_loop3A_339 : memref<1x1x8x8x128xf32, #tpu.memory_space<vmem>> -> memref<8x8x128xf32, #tpu.memory_space<vmem>>
        tpu.vector_store_idx %parallel_loop3A_340[%parallel_loop3A_335, %parallel_loop3A_304, %parallel_loop3A_293], %parallel_loop3A_332 : memref<8x8x128xf32, #tpu.memory_space<vmem>>[vector<16xi32>, vector<16xi32>, vector<16xi32>], vector<16xf32>,
        %parallel_loop3A_341 = arith.constant 48 : i32
        %parallel_loop3A_342 = vector.broadcast %parallel_loop3A_341 : i32 to vector<16xi32>
        %parallel_loop3A_343 = arith.addi %parallel_loop3A_298, %parallel_loop3A_342 : vector<16xi32>
        %parallel_loop3A_344 = tpu.vector_load_idx %arg5[%parallel_loop3A_289, %parallel_loop3A_343] : memref<1024x64xf32, #tpu.memory_space<vmem>>[vector<16xi32>, vector<16xi32>], vector<16xf32>,
        %parallel_loop3A_345 = arith.constant 6 : i32
        %parallel_loop3A_346 = vector.broadcast %parallel_loop3A_345 : i32 to vector<16xi32>
        %parallel_loop3A_347 = arith.addi %parallel_loop3A_301, %parallel_loop3A_346 : vector<16xi32>
        %parallel_loop3A_348 = arith.constant 0 : i32
        %parallel_loop3A_349 = arith.constant 0 : i32
        %parallel_loop3A_350 = arith.constant 0 : i32
        %parallel_loop3A_351 = tpu.memref_slice %arg7[%parallel_loop3A_177, %parallel_loop3A_178, %parallel_loop3A_348, %parallel_loop3A_349, %parallel_loop3A_350] : memref<2x2x8x8x128xf32, #tpu.memory_space<vmem>> -> memref<1x1x8x8x128xf32, #tpu.memory_space<vmem>>
        %parallel_loop3A_352 = tpu.memref_squeeze %parallel_loop3A_351 : memref<1x1x8x8x128xf32, #tpu.memory_space<vmem>> -> memref<8x8x128xf32, #tpu.memory_space<vmem>>
        tpu.vector_store_idx %parallel_loop3A_352[%parallel_loop3A_347, %parallel_loop3A_304, %parallel_loop3A_293], %parallel_loop3A_344 : memref<8x8x128xf32, #tpu.memory_space<vmem>>[vector<16xi32>, vector<16xi32>, vector<16xi32>], vector<16xf32>,
      } {sc.loop_unroll_factor = 4 : i64, sc.parallel_access}
      %mul3A_179 = arith.constant 2 : i32
      %mul3A_180 = arith.muli %mul3A_134, %mul3A_179 : i32
      %dma_start3A_181 = arith.constant 0 : i32
      %dma_start3A_182 = arith.constant 0 : i32
      %dma_start3A_183 = arith.constant 0 : i32
      %dma_start3A_184 = arith.constant 0 : i32
      %dma_start3A_185 = arith.constant 0 : i32
      %dma_start3A_186 = tpu.memref_slice %arg7[%dma_start3A_181, %dma_start3A_182, %dma_start3A_183, %dma_start3A_184, %dma_start3A_185] : memref<2x2x8x8x128xf32, #tpu.memory_space<vmem>> -> memref<1x2x8x8x128xf32, #tpu.memory_space<vmem>>
      %dma_start3A_187 = tpu.memref_squeeze %dma_start3A_186 : memref<1x2x8x8x128xf32, #tpu.memory_space<vmem>> -> memref<2x8x8x128xf32, #tpu.memory_space<vmem>>
      %dma_start3A_188 = arith.constant 0 : i32
      %dma_start3A_189 = arith.constant 0 : i32
      %dma_start3A_190 = arith.constant 0 : i32
      %dma_start3A_191 = tpu.memref_slice %arg4[%mul3A_180, %dma_start3A_188, %add3A, %dma_start3A_189, %dma_start3A_190] : memref<200x8x32x8x128xf32, #tpu.memory_space<hbm>> -> memref<2x8x1x8x128xf32, #tpu.memory_space<hbm>>
      %dma_start3A_192 = tpu.memref_squeeze %dma_start3A_191 : memref<2x8x1x8x128xf32, #tpu.memory_space<hbm>> -> memref<2x8x8x128xf32, #tpu.memory_space<hbm>>
      %dma_start3A_193 = arith.constant 0 : i32
      %dma_start3A_194 = arith.constant 0 : i32
      %dma_start3A_195 = arith.constant 0 : i32
      %dma_start3A_196 = tpu.memref_slice %arg4[%mul3A_180, %dma_start3A_193, %add3A, %dma_start3A_194, %dma_start3A_195] : memref<200x8x32x8x128xf32, #tpu.memory_space<hbm>> -> memref<2x8x1x8x128xf32, #tpu.memory_space<hbm>>
      %dma_start3A_197 = tpu.memref_squeeze %dma_start3A_196 : memref<2x8x1x8x128xf32, #tpu.memory_space<hbm>> -> memref<2x8x8x128xf32, #tpu.memory_space<hbm>>
      %dma_start3A_198 = arith.constant 0 : i32
      %dma_start3A_199 = arith.constant 0 : i32
      %dma_start3A_200 = arith.constant 0 : i32
      %dma_start3A_201 = arith.constant 0 : i32
      %dma_start3A_202 = tpu.memref_slice %arg7[%dma_start3A_181, %dma_start3A_198, %dma_start3A_199, %dma_start3A_200, %dma_start3A_201] : memref<2x2x8x8x128xf32, #tpu.memory_space<vmem>> -> memref<1x2x8x8x128xf32, #tpu.memory_space<vmem>>
      %dma_start3A_203 = tpu.memref_squeeze %dma_start3A_202 : memref<1x2x8x8x128xf32, #tpu.memory_space<vmem>> -> memref<2x8x8x128xf32, #tpu.memory_space<vmem>>
      tpu.enqueue_dma source(%dma_start3A_203 : memref<2x8x8x128xf32, #tpu.memory_space<vmem>>) target(%dma_start3A_197 : memref<2x8x8x128xf32, #tpu.memory_space<hbm>>) target_semaphore(%arg8 : memref<!tpu.dma_semaphore, #tpu.memory_space<semaphore_mem>>)
      %sub3A_204 = arith.constant 1 : i32
      %sub3A_205 = arith.subi %mul3A_134, %sub3A_204 : i32
      %mul3A_206 = arith.constant 2 : i32
      %mul3A_207 = arith.muli %sub3A_205, %mul3A_206 : i32
      %dma_wait3A_208 = arith.constant 1 : i32
      %dma_wait3A_209 = arith.constant 0 : i32
      %dma_wait3A_210 = arith.constant 0 : i32
      %dma_wait3A_211 = arith.constant 0 : i32
      %dma_wait3A_212 = arith.constant 0 : i32
      %dma_wait3A_213 = tpu.memref_slice %arg7[%dma_wait3A_208, %dma_wait3A_209, %dma_wait3A_210, %dma_wait3A_211, %dma_wait3A_212] : memref<2x2x8x8x128xf32, #tpu.memory_space<vmem>> -> memref<1x2x8x8x128xf32, #tpu.memory_space<vmem>>
      %dma_wait3A_214 = tpu.memref_squeeze %dma_wait3A_213 : memref<1x2x8x8x128xf32, #tpu.memory_space<vmem>> -> memref<2x8x8x128xf32, #tpu.memory_space<vmem>>
      %dma_wait3A_215 = arith.constant 0 : i32
      %dma_wait3A_216 = arith.constant 0 : i32
      %dma_wait3A_217 = arith.constant 0 : i32
      %dma_wait3A_218 = tpu.memref_slice %arg4[%mul3A_207, %dma_wait3A_215, %add3A, %dma_wait3A_216, %dma_wait3A_217] : memref<200x8x32x8x128xf32, #tpu.memory_space<hbm>> -> memref<2x8x1x8x128xf32, #tpu.memory_space<hbm>>
      %dma_wait3A_219 = tpu.memref_squeeze %dma_wait3A_218 : memref<2x8x1x8x128xf32, #tpu.memory_space<hbm>> -> memref<2x8x8x128xf32, #tpu.memory_space<hbm>>
      %dma_wait3A_220 = arith.constant 0 : i32
      %dma_wait3A_221 = arith.constant 0 : i32
      %dma_wait3A_222 = arith.constant 0 : i32
      %dma_wait3A_223 = tpu.memref_slice %arg4[%mul3A_207, %dma_wait3A_220, %add3A, %dma_wait3A_221, %dma_wait3A_222] : memref<200x8x32x8x128xf32, #tpu.memory_space<hbm>> -> memref<2x8x1x8x128xf32, #tpu.memory_space<hbm>>
      %dma_wait3A_224 = tpu.memref_squeeze %dma_wait3A_223 : memref<2x8x1x8x128xf32, #tpu.memory_space<hbm>> -> memref<2x8x8x128xf32, #tpu.memory_space<hbm>>
      %dma_wait3A_225 = arith.constant 0 : i32
      %dma_wait3A_226 = arith.constant 0 : i32
      %dma_wait3A_227 = arith.constant 0 : i32
      %dma_wait3A_228 = arith.constant 0 : i32
      %dma_wait3A_229 = tpu.memref_slice %arg7[%dma_wait3A_208, %dma_wait3A_225, %dma_wait3A_226, %dma_wait3A_227, %dma_wait3A_228] : memref<2x2x8x8x128xf32, #tpu.memory_space<vmem>> -> memref<1x2x8x8x128xf32, #tpu.memory_space<vmem>>
      %dma_wait3A_230 = tpu.memref_squeeze %dma_wait3A_229 : memref<1x2x8x8x128xf32, #tpu.memory_space<vmem>> -> memref<2x8x8x128xf32, #tpu.memory_space<vmem>>
      tpu.wait_dma2 semaphore(%arg9 : memref<!tpu.dma_semaphore, #tpu.memory_space<semaphore_mem>>) src(%dma_wait3A_230 : memref<2x8x8x128xf32, #tpu.memory_space<vmem>>) dst(%dma_wait3A_224 : memref<2x8x8x128xf32, #tpu.memory_space<hbm>>)
      %add3A_231 = arith.constant 1 : i32
      %add3A_232 = arith.addi %mul3A_134, %add3A_231 : i32
      %mul3A_233 = arith.constant 2 : i32
      %mul3A_234 = arith.muli %add3A_232, %mul3A_233 : i32
      %add3A_235 = arith.constant 0 : i32
      %add3A_236 = arith.addi %mul3A_234, %add3A_235 : i32
      %parallel_loop3A_237 = arith.constant 0 : i32
      %parallel_loop3A_238 = arith.constant 128 : i32
      %parallel_loop3A_239 = arith.constant 1 : i32
      %parallel_loop3A_240 = arith.constant 1 : i32
      %parallel_loop3A_241 = arith.constant 0 : i32
      scf.for %parallel_loop3A_278 = %parallel_loop3A_237 to %parallel_loop3A_238 step %parallel_loop3A_239  : i32 {
        %parallel_loop3A_279 = arith.constant 4 : i32
        %parallel_loop3A_280 = arith.shrsi %parallel_loop3A_278, %parallel_loop3A_279 : i32
        %parallel_loop3A_281 = arith.constant 15 : i32
        %parallel_loop3A_282 = arith.andi %parallel_loop3A_278, %parallel_loop3A_281 : i32
        %parallel_loop3A_283 = arith.constant 16 : i32
        %parallel_loop3A_284 = arith.muli %parallel_loop3A_283, %parallel_loop3A_280 : i32
        %parallel_loop3A_285 = arith.constant 0 : i32
        %parallel_loop3A_286 = tpu.memref_slice %arg6[%add3A_236, %parallel_loop3A_285] : memref<200x128xi32, #tpu.memory_space<vmem>> -> memref<1x128xi32, #tpu.memory_space<vmem>>
        %parallel_loop3A_287 = tpu.memref_squeeze %parallel_loop3A_286 : memref<1x128xi32, #tpu.memory_space<vmem>> -> memref<128xi32, #tpu.memory_space<vmem>>
        %parallel_loop3A_288 = arith.index_cast %parallel_loop3A_284 : i32 to index
        %parallel_loop3A_289 = tpu.vector_load %parallel_loop3A_287[%parallel_loop3A_288] {strides = array<i32>} : memref<128xi32, #tpu.memory_space<vmem>>, vector<16xi32>,
        %parallel_loop3A_290 = arith.constant 16 : i32
        %parallel_loop3A_291 = arith.muli %parallel_loop3A_290, %parallel_loop3A_280 : i32
        %parallel_loop3A_292 = vector.broadcast %parallel_loop3A_291 : i32 to vector<16xi32>
        %parallel_loop3A_293 = arith.addi %iota3A, %parallel_loop3A_292 : vector<16xi32>
        %parallel_loop3A_294 = vector.broadcast %parallel_loop3A_282 : i32 to vector<16xi32>
        %parallel_loop3A_295 = arith.addi %iota3A, %parallel_loop3A_294 : vector<16xi32>
        %parallel_loop3A_296 = arith.constant 15 : i32
        %parallel_loop3A_297 = vector.broadcast %parallel_loop3A_296 : i32 to vector<16xi32>
        %parallel_loop3A_298 = arith.andi %parallel_loop3A_295, %parallel_loop3A_297 : vector<16xi32>
        %parallel_loop3A_299 = arith.constant 3 : i32
        %parallel_loop3A_300 = vector.broadcast %parallel_loop3A_299 : i32 to vector<16xi32>
        %parallel_loop3A_301 = arith.shrsi %parallel_loop3A_298, %parallel_loop3A_300 : vector<16xi32>
        %parallel_loop3A_302 = arith.constant 7 : i32
        %parallel_loop3A_303 = vector.broadcast %parallel_loop3A_302 : i32 to vector<16xi32>
        %parallel_loop3A_304 = arith.andi %parallel_loop3A_298, %parallel_loop3A_303 : vector<16xi32>
        %parallel_loop3A_305 = arith.constant 0 : i32
        %parallel_loop3A_306 = vector.broadcast %parallel_loop3A_305 : i32 to vector<16xi32>
        %parallel_loop3A_307 = arith.addi %parallel_loop3A_298, %parallel_loop3A_306 : vector<16xi32>
        %parallel_loop3A_308 = tpu.vector_load_idx %arg5[%parallel_loop3A_289, %parallel_loop3A_307] : memref<1024x64xf32, #tpu.memory_space<vmem>>[vector<16xi32>, vector<16xi32>], vector<16xf32>,
        %parallel_loop3A_309 = arith.constant 0 : i32
        %parallel_loop3A_310 = vector.broadcast %parallel_loop3A_309 : i32 to vector<16xi32>
        %parallel_loop3A_311 = arith.addi %parallel_loop3A_301, %parallel_loop3A_310 : vector<16xi32>
        %parallel_loop3A_312 = arith.constant 0 : i32
        %parallel_loop3A_313 = arith.constant 0 : i32
        %parallel_loop3A_314 = arith.constant 0 : i32
        %parallel_loop3A_315 = tpu.memref_slice %arg7[%parallel_loop3A_240, %parallel_loop3A_241, %parallel_loop3A_312, %parallel_loop3A_313, %parallel_loop3A_314] : memref<2x2x8x8x128xf32, #tpu.memory_space<vmem>> -> memref<1x1x8x8x128xf32, #tpu.memory_space<vmem>>
        %parallel_loop3A_316 = tpu.memref_squeeze %parallel_loop3A_315 : memref<1x1x8x8x128xf32, #tpu.memory_space<vmem>> -> memref<8x8x128xf32, #tpu.memory_space<vmem>>
        tpu.vector_store_idx %parallel_loop3A_316[%parallel_loop3A_311, %parallel_loop3A_304, %parallel_loop3A_293], %parallel_loop3A_308 : memref<8x8x128xf32, #tpu.memory_space<vmem>>[vector<16xi32>, vector<16xi32>, vector<16xi32>], vector<16xf32>,
        %parallel_loop3A_317 = arith.constant 16 : i32
        %parallel_loop3A_318 = vector.broadcast %parallel_loop3A_317 : i32 to vector<16xi32>
        %parallel_loop3A_319 = arith.addi %parallel_loop3A_298, %parallel_loop3A_318 : vector<16xi32>
        %parallel_loop3A_320 = tpu.vector_load_idx %arg5[%parallel_loop3A_289, %parallel_loop3A_319] : memref<1024x64xf32, #tpu.memory_space<vmem>>[vector<16xi32>, vector<16xi32>], vector<16xf32>,
        %parallel_loop3A_321 = arith.constant 2 : i32
        %parallel_loop3A_322 = vector.broadcast %parallel_loop3A_321 : i32 to vector<16xi32>
        %parallel_loop3A_323 = arith.addi %parallel_loop3A_301, %parallel_loop3A_322 : vector<16xi32>
        %parallel_loop3A_324 = arith.constant 0 : i32
        %parallel_loop3A_325 = arith.constant 0 : i32
        %parallel_loop3A_326 = arith.constant 0 : i32
        %parallel_loop3A_327 = tpu.memref_slice %arg7[%parallel_loop3A_240, %parallel_loop3A_241, %parallel_loop3A_324, %parallel_loop3A_325, %parallel_loop3A_326] : memref<2x2x8x8x128xf32, #tpu.memory_space<vmem>> -> memref<1x1x8x8x128xf32, #tpu.memory_space<vmem>>
        %parallel_loop3A_328 = tpu.memref_squeeze %parallel_loop3A_327 : memref<1x1x8x8x128xf32, #tpu.memory_space<vmem>> -> memref<8x8x128xf32, #tpu.memory_space<vmem>>
        tpu.vector_store_idx %parallel_loop3A_328[%parallel_loop3A_323, %parallel_loop3A_304, %parallel_loop3A_293], %parallel_loop3A_320 : memref<8x8x128xf32, #tpu.memory_space<vmem>>[vector<16xi32>, vector<16xi32>, vector<16xi32>], vector<16xf32>,
        %parallel_loop3A_329 = arith.constant 32 : i32
        %parallel_loop3A_330 = vector.broadcast %parallel_loop3A_329 : i32 to vector<16xi32>
        %parallel_loop3A_331 = arith.addi %parallel_loop3A_298, %parallel_loop3A_330 : vector<16xi32>
        %parallel_loop3A_332 = tpu.vector_load_idx %arg5[%parallel_loop3A_289, %parallel_loop3A_331] : memref<1024x64xf32, #tpu.memory_space<vmem>>[vector<16xi32>, vector<16xi32>], vector<16xf32>,
        %parallel_loop3A_333 = arith.constant 4 : i32
        %parallel_loop3A_334 = vector.broadcast %parallel_loop3A_333 : i32 to vector<16xi32>
        %parallel_loop3A_335 = arith.addi %parallel_loop3A_301, %parallel_loop3A_334 : vector<16xi32>
        %parallel_loop3A_336 = arith.constant 0 : i32
        %parallel_loop3A_337 = arith.constant 0 : i32
        %parallel_loop3A_338 = arith.constant 0 : i32
        %parallel_loop3A_339 = tpu.memref_slice %arg7[%parallel_loop3A_240, %parallel_loop3A_241, %parallel_loop3A_336, %parallel_loop3A_337, %parallel_loop3A_338] : memref<2x2x8x8x128xf32, #tpu.memory_space<vmem>> -> memref<1x1x8x8x128xf32, #tpu.memory_space<vmem>>
        %parallel_loop3A_340 = tpu.memref_squeeze %parallel_loop3A_339 : memref<1x1x8x8x128xf32, #tpu.memory_space<vmem>> -> memref<8x8x128xf32, #tpu.memory_space<vmem>>
        tpu.vector_store_idx %parallel_loop3A_340[%parallel_loop3A_335, %parallel_loop3A_304, %parallel_loop3A_293], %parallel_loop3A_332 : memref<8x8x128xf32, #tpu.memory_space<vmem>>[vector<16xi32>, vector<16xi32>, vector<16xi32>], vector<16xf32>,
        %parallel_loop3A_341 = arith.constant 48 : i32
        %parallel_loop3A_342 = vector.broadcast %parallel_loop3A_341 : i32 to vector<16xi32>
        %parallel_loop3A_343 = arith.addi %parallel_loop3A_298, %parallel_loop3A_342 : vector<16xi32>
        %parallel_loop3A_344 = tpu.vector_load_idx %arg5[%parallel_loop3A_289, %parallel_loop3A_343] : memref<1024x64xf32, #tpu.memory_space<vmem>>[vector<16xi32>, vector<16xi32>], vector<16xf32>,
        %parallel_loop3A_345 = arith.constant 6 : i32
        %parallel_loop3A_346 = vector.broadcast %parallel_loop3A_345 : i32 to vector<16xi32>
        %parallel_loop3A_347 = arith.addi %parallel_loop3A_301, %parallel_loop3A_346 : vector<16xi32>
        %parallel_loop3A_348 = arith.constant 0 : i32
        %parallel_loop3A_349 = arith.constant 0 : i32
        %parallel_loop3A_350 = arith.constant 0 : i32
        %parallel_loop3A_351 = tpu.memref_slice %arg7[%parallel_loop3A_240, %parallel_loop3A_241, %parallel_loop3A_348, %parallel_loop3A_349, %parallel_loop3A_350] : memref<2x2x8x8x128xf32, #tpu.memory_space<vmem>> -> memref<1x1x8x8x128xf32, #tpu.memory_space<vmem>>
        %parallel_loop3A_352 = tpu.memref_squeeze %parallel_loop3A_351 : memref<1x1x8x8x128xf32, #tpu.memory_space<vmem>> -> memref<8x8x128xf32, #tpu.memory_space<vmem>>
        tpu.vector_store_idx %parallel_loop3A_352[%parallel_loop3A_347, %parallel_loop3A_304, %parallel_loop3A_293], %parallel_loop3A_344 : memref<8x8x128xf32, #tpu.memory_space<vmem>>[vector<16xi32>, vector<16xi32>, vector<16xi32>], vector<16xf32>,
      } {sc.loop_unroll_factor = 4 : i64, sc.parallel_access}
      %mul3A_242 = arith.constant 2 : i32
      %mul3A_243 = arith.muli %add3A_232, %mul3A_242 : i32
      %add3A_244 = arith.constant 1 : i32
      %add3A_245 = arith.addi %mul3A_243, %add3A_244 : i32
      %parallel_loop3A_246 = arith.constant 0 : i32
      %parallel_loop3A_247 = arith.constant 128 : i32
      %parallel_loop3A_248 = arith.constant 1 : i32
      %parallel_loop3A_249 = arith.constant 1 : i32
      %parallel_loop3A_250 = arith.constant 1 : i32
      scf.for %parallel_loop3A_278 = %parallel_loop3A_246 to %parallel_loop3A_247 step %parallel_loop3A_248  : i32 {
        %parallel_loop3A_279 = arith.constant 4 : i32
        %parallel_loop3A_280 = arith.shrsi %parallel_loop3A_278, %parallel_loop3A_279 : i32
        %parallel_loop3A_281 = arith.constant 15 : i32
        %parallel_loop3A_282 = arith.andi %parallel_loop3A_278, %parallel_loop3A_281 : i32
        %parallel_loop3A_283 = arith.constant 16 : i32
        %parallel_loop3A_284 = arith.muli %parallel_loop3A_283, %parallel_loop3A_280 : i32
        %parallel_loop3A_285 = arith.constant 0 : i32
        %parallel_loop3A_286 = tpu.memref_slice %arg6[%add3A_245, %parallel_loop3A_285] : memref<200x128xi32, #tpu.memory_space<vmem>> -> memref<1x128xi32, #tpu.memory_space<vmem>>
        %parallel_loop3A_287 = tpu.memref_squeeze %parallel_loop3A_286 : memref<1x128xi32, #tpu.memory_space<vmem>> -> memref<128xi32, #tpu.memory_space<vmem>>
        %parallel_loop3A_288 = arith.index_cast %parallel_loop3A_284 : i32 to index
        %parallel_loop3A_289 = tpu.vector_load %parallel_loop3A_287[%parallel_loop3A_288] {strides = array<i32>} : memref<128xi32, #tpu.memory_space<vmem>>, vector<16xi32>,
        %parallel_loop3A_290 = arith.constant 16 : i32
        %parallel_loop3A_291 = arith.muli %parallel_loop3A_290, %parallel_loop3A_280 : i32
        %parallel_loop3A_292 = vector.broadcast %parallel_loop3A_291 : i32 to vector<16xi32>
        %parallel_loop3A_293 = arith.addi %iota3A, %parallel_loop3A_292 : vector<16xi32>
        %parallel_loop3A_294 = vector.broadcast %parallel_loop3A_282 : i32 to vector<16xi32>
        %parallel_loop3A_295 = arith.addi %iota3A, %parallel_loop3A_294 : vector<16xi32>
        %parallel_loop3A_296 = arith.constant 15 : i32
        %parallel_loop3A_297 = vector.broadcast %parallel_loop3A_296 : i32 to vector<16xi32>
        %parallel_loop3A_298 = arith.andi %parallel_loop3A_295, %parallel_loop3A_297 : vector<16xi32>
        %parallel_loop3A_299 = arith.constant 3 : i32
        %parallel_loop3A_300 = vector.broadcast %parallel_loop3A_299 : i32 to vector<16xi32>
        %parallel_loop3A_301 = arith.shrsi %parallel_loop3A_298, %parallel_loop3A_300 : vector<16xi32>
        %parallel_loop3A_302 = arith.constant 7 : i32
        %parallel_loop3A_303 = vector.broadcast %parallel_loop3A_302 : i32 to vector<16xi32>
        %parallel_loop3A_304 = arith.andi %parallel_loop3A_298, %parallel_loop3A_303 : vector<16xi32>
        %parallel_loop3A_305 = arith.constant 0 : i32
        %parallel_loop3A_306 = vector.broadcast %parallel_loop3A_305 : i32 to vector<16xi32>
        %parallel_loop3A_307 = arith.addi %parallel_loop3A_298, %parallel_loop3A_306 : vector<16xi32>
        %parallel_loop3A_308 = tpu.vector_load_idx %arg5[%parallel_loop3A_289, %parallel_loop3A_307] : memref<1024x64xf32, #tpu.memory_space<vmem>>[vector<16xi32>, vector<16xi32>], vector<16xf32>,
        %parallel_loop3A_309 = arith.constant 0 : i32
        %parallel_loop3A_310 = vector.broadcast %parallel_loop3A_309 : i32 to vector<16xi32>
        %parallel_loop3A_311 = arith.addi %parallel_loop3A_301, %parallel_loop3A_310 : vector<16xi32>
        %parallel_loop3A_312 = arith.constant 0 : i32
        %parallel_loop3A_313 = arith.constant 0 : i32
        %parallel_loop3A_314 = arith.constant 0 : i32
        %parallel_loop3A_315 = tpu.memref_slice %arg7[%parallel_loop3A_249, %parallel_loop3A_250, %parallel_loop3A_312, %parallel_loop3A_313, %parallel_loop3A_314] : memref<2x2x8x8x128xf32, #tpu.memory_space<vmem>> -> memref<1x1x8x8x128xf32, #tpu.memory_space<vmem>>
        %parallel_loop3A_316 = tpu.memref_squeeze %parallel_loop3A_315 : memref<1x1x8x8x128xf32, #tpu.memory_space<vmem>> -> memref<8x8x128xf32, #tpu.memory_space<vmem>>
        tpu.vector_store_idx %parallel_loop3A_316[%parallel_loop3A_311, %parallel_loop3A_304, %parallel_loop3A_293], %parallel_loop3A_308 : memref<8x8x128xf32, #tpu.memory_space<vmem>>[vector<16xi32>, vector<16xi32>, vector<16xi32>], vector<16xf32>,
        %parallel_loop3A_317 = arith.constant 16 : i32
        %parallel_loop3A_318 = vector.broadcast %parallel_loop3A_317 : i32 to vector<16xi32>
        %parallel_loop3A_319 = arith.addi %parallel_loop3A_298, %parallel_loop3A_318 : vector<16xi32>
        %parallel_loop3A_320 = tpu.vector_load_idx %arg5[%parallel_loop3A_289, %parallel_loop3A_319] : memref<1024x64xf32, #tpu.memory_space<vmem>>[vector<16xi32>, vector<16xi32>], vector<16xf32>,
        %parallel_loop3A_321 = arith.constant 2 : i32
        %parallel_loop3A_322 = vector.broadcast %parallel_loop3A_321 : i32 to vector<16xi32>
        %parallel_loop3A_323 = arith.addi %parallel_loop3A_301, %parallel_loop3A_322 : vector<16xi32>
        %parallel_loop3A_324 = arith.constant 0 : i32
        %parallel_loop3A_325 = arith.constant 0 : i32
        %parallel_loop3A_326 = arith.constant 0 : i32
        %parallel_loop3A_327 = tpu.memref_slice %arg7[%parallel_loop3A_249, %parallel_loop3A_250, %parallel_loop3A_324, %parallel_loop3A_325, %parallel_loop3A_326] : memref<2x2x8x8x128xf32, #tpu.memory_space<vmem>> -> memref<1x1x8x8x128xf32, #tpu.memory_space<vmem>>
        %parallel_loop3A_328 = tpu.memref_squeeze %parallel_loop3A_327 : memref<1x1x8x8x128xf32, #tpu.memory_space<vmem>> -> memref<8x8x128xf32, #tpu.memory_space<vmem>>
        tpu.vector_store_idx %parallel_loop3A_328[%parallel_loop3A_323, %parallel_loop3A_304, %parallel_loop3A_293], %parallel_loop3A_320 : memref<8x8x128xf32, #tpu.memory_space<vmem>>[vector<16xi32>, vector<16xi32>, vector<16xi32>], vector<16xf32>,
        %parallel_loop3A_329 = arith.constant 32 : i32
        %parallel_loop3A_330 = vector.broadcast %parallel_loop3A_329 : i32 to vector<16xi32>
        %parallel_loop3A_331 = arith.addi %parallel_loop3A_298, %parallel_loop3A_330 : vector<16xi32>
        %parallel_loop3A_332 = tpu.vector_load_idx %arg5[%parallel_loop3A_289, %parallel_loop3A_331] : memref<1024x64xf32, #tpu.memory_space<vmem>>[vector<16xi32>, vector<16xi32>], vector<16xf32>,
        %parallel_loop3A_333 = arith.constant 4 : i32
        %parallel_loop3A_334 = vector.broadcast %parallel_loop3A_333 : i32 to vector<16xi32>
        %parallel_loop3A_335 = arith.addi %parallel_loop3A_301, %parallel_loop3A_334 : vector<16xi32>
        %parallel_loop3A_336 = arith.constant 0 : i32
        %parallel_loop3A_337 = arith.constant 0 : i32
        %parallel_loop3A_338 = arith.constant 0 : i32
        %parallel_loop3A_339 = tpu.memref_slice %arg7[%parallel_loop3A_249, %parallel_loop3A_250, %parallel_loop3A_336, %parallel_loop3A_337, %parallel_loop3A_338] : memref<2x2x8x8x128xf32, #tpu.memory_space<vmem>> -> memref<1x1x8x8x128xf32, #tpu.memory_space<vmem>>
        %parallel_loop3A_340 = tpu.memref_squeeze %parallel_loop3A_339 : memref<1x1x8x8x128xf32, #tpu.memory_space<vmem>> -> memref<8x8x128xf32, #tpu.memory_space<vmem>>
        tpu.vector_store_idx %parallel_loop3A_340[%parallel_loop3A_335, %parallel_loop3A_304, %parallel_loop3A_293], %parallel_loop3A_332 : memref<8x8x128xf32, #tpu.memory_space<vmem>>[vector<16xi32>, vector<16xi32>, vector<16xi32>], vector<16xf32>,
        %parallel_loop3A_341 = arith.constant 48 : i32
        %parallel_loop3A_342 = vector.broadcast %parallel_loop3A_341 : i32 to vector<16xi32>
        %parallel_loop3A_343 = arith.addi %parallel_loop3A_298, %parallel_loop3A_342 : vector<16xi32>
        %parallel_loop3A_344 = tpu.vector_load_idx %arg5[%parallel_loop3A_289, %parallel_loop3A_343] : memref<1024x64xf32, #tpu.memory_space<vmem>>[vector<16xi32>, vector<16xi32>], vector<16xf32>,
        %parallel_loop3A_345 = arith.constant 6 : i32
        %parallel_loop3A_346 = vector.broadcast %parallel_loop3A_345 : i32 to vector<16xi32>
        %parallel_loop3A_347 = arith.addi %parallel_loop3A_301, %parallel_loop3A_346 : vector<16xi32>
        %parallel_loop3A_348 = arith.constant 0 : i32
        %parallel_loop3A_349 = arith.constant 0 : i32
        %parallel_loop3A_350 = arith.constant 0 : i32
        %parallel_loop3A_351 = tpu.memref_slice %arg7[%parallel_loop3A_249, %parallel_loop3A_250, %parallel_loop3A_348, %parallel_loop3A_349, %parallel_loop3A_350] : memref<2x2x8x8x128xf32, #tpu.memory_space<vmem>> -> memref<1x1x8x8x128xf32, #tpu.memory_space<vmem>>
        %parallel_loop3A_352 = tpu.memref_squeeze %parallel_loop3A_351 : memref<1x1x8x8x128xf32, #tpu.memory_space<vmem>> -> memref<8x8x128xf32, #tpu.memory_space<vmem>>
        tpu.vector_store_idx %parallel_loop3A_352[%parallel_loop3A_347, %parallel_loop3A_304, %parallel_loop3A_293], %parallel_loop3A_344 : memref<8x8x128xf32, #tpu.memory_space<vmem>>[vector<16xi32>, vector<16xi32>, vector<16xi32>], vector<16xf32>,
      } {sc.loop_unroll_factor = 4 : i64, sc.parallel_access}
      %add3A_251 = arith.constant 1 : i32
      %add3A_252 = arith.addi %mul3A_134, %add3A_251 : i32
      %mul3A_253 = arith.constant 2 : i32
      %mul3A_254 = arith.muli %add3A_252, %mul3A_253 : i32
      %dma_start3A_255 = arith.constant 1 : i32
      %dma_start3A_256 = arith.constant 0 : i32
      %dma_start3A_257 = arith.constant 0 : i32
      %dma_start3A_258 = arith.constant 0 : i32
      %dma_start3A_259 = arith.constant 0 : i32
      %dma_start3A_260 = tpu.memref_slice %arg7[%dma_start3A_255, %dma_start3A_256, %dma_start3A_257, %dma_start3A_258, %dma_start3A_259] : memref<2x2x8x8x128xf32, #tpu.memory_space<vmem>> -> memref<1x2x8x8x128xf32, #tpu.memory_space<vmem>>
      %dma_start3A_261 = tpu.memref_squeeze %dma_start3A_260 : memref<1x2x8x8x128xf32, #tpu.memory_space<vmem>> -> memref<2x8x8x128xf32, #tpu.memory_space<vmem>>
      %dma_start3A_262 = arith.constant 0 : i32
      %dma_start3A_263 = arith.constant 0 : i32
      %dma_start3A_264 = arith.constant 0 : i32
      %dma_start3A_265 = tpu.memref_slice %arg4[%mul3A_254, %dma_start3A_262, %add3A, %dma_start3A_263, %dma_start3A_264] : memref<200x8x32x8x128xf32, #tpu.memory_space<hbm>> -> memref<2x8x1x8x128xf32, #tpu.memory_space<hbm>>
      %dma_start3A_266 = tpu.memref_squeeze %dma_start3A_265 : memref<2x8x1x8x128xf32, #tpu.memory_space<hbm>> -> memref<2x8x8x128xf32, #tpu.memory_space<hbm>>
      %dma_start3A_267 = arith.constant 0 : i32
      %dma_start3A_268 = arith.constant 0 : i32
      %dma_start3A_269 = arith.constant 0 : i32
      %dma_start3A_270 = tpu.memref_slice %arg4[%mul3A_254, %dma_start3A_267, %add3A, %dma_start3A_268, %dma_start3A_269] : memref<200x8x32x8x128xf32, #tpu.memory_space<hbm>> -> memref<2x8x1x8x128xf32, #tpu.memory_space<hbm>>
      %dma_start3A_271 = tpu.memref_squeeze %dma_start3A_270 : memref<2x8x1x8x128xf32, #tpu.memory_space<hbm>> -> memref<2x8x8x128xf32, #tpu.memory_space<hbm>>
      %dma_start3A_272 = arith.constant 0 : i32
      %dma_start3A_273 = arith.constant 0 : i32
      %dma_start3A_274 = arith.constant 0 : i32
      %dma_start3A_275 = arith.constant 0 : i32
      %dma_start3A_276 = tpu.memref_slice %arg7[%dma_start3A_255, %dma_start3A_272, %dma_start3A_273, %dma_start3A_274, %dma_start3A_275] : memref<2x2x8x8x128xf32, #tpu.memory_space<vmem>> -> memref<1x2x8x8x128xf32, #tpu.memory_space<vmem>>
      %dma_start3A_277 = tpu.memref_squeeze %dma_start3A_276 : memref<1x2x8x8x128xf32, #tpu.memory_space<vmem>> -> memref<2x8x8x128xf32, #tpu.memory_space<vmem>>
      tpu.enqueue_dma source(%dma_start3A_277 : memref<2x8x8x128xf32, #tpu.memory_space<vmem>>) target(%dma_start3A_271 : memref<2x8x8x128xf32, #tpu.memory_space<hbm>>) target_semaphore(%arg9 : memref<!tpu.dma_semaphore, #tpu.memory_space<semaphore_mem>>)
    }
    %scan3A_78 = arith.constant 49 : i32
    %dma_wait3A = arith.constant 0 : i32
    %dma_wait3A_79 = arith.constant 0 : i32
    %dma_wait3A_80 = arith.constant 0 : i32
    %dma_wait3A_81 = arith.constant 0 : i32
    %dma_wait3A_82 = arith.constant 0 : i32
    %dma_wait3A_83 = tpu.memref_slice %arg7[%dma_wait3A, %dma_wait3A_79, %dma_wait3A_80, %dma_wait3A_81, %dma_wait3A_82] : memref<2x2x8x8x128xf32, #tpu.memory_space<vmem>> -> memref<1x2x8x8x128xf32, #tpu.memory_space<vmem>>
    %dma_wait3A_84 = tpu.memref_squeeze %dma_wait3A_83 : memref<1x2x8x8x128xf32, #tpu.memory_space<vmem>> -> memref<2x8x8x128xf32, #tpu.memory_space<vmem>>
    %dma_wait3A_85 = arith.constant 196 : i32
    %dma_wait3A_86 = arith.constant 0 : i32
    %dma_wait3A_87 = arith.constant 0 : i32
    %dma_wait3A_88 = arith.constant 0 : i32
    %dma_wait3A_89 = tpu.memref_slice %arg4[%dma_wait3A_85, %dma_wait3A_86, %add3A, %dma_wait3A_87, %dma_wait3A_88] : memref<200x8x32x8x128xf32, #tpu.memory_space<hbm>> -> memref<2x8x1x8x128xf32, #tpu.memory_space<hbm>>
    %dma_wait3A_90 = tpu.memref_squeeze %dma_wait3A_89 : memref<2x8x1x8x128xf32, #tpu.memory_space<hbm>> -> memref<2x8x8x128xf32, #tpu.memory_space<hbm>>
    %dma_wait3A_91 = arith.constant 196 : i32
    %dma_wait3A_92 = arith.constant 0 : i32
    %dma_wait3A_93 = arith.constant 0 : i32
    %dma_wait3A_94 = arith.constant 0 : i32
    %dma_wait3A_95 = tpu.memref_slice %arg4[%dma_wait3A_91, %dma_wait3A_92, %add3A, %dma_wait3A_93, %dma_wait3A_94] : memref<200x8x32x8x128xf32, #tpu.memory_space<hbm>> -> memref<2x8x1x8x128xf32, #tpu.memory_space<hbm>>
    %dma_wait3A_96 = tpu.memref_squeeze %dma_wait3A_95 : memref<2x8x1x8x128xf32, #tpu.memory_space<hbm>> -> memref<2x8x8x128xf32, #tpu.memory_space<hbm>>
    %dma_wait3A_97 = arith.constant 0 : i32
    %dma_wait3A_98 = arith.constant 0 : i32
    %dma_wait3A_99 = arith.constant 0 : i32
    %dma_wait3A_100 = arith.constant 0 : i32
    %dma_wait3A_101 = tpu.memref_slice %arg7[%dma_wait3A, %dma_wait3A_97, %dma_wait3A_98, %dma_wait3A_99, %dma_wait3A_100] : memref<2x2x8x8x128xf32, #tpu.memory_space<vmem>> -> memref<1x2x8x8x128xf32, #tpu.memory_space<vmem>>
    %dma_wait3A_102 = tpu.memref_squeeze %dma_wait3A_101 : memref<1x2x8x8x128xf32, #tpu.memory_space<vmem>> -> memref<2x8x8x128xf32, #tpu.memory_space<vmem>>
    tpu.wait_dma2 semaphore(%arg8 : memref<!tpu.dma_semaphore, #tpu.memory_space<semaphore_mem>>) src(%dma_wait3A_102 : memref<2x8x8x128xf32, #tpu.memory_space<vmem>>) dst(%dma_wait3A_96 : memref<2x8x8x128xf32, #tpu.memory_space<hbm>>)
    %dma_wait3A_103 = arith.constant 1 : i32
    %dma_wait3A_104 = arith.constant 0 : i32
    %dma_wait3A_105 = arith.constant 0 : i32
    %dma_wait3A_106 = arith.constant 0 : i32
    %dma_wait3A_107 = arith.constant 0 : i32
    %dma_wait3A_108 = tpu.memref_slice %arg7[%dma_wait3A_103, %dma_wait3A_104, %dma_wait3A_105, %dma_wait3A_106, %dma_wait3A_107] : memref<2x2x8x8x128xf32, #tpu.memory_space<vmem>> -> memref<1x2x8x8x128xf32, #tpu.memory_space<vmem>>
    %dma_wait3A_109 = tpu.memref_squeeze %dma_wait3A_108 : memref<1x2x8x8x128xf32, #tpu.memory_space<vmem>> -> memref<2x8x8x128xf32, #tpu.memory_space<vmem>>
    %dma_wait3A_110 = arith.constant 198 : i32
    %dma_wait3A_111 = arith.constant 0 : i32
    %dma_wait3A_112 = arith.constant 0 : i32
    %dma_wait3A_113 = arith.constant 0 : i32
    %dma_wait3A_114 = tpu.memref_slice %arg4[%dma_wait3A_110, %dma_wait3A_111, %add3A, %dma_wait3A_112, %dma_wait3A_113] : memref<200x8x32x8x128xf32, #tpu.memory_space<hbm>> -> memref<2x8x1x8x128xf32, #tpu.memory_space<hbm>>
    %dma_wait3A_115 = tpu.memref_squeeze %dma_wait3A_114 : memref<2x8x1x8x128xf32, #tpu.memory_space<hbm>> -> memref<2x8x8x128xf32, #tpu.memory_space<hbm>>
    %dma_wait3A_116 = arith.constant 198 : i32
    %dma_wait3A_117 = arith.constant 0 : i32
    %dma_wait3A_118 = arith.constant 0 : i32
    %dma_wait3A_119 = arith.constant 0 : i32
    %dma_wait3A_120 = tpu.memref_slice %arg4[%dma_wait3A_116, %dma_wait3A_117, %add3A, %dma_wait3A_118, %dma_wait3A_119] : memref<200x8x32x8x128xf32, #tpu.memory_space<hbm>> -> memref<2x8x1x8x128xf32, #tpu.memory_space<hbm>>
    %dma_wait3A_121 = tpu.memref_squeeze %dma_wait3A_120 : memref<2x8x1x8x128xf32, #tpu.memory_space<hbm>> -> memref<2x8x8x128xf32, #tpu.memory_space<hbm>>
    %dma_wait3A_122 = arith.constant 0 : i32
    %dma_wait3A_123 = arith.constant 0 : i32
    %dma_wait3A_124 = arith.constant 0 : i32
    %dma_wait3A_125 = arith.constant 0 : i32
    %dma_wait3A_126 = tpu.memref_slice %arg7[%dma_wait3A_103, %dma_wait3A_122, %dma_wait3A_123, %dma_wait3A_124, %dma_wait3A_125] : memref<2x2x8x8x128xf32, #tpu.memory_space<vmem>> -> memref<1x2x8x8x128xf32, #tpu.memory_space<vmem>>
    %dma_wait3A_127 = tpu.memref_squeeze %dma_wait3A_126 : memref<1x2x8x8x128xf32, #tpu.memory_space<vmem>> -> memref<2x8x8x128xf32, #tpu.memory_space<vmem>>
    tpu.wait_dma2 semaphore(%arg9 : memref<!tpu.dma_semaphore, #tpu.memory_space<semaphore_mem>>) src(%dma_wait3A_127 : memref<2x8x8x128xf32, #tpu.memory_space<vmem>>) dst(%dma_wait3A_121 : memref<2x8x8x128xf32, #tpu.memory_space<hbm>>)
    return
  }
}

</mosaic_0001>

<sc_bundles>
// kernel: kernel.3.cloned.1.call-start
scs
__scs_entry_jumppad:
0x0: {  	(pc) =	sbr.rel $0x88, $3  }
0x1: {  	(tag) =	ssettag $0x0;
	lr =	simm.s32 $0x1  }
0x2: {  	[smem:$0x3F9F] =	sst lr;
	_ =	strace $0xD0000000  }
0x3: {  	_ = 	snop  }
0x4: {  	_ = 	snop  }
0x5: {  	_ = 	snop  }
0x6: {  	_ = 	snop  }
0x7: {  	_ = 	snop  }
__scs_overlays_trampoline_lowered:
0x8: {  	[smem:$0x3FAE] =	sst s0  }
0x9: {  	[smem:$0x3FAF] =	sst s1  }
0xa: {  	[smem:$0x3FB0] =	sst s2  }
0xb: {  	[smem:$0x3FB1] =	sst s3  }
0xc: {  	[smem:$0x3FB2] =	sst s4  }
0xd: {  	[smem:$0x3FB3] =	sst s5  }
0xe: {  	[smem:$0x3FB4] =	sst s6  }
0xf: {  	[smem:$0x3FB5] =	sst s7  }
0x10: {  	[smem:$0x3FB6] =	sst s8  }
0x11: {  	[smem:$0x3FB7] =	sst s9;
	s0 =	simm.s32 @!p0 $0x0  }
0x12: {  	s1 =	sld [smem:$0x3F9D];
	s0 =	simm.s32 @p0 $0x1  }
0x13: {  	[smem:$0x3FB8] =	sst s0;
	s0 =	simm.s32 @!p1 $0x0  }
0x14: {  	s2 =	sld [smem:$0x3F9C];
	s0 =	simm.s32 @p1 $0x1  }
0x15: {  	[smem:$0x3FB9] =	sst s0;
	s0 =	simm.s32 @!p2 $0x0  }
0x16: {  	s3 =	sld [smem:$0x3FDB];
	s0 =	simm.s32 @p2 $0x1  }
0x17: {  	s4 =	simm.s32 $0x1BF5;
	[smem:$0x3FBB] =	sst s0  }
0x18: {  	s0 =	sld [smem:$0x3F9E];
	_ =	swait.ge [sflag:s4], $0x0  }
0x19: {  	s7 =	sld [smem:$0x3F9F]  }
0x1a: {  	s8 =	sadd.s32 $0xFFFFE003, lr  }
0x1b: {  	s9 =	sadd.s32 $0xFFFFFEF7, lr;
	s5 =	simm.s32 $0xFFFFFFFF;
	p2 =	slt.u32 s8, $0xFFFFF086  }
0x1c: {  	p1 =	slt.u32 s9, $0xF7A;
	s5 =	simm.s32 @!p2 $0x0  }
0x1d: {  	s5 =	simm.s32 @p1 $0x1;
	p0 =	seq.s32 s7, s2  }
0x1e: {  	s7 =	smul.u32 @!p0 $0xF7A, s2;
	p2 =	seq.s32 @!p0 s5, $0x0  }
0x1f: {  	s9 =	smul.u32 $0xF7A, s1;
	s8 =	simm.s32 @!p0 $0x1BF5;
	p2 =	por !p2, p0  }
0x20: {  	[sflag:s8] =	ssyncset.s32 @!p0 $0xFFFFF086;
	s6 =	sadd.s32 @!p0 s3, s7;
	s7 =	simm.s32 @!p0 $0x108  }
0x21: {  	s3 =	sadd.s32 s3, s9;
	s6 =	sadd.s32 @!p0 $0x88, s6;
	s7 =	simm.s32 @p2 $0x1082  }
0x22: {  	[simem:s7], [sflag:s8] =	dma.local @!p0 [hbm:s6], $0xF7A  }
0x23: {  	s9 =	sor.u32 $0xD0000000, s2;
	s6 =	simm.s32 $0x108;
	_ =	swait.ge @!p0 [sflag:s8], $0x0  }
0x24: {  	s3 =	sadd.s32 $0x88, s3;
	s6 =	simm.s32 @!p1 $0x1082;
	[sflag:s4] =	ssyncset.s32 $0xFFFFF086  }
0x25: {  	[simem:s6], [sflag:s4] =	dma.local [hbm:s3], $0xF7A  }
0x26: {  	[smem:$0x3F9F] =	sst s1;
	(tag) =	ssettag s2;
	_ =	strace s9  }
0x27: {  	s1 =	sld [smem:$0x3FAF]  }
0x28: {  	s2 =	sld [smem:$0x3FB0]  }
0x29: {  	s4 =	sld [smem:$0x3FB2]  }
0x2a: {  	p0 =	seq.s32 s5, $0x0;
	s5 =	sld [smem:$0x3FB3]  }
0x2b: {  	s6 =	sld [smem:$0x3FB4]  }
0x2c: {  	s7 =	sld [smem:$0x3FB5]  }
0x2d: {  	s3 =	simm.s32 $0x108;
	s8 =	sld [smem:$0x3FB6]  }
0x2e: {  	s3 =	simm.s32 @!p0 $0x1082;
	s9 =	sld [smem:$0x3FB7]  }
0x2f: {  	lr =	sadd.s32 s0, s3;
	s0 =	sld [smem:$0x3FAE]  }
0x30: {  	s3 =	sld [smem:$0x3FB1]  }
0x31: {  	[smem:$0x3FBA] =	sst s10  }
0x32: {  	s10 =	sld [smem:$0x3FB8];
	_ =	sdelay $0x3  }
0x33: {  	p0 =	seq.s32 s10, $0x1;
	s10 =	sld [smem:$0x3FBA];
	_ =	sdelay $0x3  }
0x34: {  	[smem:$0x3FBA] =	sst s10  }
0x35: {  	s10 =	sld [smem:$0x3FB9];
	_ =	sdelay $0x3  }
0x36: {  	p1 =	seq.s32 s10, $0x1;
	s10 =	sld [smem:$0x3FBA];
	_ =	sdelay $0x3  }
0x37: {  	[smem:$0x3FBA] =	sst s10  }
0x38: {  	s10 =	sld [smem:$0x3FBB]  }
0x39: {  	_ = 	snop;
	(pc) =	sbr.ind lr, $3  }
0x3a: {  	_ = 	snop  }
0x3b: {  	_ = 	snop  }
0x3c: {  	p2 =	seq.s32 s10, $0x1;
	s10 =	sld [smem:$0x3FBA]  }
0x3d: {  	_ =	shalt  }
0x3e: {  	_ =	shalt  }
0x3f: {  	_ =	shalt  }
0x40: {  	_ =	shalt  }
0x41: {  	_ =	shalt  }
0x42: {  	_ =	shalt  }
0x43: {  	_ =	shalt  }
0x44: {  	_ =	shalt  }
0x45: {  	_ =	shalt  }
0x46: {  	_ =	shalt  }
0x47: {  	_ =	shalt  }
0x48: {  	_ =	shalt  }
0x49: {  	_ =	shalt  }
0x4a: {  	_ =	shalt  }
0x4b: {  	_ =	shalt  }
0x4c: {  	_ =	shalt  }
0x4d: {  	_ =	shalt  }
0x4e: {  	_ =	shalt  }
0x4f: {  	_ =	shalt  }
0x50: {  	_ =	shalt  }
0x51: {  	_ =	shalt  }
0x52: {  	_ =	shalt  }
0x53: {  	_ =	shalt  }
0x54: {  	_ =	shalt  }
0x55: {  	_ =	shalt  }
0x56: {  	_ =	shalt  }
0x57: {  	_ =	shalt  }
0x58: {  	_ =	shalt  }
0x59: {  	_ =	shalt  }
0x5a: {  	_ =	shalt  }
0x5b: {  	_ =	shalt  }
0x5c: {  	_ =	shalt  }
0x5d: {  	_ =	shalt  }
0x5e: {  	_ =	shalt  }
0x5f: {  	_ =	shalt  }
0x60: {  	_ =	shalt  }
0x61: {  	_ =	shalt  }
0x62: {  	_ =	shalt  }
0x63: {  	_ =	shalt  }
0x64: {  	_ =	shalt  }
0x65: {  	_ =	shalt  }
0x66: {  	_ =	shalt  }
0x67: {  	_ =	shalt  }
0x68: {  	_ =	shalt  }
0x69: {  	_ =	shalt  }
0x6a: {  	_ =	shalt  }
0x6b: {  	_ =	shalt  }
0x6c: {  	_ =	shalt  }
0x6d: {  	_ =	shalt  }
0x6e: {  	_ =	shalt  }
0x6f: {  	_ =	shalt  }
0x70: {  	_ =	shalt  }
0x71: {  	_ =	shalt  }
0x72: {  	_ =	shalt  }
0x73: {  	_ =	shalt  }
0x74: {  	_ =	shalt  }
0x75: {  	_ =	shalt  }
0x76: {  	_ =	shalt  }
0x77: {  	_ =	shalt  }
0x78: {  	_ =	shalt  }
0x79: {  	_ =	shalt  }
0x7a: {  	_ =	shalt  }
0x7b: {  	_ =	shalt  }
0x7c: {  	_ =	shalt  }
0x7d: {  	_ =	shalt  }
0x7e: {  	_ =	shalt  }
0x7f: {  	_ =	shalt  }
0x80: {  	_ =	shalt  }
0x81: {  	_ =	shalt  }
0x82: {  	_ =	shalt  }
0x83: {  	_ =	shalt  }
0x84: {  	_ =	shalt  }
0x85: {  	_ =	shalt  }
0x86: {  	_ =	shalt  }
0x87: {  	_ =	shalt  }
.Lfunc_end0:
.L_simem_size_0:
called_computation_lowered:
.L_overlay_start_0:
0x88: {  	s2 =	sld [smem:$0x3FD9]  }
0x89: {  	s3 =	sld [smem:$0x3FFE];
	_ =	sdelay $0x1  }
0x8a: {  	s1 =	srdreg.scid  }
0x8b: {  	s0 =	sand.u32 $0x1, s1  }
0x8c: {  	s17 =	sshll.u32 s0, $0xA;
	s2 =	sadd.s32 s3, s2  }
0x8d: {  	s2 =	sadd.s32 s2, s17  }
0x8e: {  	[smem:$0x3FC6] =	sst s2  }
0x8f: {  	_ = 	snop  }
0x90: {  	s2 =	sld [smem:$0x3FD0];
	(tm) =	ssettm $0x1  }
0x91: {  	s18 =	sld [smem:$0x3FFB];
	_ =	sdelay $0x3  }
0x92: {  	_ =	strace s18  }
0x93: {  	s3 =	sld [smem:$0x3FFC];
	_ =	sdelay $0x3  }
0x94: {  	_ =	strace s3  }
0x95: {  	s3 =	sld [smem:$0x3FFD];
	_ =	sdelay $0x3  }
0x96: {  	_ =	strace s3  }
0x97: {  	_ =	strace $0x8FFFFFFF  }
0x98: {  	s19 =	sld [smem:$0x3FDB];
	_ =	sdelay $0x1  }
0x99: {  	s4 =	simm.s32 $_scs_section_size  }
0x9a: {  	s5 =	simm.s32 $_size__tile_overlayer_lowered;
	s6 =	simm.s32 $_tile_overlayer_lowered  }
0x9b: {  	s22 =	simm.s32 $0x1BFF;
	s21 =	sshll.u32 s6, $0x1;
	s3 =	sadd.s32 s4, s19  }
0x9c: {  	s7 =	simm.s32 $0x0;
	s20 =	sshll.u32 s5, $0x1;
	s5 =	sadd.s32 s21, s3  }
0x9d: {  	[timem:s7], [sflag:s22] =	dma.local [hbm:s5], s20  }
0x9e: {  	_ =	swait.ge [sflag:s22], s20  }
0x9f: {  	s4 =	ssub.s32 $0x0, s20;
	[sflag:s22] =	ssyncset.done $0x0  }
0xa0: {  	[sflag:s22] =	ssyncadd.s32 s4;
	_ =	sdelay $0x1  }
0xa1: {  	s23 =	simm.s32 $0x1B8B  }
0xa2: {  	_ =	swait.ge [sflag:s23], $0x1  }
0xa3: {  	[sflag:s23] =	ssyncset.done $0x0  }
0xa4: {  	s25 =	simm.s32 $0x1B8E;
	s24 =	sld [smem:$0x3FFE];
	[sflag:s23] =	ssyncadd.s32 $0xFFFFFFFF  }
0xa5: {  	s26 =	simm.s32 $execute0_lowered;
	[smem:$0x3FD2] =	sst s25  }
0xa6: {  	s5 =	sshll.u32 s26, $0x1;
	_ =	strace $0x80000046;
	[dreg:$0x1] =	wrdreg $0xFFFFFFFF  }
0xa7: {  	s28 =	simm.s32 $_size_execute0_lowered;
	s3 =	sadd.s32 s3, s5;
	[dreg:$0x0] =	wrdreg $0x0  }
0xa8: {  	s5 =	sshll.u32 s28, $0x1;
	[dreg:$0x2] =	wrdreg s3  }
0xa9: {  	[dreg:$0x3] =	wrdreg s5  }
0xaa: {  	[dreg:$0x4] =	wrdreg $0xC0  }
0xab: {  	_ =	task [dreg:s7], $0x5FFFF  }
0xac: {  	[dreg:$0x1] =	wrdreg $0xFFFFFFFF  }
0xad: {  	[dreg:$0x0] =	wrdreg $0x60  }
0xae: {  	[dreg:$0x2] =	wrdreg s24  }
0xaf: {  	[dreg:$0x3] =	wrdreg s2  }
0xb0: {  	[dreg:$0x4] =	wrdreg $0x9  }
0xb1: {  	_ =	task.clear_ibuf [dreg:s7], $0x5FFFF;
	_ =	strace $0x90000046  }
0xb2: {  	s29 =	simm.s32 $0x9;
	_ =	strace $0x80000048  }
0xb3: {  	_ =	swait.ge [sflag:s29], $0x1  }
0xb4: {  	[sflag:s29] =	ssyncadd.s32 $0xFFFFFFFF  }
0xb5: {  	_ =	strace $0x90000048  }
0xb6: {  	_ =	sfence  }
0xb7: {  	s30 =	sld [smem:$0x0];
	_ =	sdelay $0x2  }
0xb8: {  	s31 =	sshll.u32 s1, $0xD;
	s1 =	sshrl.u32 s1, $0x2  }
0xb9: {  	s3 =	sand.u32 $0x4000, s31;
	s1 =	sadd.s32 s1, s30  }
0xba: {  	s0 =	sor.u32 s3, s0;
	s1 =	sshll.u32 s1, $0x11  }
0xbb: {  	s0 =	sor.u32 s1, s0  }
0xbc: {  	s0 =	sadd.s32 $0x8F2B, s0  }
0xbd: {  	[sflag:s0] =	ssyncadd.remote.s32 $0x1  }
0xbe: {  	_ =	sfence.sel $0xFFFF  }
0xbf: {  	[dreg:$0x0] =	wrdreg $0xFFFFFFFF;
	(pc) =	sbr.abs _section_cstart, $3  }
0xc0: {  	[dreg:$0x1] =	wrdreg $0xFFFFFFFF  }
0xc1: {  	_ =	task.clear_ibuf [dreg:s7], $0x2FFFF;
	_ =	strace $0x9FFFFFFF  }
0xc2: {  	(tm) =	ssettm $0x7FFFFFFF  }
0xc3: {  	_ =	shalt  }
tec
execute0_lowered:
.L_overlay_start_1:
0x0: {  	(tag) =	ssettag $0x1  }
0x1: {  	s5 =	rddreg [dreg:$0x0]  }
0x2: {  	s2 =	rddreg [dreg:$0x1]  }
0x3: {  	s0 =	rddreg [dreg:$0x2]  }
0x4: {  	s3 =	simm.s32 $0x0;
	s4 =	srdreg.scid;
	s1 =	stileid.u32  }
0x5: {  	s10 =	simm.s32 $0x3;
	s11 =	simm.s32 $0x80;
	s12 =	simm.s32 $0x1000  }
0x6: {  	s13 =	simm.s32 $0x10000;
	s14 =	simm.s32 $0x16400;
	s15 =	simm.s32 $0x18400  }
0x7: {  	s16 =	simm.s32 $0x400;
	s17 =	simm.s32 $0x8000;
	s18 =	simm.s32 $0x1A400  }
0x8: {  	s19 =	simm.s32 $0x1C400;
	s20 =	simm.s32 $0x1;
	s21 =	simm.s32 $0x2  }
0x9: {  	[smem:$0x7FF] =	sst s3;
	s4 =	sand.u32 $0x1, s4;
	s6 =	sshll.u32 s1, $0x1  }
0xa: {  	s22 =	simm.s32 $0x0;
	_ =	strace $0x80000047;
	s6 =	sor.u32 s4, s6  }
0xb: {  	v0 =	vlaneseq.u32;
	s7 =	ssub.s32 $0x2, s4;
	s4 =	sadd.s32 $0x400, s5;
	s8 =	sshll.u32 s6, $0x4  }
0xc: {  	v1 =	vshrl.u32 v0, $0x3;
	s9 =	sshrl.u32 s7, $0x1;
	s31 =	sshll.u32 s6, $0x7;
	s6 =	sshll.u32 s6, $0xA  }
0xd: {  	v4 =	vand.u32 $0x7, v0;
	v1 =	vmul.u32 $0x8, v1;
	s5 =	sadd.s32 s8, s5;
	s9 =	ssub.s32 s7, s9;
	s7 =	sadd.s32 s2, s31  }
0xe: {  	v2 =	vor.u32 $0x800, v4;
	v3 =	vor.u32 $0x1000, v4;
	v4 =	vor.u32 $0x1800, v4;
	s5 =	sadd.s32 $0x2400, s5;
	s8 =	sadd.s32 $0x10000, s7;
	s9 =	smax.u32 s9, $0x1  }
.LBB2_1:
0xf: {  	[tilespmem:s3], [sflag:$0x3] =	stream.linear.gather [hbm4b:s4+s3], $0x10000, $0x38;
	[tilespmem:$0x1E400] =	vst v63  }
0x10: {  	_ =	swait.ge [sflag:s10], $0x10000  }
0x11: {  	[sflag:s10] =	ssyncset.done $0x0  }
0x12: {  	[sflag:s10] =	ssyncadd.s32 $0xFFFF0000  }
0x13: {  	[tilespmem:s13], [sflag:$0x3] =	stream.strided.gather [hbm4b:s5+s11], $0x6400, s12, s11, $0x38;
	[tilespmem:$0x1E400] =	vst v63  }
0x14: {  	_ =	swait.ge [sflag:s10], $0x6400  }
0x15: {  	s24 =	simm.s32 $0x0;
	[sflag:s10] =	ssyncset.done $0x0  }
0x16: {  	s23 =	sand.u32 $0x70, s24;
	s24 =	sand.u32 $0xC, s24;
	[sflag:s10] =	ssyncadd.s32 $0xFFFF9C00  }
0x17: {  	s25 =	sor.u32 $0x1, s24;
	v6 =	vadd.s32 s24, v0;
	s26 =	sor.u32 $0x2, s24;
	v5 =	vld [tilespmem:s23+$0x10000]  }
0x18: {  	s24 =	sor.u32 $0x3, s24;
	v22 =	vor.u32 s23, v0;
	v7 =	vadd.s32 s25, v0;
	v8 =	vadd.s32 s26, v0  }
0x19: {  	v9 =	vadd.s32 s24, v0;
	v13 =	vand.u32 $0xF, v6;
	v20 =	vshll.u32 v6, $0x7  }
0x1a: {  	v10 =	vand.u32 $0xF, v7;
	v15 =	vand.u32 $0xF, v9;
	v11 =	vand.u32 $0xF, v8  }
0x1b: {  	v17 =	vshll.u32 v7, $0x7;
	v19 =	vshll.u32 v8, $0x7;
	v21 =	vshll.u32 v9, $0x7  }
0x1c: {  	v27 =	vand.u32 $0x380, v20;
	v33 =	vand.u32 $0x400, v20;
	v5 =	vshll.u32 v5, $0x6  }
0x1d: {  	v24 =	vand.u32 $0x380, v17;
	v25 =	vand.u32 $0x380, v19;
	v12 =	vor.u32 v15, v5  }
0x1e: {  	v26 =	vand.u32 $0x380, v21;
	v28 =	vand.u32 $0x400, v21;
	v14 =	vor.u32 v13, v5  }
0x1f: {  	v17 =	vand.u32 $0x400, v17;
	v21 =	vor.u32 v26, v22;
	v16 =	vor.u32 v10, v5  }
0x20: {  	v30 =	vor.u32 v24, v22;
	v31 =	vor.u32 v25, v22;
	v22 =	vor.u32 v27, v22  }
0x21: {  	v34 =	vand.u32 $0x400, v19;
	v21 =	vor.u32 v28, v21;
	v23 =	vor.u32 v33, v22  }
0x22: {  	v22 =	vor.u32 v17, v30;
	v19 =	vor.u32 v34, v31;
	v30 =	vor.u32 s23, v1;
	v12 =	vld.idx.msk [tilespmem:v12+s3+$0x0], $0xffff  }
0x23: {  	v28 =	vor.u32 v30, v28;
	v17 =	vor.u32 v30, v17;
	v29 =	vor.u32 $0x10, v5;
	v14 =	vld.idx.msk [tilespmem:v14+s3+$0x0], $0xffff  }
0x24: {  	v28 =	vor.u32 v26, v28;
	v24 =	vor.u32 v24, v17;
	v32 =	vor.u32 v9, v29;
	v16 =	vld.idx.msk [tilespmem:v16+s3+$0x0], $0xffff  }
0x25: {  	v26 =	vor.u32 v2, v28;
	v18 =	vor.u32 v11, v5;
	v31 =	vor.u32 v6, v29  }
0x26: {  	v35 =	vor.u32 v7, v29;
	v36 =	vor.u32 v8, v29;
	v29 =	vor.u32 v30, v34  }
0x27: {  	v59 =	vor.u32 v25, v29;
	v29 =	vand.u32 $0xC00, v20;
	v20 =	vor.u32 v2, v24;
	[tilespmem:v21+s14+$0x0] =	vst.idx.msk $0xffff, v12  }
0x28: {  	v17 =	vor.u32 v2, v59;
	v12 =	vor.u32 v30, v27;
	[tilespmem:v23+s14+$0x0] =	vst.idx.msk $0xffff, v14  }
0x29: {  	v27 =	vor.u32 $0x20, v5;
	[tilespmem:v22+s14+$0x0] =	vst.idx.msk $0xffff, v16;
	v16 =	vor.u32 v3, v24;
	v5 =	vor.u32 $0x30, v5;
	v30 =	vld.idx.msk [tilespmem:v32+s3+$0x0], $0xffff  }
0x2a: {  	v18 =	vld.idx.msk [tilespmem:v18+s3+$0x0], $0xffff;
	v58 =	vor.u32 v15, v27;
	v14 =	vor.u32 v33, v12;
	v60 =	vor.u32 v13, v27  }
0x2b: {  	s24 =	simm.s32 $0x4;
	[tilespmem:$0x1FF90] =	vst v19;
	v37 =	vor.u32 v10, v27;
	v38 =	vor.u32 v11, v27;
	v12 =	vor.u32 v29, v12  }
0x2c: {  	s31 =	sand.u32 $0xC, s24;
	v29 =	vor.u32 v4, v24;
	v27 =	vor.u32 v3, v28;
	v31 =	vld.idx.msk [tilespmem:v31+s3+$0x0], $0xffff;
	v25 =	vor.u32 v2, v14  }
0x2d: {  	s30 =	sand.u32 $0x70, s24;
	s28 =	sor.u32 $0x1, s31;
	v41 =	vor.u32 v6, v5;
	v42 =	vor.u32 v7, v5;
	v43 =	vor.u32 v9, v5;
	v35 =	vld.idx.msk [tilespmem:v35+s3+$0x0], $0xffff  }
0x2e: {  	s26 =	sor.u32 $0x3, s31;
	v44 =	vor.u32 v8, v5;
	v5 =	vor.u32 v4, v59;
	v32 =	vadd.s32 s28, v0;
	v39 =	vld [tilespmem:s30+$0x10000];
	[tilespmem:v26+s14+$0x0] =	vst.idx.msk $0xffff, v30  }
0x2f: {  	v33 =	vadd.s32 s26, v0;
	v28 =	vor.u32 v4, v28;
	v61 =	vor.u32 v3, v14;
	v40 =	vld.idx.msk [tilespmem:v58+s3+$0x0], $0xffff  }
0x30: {  	[tilespmem:v19+s14+$0x0] =	vst.idx.msk $0xffff, v18;
	v14 =	vor.u32 v3, v59;
	v18 =	vor.u32 v4, v12;
	v49 =	vand.u32 $0xF, v32  }
0x31: {  	v46 =	vand.u32 $0xF, v33;
	v63 =	vshll.u32 v32, $0x7;
	v53 =	vshll.u32 v33, $0x7;
	v36 =	vld.idx.msk [tilespmem:v36+s3+$0x0], $0xffff;
	[tilespmem:v25+s14+$0x0] =	vst.idx.msk $0xffff, v31  }
0x32: {  	s29 =	sor.u32 $0x2, s31;
	v19 =	vor.u32 s30, v0;
	v54 =	vand.u32 $0x380, v63;
	v55 =	vand.u32 $0x380, v53;
	v45 =	vld.idx.msk [tilespmem:v60+s3+$0x0], $0xffff;
	[tilespmem:$0x1FFA0] =	vst v20  }
0x33: {  	v53 =	vand.u32 $0x400, v53;
	v30 =	vadd.s32 s31, v0;
	v31 =	vadd.s32 s29, v0;
	[tilespmem:v20+s14+$0x0] =	vst.idx.msk $0xffff, v35  }
0x34: {  	v34 =	vshll.u32 v39, $0x6;
	v51 =	vand.u32 $0xF, v30;
	v58 =	vor.u32 v55, v19;
	v37 =	vld.idx.msk [tilespmem:v37+s3+$0x0], $0xffff;
	[tilespmem:v27+s14+$0x0] =	vst.idx.msk $0xffff, v40  }
0x35: {  	v52 =	vshll.u32 v30, $0x7;
	v39 =	vor.u32 v46, v34;
	v62 =	vor.u32 v51, v34;
	v40 =	vld.idx.msk [tilespmem:v43+s3+$0x0], $0xffff;
	[tilespmem:$0x1FFB0] =	vst v17  }
0x36: {  	v47 =	vor.u32 v49, v34;
	v50 =	vshll.u32 v31, $0x7;
	v57 =	vand.u32 $0x380, v52;
	[tilespmem:v17+s14+$0x0] =	vst.idx.msk $0xffff, v36  }
0x37: {  	v59 =	vor.u32 $0x10, v34;
	v58 =	vor.u32 v53, v58;
	v35 =	vand.u32 $0xF, v31;
	v38 =	vld.idx.msk [tilespmem:v38+s3+$0x0], $0xffff;
	[tilespmem:$0x1FFC0] =	vst v61  }
0x38: {  	v56 =	vand.u32 $0x380, v50;
	v48 =	vor.u32 v35, v34;
	v36 =	vand.u32 $0x400, v63;
	[tilespmem:v61+s14+$0x0] =	vst.idx.msk $0xffff, v45  }
0x39: {  	v17 =	vor.u32 v32, v59;
	v45 =	vand.u32 $0x400, v50;
	v50 =	vor.u32 s30, v1;
	v41 =	vld.idx.msk [tilespmem:v41+s3+$0x0], $0xffff;
	[tilespmem:$0x1FFD0] =	vst v16  }
0x3a: {  	v61 =	vor.u32 v33, v59;
	v53 =	vor.u32 v50, v53;
	[tilespmem:v16+s14+$0x0] =	vst.idx.msk $0xffff, v37;
	v37 =	vld.idx.msk [tilespmem:v39+s3+$0x0], $0xffff  }
0x3b: {  	v43 =	vor.u32 v50, v57;
	[tilespmem:v28+s14+$0x0] =	vst.idx.msk $0xffff, v40;
	v60 =	vld.idx.msk [tilespmem:v62+s3+$0x0], $0xffff;
	v39 =	vor.u32 v54, v19  }
0x3c: {  	v40 =	vor.u32 v56, v19;
	v47 =	vld.idx.msk [tilespmem:v47+s3+$0x0], $0xffff;
	v62 =	vand.u32 $0x400, v52;
	v19 =	vor.u32 v57, v19;
	[tilespmem:$0x1FFE0] =	vst v14  }
0x3d: {  	v16 =	vor.u32 v30, v59;
	v59 =	vor.u32 v31, v59;
	v63 =	vld.idx.msk [tilespmem:v48+s3+$0x0], $0xffff;
	v48 =	vor.u32 v62, v19  }
0x3e: {  	v12 =	vor.u32 v36, v39;
	v36 =	vor.u32 v50, v36;
	[tilespmem:v14+s14+$0x0] =	vst.idx.msk $0xffff, v38  }
0x3f: {  	v14 =	vor.u32 v45, v40;
	v39 =	vld.idx.msk [tilespmem:v42+s3+$0x0], $0xffff;
	v40 =	vand.u32 $0xC00, v52;
	[tilespmem:v58+s14+$0x0] =	vst.idx.msk $0xffff, v37  }
0x40: {  	v38 =	vor.u32 v55, v53;
	v52 =	vor.u32 $0x20, v34;
	v42 =	vor.u32 v54, v36;
	v37 =	vld.idx.msk [tilespmem:v44+s3+$0x0], $0xffff;
	[tilespmem:$0x1FFF0] =	vst v18  }
0x41: {  	v53 =	vor.u32 v2, v38;
	v58 =	vor.u32 v50, v45;
	[tilespmem:v18+s14+$0x0] =	vst.idx.msk $0xffff, v41;
	v50 =	vld.idx.msk [tilespmem:v61+s3+$0x0], $0xffff  }
0x42: {  	v55 =	vor.u32 v62, v43;
	v54 =	vor.u32 v46, v52;
	[tilespmem:v48+s14+$0x0] =	vst.idx.msk $0xffff, v60  }
0x43: {  	v51 =	vor.u32 v51, v52;
	v36 =	vmov v5;
	[tilespmem:v12+s14+$0x0] =	vst.idx.msk $0xffff, v47;
	v48 =	vld.idx.msk [tilespmem:v16+s3+$0x0], $0xffff  }
0x44: {  	v45 =	vor.u32 v49, v52;
	v41 =	vor.u32 v56, v58;
	[tilespmem:v14+s14+$0x0] =	vst.idx.msk $0xffff, v63;
	v46 =	vld.idx.msk [tilespmem:v17+s3+$0x0], $0xffff  }
0x45: {  	v47 =	vor.u32 v2, v42;
	v56 =	vor.u32 v2, v55;
	v44 =	vor.u32 v2, v41;
	v49 =	vld.idx.msk [tilespmem:v59+s3+$0x0], $0xffff  }
.LBB2_2:
0x46: {  	s24 =	sadd.s32 $0x4, s24;
	v12 =	vor.u32 v3, v42;
	v14 =	vor.u32 v35, v52;
	[tilespmem:v53+s14+$0x0] =	vst.idx.msk $0xffff, v50  }
0x47: {  	v16 =	vor.u32 v3, v55;
	v17 =	vor.u32 v40, v43;
	v40 =	vor.u32 v3, v41;
	s25 =	sand.u32 $0x70, s24;
	p0 =	slt.u32 s24, $0x7C;
	v35 =	vld.idx.msk [tilespmem:v54+s3+$0x0], $0xffff  }
0x48: {  	v34 =	vor.u32 $0x30, v34;
	v50 =	vor.u32 v3, v38;
	v43 =	vld [tilespmem:s25+$0x10000];
	[tilespmem:v29+s14+$0x0] =	vst.idx.msk $0xffff, v39;
	v29 =	vor.u32 v4, v42  }
0x49: {  	v52 =	vor.u32 v33, v34;
	v39 =	vor.u32 v30, v34;
	v42 =	vor.u32 v32, v34  }
0x4a: {  	v41 =	vor.u32 v4, v41;
	s26 =	sand.u32 $0xC, s24;
	[tilespmem:v56+s14+$0x0] =	vst.idx.msk $0xffff, v48;
	v48 =	vor.u32 v31, v34  }
0x4b: {  	v17 =	vor.u32 v4, v17;
	v30 =	vadd.s32 s26, v0;
	s28 =	sor.u32 $0x1, s26;
	s29 =	sor.u32 $0x2, s26;
	s26 =	sor.u32 $0x3, s26;
	v51 =	vld.idx.msk [tilespmem:v51+s3+$0x0], $0xffff;
	[tilespmem:v47+s14+$0x0] =	vst.idx.msk $0xffff, v46  }
0x4c: {  	v32 =	vadd.s32 s28, v0;
	v33 =	vadd.s32 s26, v0;
	v31 =	vadd.s32 s29, v0;
	[tilespmem:v44+s14+$0x0] =	vst.idx.msk $0xffff, v49  }
0x4d: {  	v49 =	vand.u32 $0xF, v32;
	v44 =	vand.u32 $0xF, v33;
	v34 =	vshll.u32 v43, $0x6;
	v43 =	vld.idx.msk [tilespmem:v45+s3+$0x0], $0xffff;
	[tilespmem:v50+s14+$0x0] =	vst.idx.msk $0xffff, v35  }
0x4e: {  	v45 =	vand.u32 $0xF, v30;
	v35 =	vand.u32 $0xF, v31;
	v46 =	vor.u32 v44, v34;
	v47 =	vld.idx.msk [tilespmem:v52+s3+$0x0], $0xffff;
	[tilespmem:v36+s14+$0x0] =	vst.idx.msk $0xffff, v37  }
0x4f: {  	v38 =	vor.u32 v4, v38;
	v37 =	vor.u32 v45, v34;
	v50 =	vor.u32 v49, v34;
	v14 =	vld.idx.msk [tilespmem:v14+s3+$0x0], $0xffff  }
0x50: {  	v54 =	vshll.u32 v31, $0x7;
	v52 =	vshll.u32 v32, $0x7;
	v53 =	vor.u32 v35, v34;
	v36 =	vmovc v41  }
0x51: {  	v56 =	vshll.u32 v33, $0x7;
	v41 =	vshll.u32 v30, $0x7;
	v55 =	vand.u32 $0x380, v52;
	[tilespmem:v16+s14+$0x0] =	vst.idx.msk $0xffff, v51  }
0x52: {  	v57 =	vand.u32 $0x380, v56;
	v16 =	vor.u32 s25, v0;
	v51 =	vand.u32 $0x380, v54;
	v58 =	vld.idx.msk [tilespmem:v39+s3+$0x0], $0xffff  }
0x53: {  	v56 =	vand.u32 $0x400, v56;
	v59 =	vand.u32 $0x380, v41;
	v39 =	vor.u32 v57, v16;
	v46 =	vld.idx.msk [tilespmem:v46+s3+$0x0], $0xffff;
	[tilespmem:v12+s14+$0x0] =	vst.idx.msk $0xffff, v43  }
0x54: {  	v52 =	vand.u32 $0x400, v52;
	v43 =	vor.u32 $0x10, v34;
	v60 =	vor.u32 v56, v39;
	v12 =	vld.idx.msk [tilespmem:v37+s3+$0x0], $0xffff;
	[tilespmem:v38+s14+$0x0] =	vst.idx.msk $0xffff, v47  }
0x55: {  	v37 =	vor.u32 v55, v16;
	v38 =	vor.u32 v51, v16;
	v47 =	vld.idx.msk [tilespmem:v50+s3+$0x0], $0xffff;
	v50 =	vor.u32 v33, v43  }
0x56: {  	v61 =	vand.u32 $0x400, v41;
	v16 =	vor.u32 v59, v16;
	v62 =	vld.idx.msk [tilespmem:v53+s3+$0x0], $0xffff;
	v53 =	vand.u32 $0x400, v54;
	[tilespmem:v40+s14+$0x0] =	vst.idx.msk $0xffff, v14  }
0x57: {  	v14 =	vor.u32 v61, v16;
	v16 =	vor.u32 v52, v37;
	v63 =	vor.u32 v53, v38;
	v39 =	vld.idx.msk [tilespmem:v42+s3+$0x0], $0xffff  }
0x58: {  	v18 =	vor.u32 v30, v43;
	v19 =	vor.u32 v32, v43;
	v42 =	vor.u32 s25, v1;
	v37 =	vld.idx.msk [tilespmem:v48+s3+$0x0], $0xffff  }
0x59: {  	v20 =	vor.u32 v31, v43;
	v40 =	vand.u32 $0xC00, v41;
	v38 =	vor.u32 v42, v56;
	[tilespmem:v60+s14+$0x0] =	vst.idx.msk $0xffff, v46  }
0x5a: {  	v41 =	vor.u32 v42, v52;
	v46 =	vor.u32 v42, v53;
	v38 =	vor.u32 v57, v38;
	v50 =	vld.idx.msk [tilespmem:v50+s3+$0x0], $0xffff  }
.Ltmp0:
0x5b: {  	v43 =	vor.u32 v42, v59;
	v52 =	vor.u32 $0x20, v34;
	v53 =	vor.u32 v2, v38;
	[tilespmem:v17+s14+$0x0] =	vst.idx.msk $0xffff, v58;
	(pc) =	sbr.rel @p0 .LBB2_2-.Ltmp0, $4  }
0x5c: {  	v42 =	vor.u32 v55, v41;
	v54 =	vor.u32 v44, v52;
	[tilespmem:v14+s14+$0x0] =	vst.idx.msk $0xffff, v12  }
0x5d: {  	v55 =	vor.u32 v61, v43;
	v41 =	vor.u32 v51, v46;
	v48 =	vld.idx.msk [tilespmem:v18+s3+$0x0], $0xffff;
	[tilespmem:v16+s14+$0x0] =	vst.idx.msk $0xffff, v47  }
0x5e: {  	v44 =	vor.u32 v2, v41;
	v47 =	vor.u32 v2, v42;
	v46 =	vld.idx.msk [tilespmem:v19+s3+$0x0], $0xffff;
	[tilespmem:v63+s14+$0x0] =	vst.idx.msk $0xffff, v62  }
0x5f: {  	v56 =	vor.u32 v2, v55;
	v51 =	vor.u32 v45, v52;
	v45 =	vor.u32 v49, v52;
	v49 =	vld.idx.msk [tilespmem:v20+s3+$0x0], $0xffff  }
0x60: {  	_ =	sdelay $0x2  }
0x61: {  	v12 =	vor.u32 v35, v52  }
0x62: {  	[tilespmem:v53+s14+$0x0] =	vst.idx.msk $0xffff, v50  }
0x63: {  	v16 =	vor.u32 $0x30, v34;
	v17 =	vor.u32 v3, v38;
	v14 =	vld.idx.msk [tilespmem:v54+s3+$0x0], $0xffff;
	[tilespmem:v56+s14+$0x0] =	vst.idx.msk $0xffff, v48  }
0x64: {  	v18 =	vor.u32 v3, v55;
	v19 =	vor.u32 v33, v16;
	v20 =	vld.idx.msk [tilespmem:v51+s3+$0x0], $0xffff;
	[tilespmem:v47+s14+$0x0] =	vst.idx.msk $0xffff, v46  }
0x65: {  	v30 =	vor.u32 v30, v16;
	v47 =	vor.u32 v3, v42;
	[tilespmem:v44+s14+$0x0] =	vst.idx.msk $0xffff, v49;
	v48 =	vld.idx.msk [tilespmem:v45+s3+$0x0], $0xffff  }
0x66: {  	v32 =	vor.u32 v32, v16;
	v49 =	vor.u32 v3, v41;
	v12 =	vld.idx.msk [tilespmem:v12+s3+$0x0], $0xffff  }
0x67: {  	v16 =	vor.u32 v31, v16  }
0x68: {  	[tilespmem:v17+s14+$0x0] =	vst.idx.msk $0xffff, v14  }
0x69: {  	v14 =	vor.u32 v40, v43;
	v17 =	vld.idx.msk [tilespmem:v19+s3+$0x0], $0xffff;
	v19 =	vor.u32 v4, v38;
	[tilespmem:v18+s14+$0x0] =	vst.idx.msk $0xffff, v20  }
0x6a: {  	v14 =	vor.u32 v4, v14;
	v18 =	vld.idx.msk [tilespmem:v30+s3+$0x0], $0xffff;
	[tilespmem:v47+s14+$0x0] =	vst.idx.msk $0xffff, v48  }
0x6b: {  	v20 =	vor.u32 v4, v42;
	[tilespmem:v49+s14+$0x0] =	vst.idx.msk $0xffff, v12;
	v12 =	vld.idx.msk [tilespmem:v32+s3+$0x0], $0xffff  }
0x6c: {  	[tilespmem:v29+s14+$0x0] =	vst.idx.msk $0xffff, v39;
	v29 =	vor.u32 v4, v41;
	v16 =	vld.idx.msk [tilespmem:v16+s3+$0x0], $0xffff  }
0x6d: {  	[tilespmem:v36+s14+$0x0] =	vst.idx.msk $0xffff, v37  }
0x6e: {  	[tilespmem:v19+s14+$0x0] =	vst.idx.msk $0xffff, v17  }
0x6f: {  	[tilespmem:v14+s14+$0x0] =	vst.idx.msk $0xffff, v18  }
0x70: {  	[tilespmem:v20+s14+$0x0] =	vst.idx.msk $0xffff, v12  }
0x71: {  	[tilespmem:v29+s14+$0x0] =	vst.idx.msk $0xffff, v16  }
0x72: {  	v12 =	vld [tilespmem:s23+$0x10080];
	_ =	sdelay $0x4  }
0x73: {  	v12 =	vshll.u32 v12, $0x6  }
0x74: {  	v14 =	vor.u32 v15, v12;
	_ =	sdelay $0x3  }
0x75: {  	v16 =	vor.u32 v13, v12  }
0x76: {  	v17 =	vor.u32 v10, v12;
	v18 =	vor.u32 $0x10, v12;
	v14 =	vld.idx.msk [tilespmem:v14+s3+$0x0], $0xffff  }
0x77: {  	v19 =	vor.u32 v9, v18;
	_ =	sdelay $0x2  }
0x78: {  	v16 =	vld.idx.msk [tilespmem:v16+s3+$0x0], $0xffff  }
0x79: {  	v17 =	vld.idx.msk [tilespmem:v17+s3+$0x0], $0xffff;
	[tilespmem:v21+s15+$0x0] =	vst.idx.msk $0xffff, v14  }
0x7a: {  	v14 =	vld.idx.msk [tilespmem:v19+s3+$0x0], $0xffff;
	_ =	sdelay $0x2  }
0x7b: {  	v29 =	vor.u32 v6, v18;
	[tilespmem:v23+s15+$0x0] =	vst.idx.msk $0xffff, v16  }
0x7c: {  	v20 =	vor.u32 v11, v12;
	[tilespmem:v22+s15+$0x0] =	vst.idx.msk $0xffff, v17  }
0x7d: {  	[tilespmem:v26+s15+$0x0] =	vst.idx.msk $0xffff, v14  }
0x7e: {  	v21 =	vld [tilespmem:$0x1FF90];
	_ =	sdelay $0x1  }
0x7f: {  	v30 =	vor.u32 v7, v18;
	v16 =	vor.u32 v8, v18;
	v18 =	vld.idx.msk [tilespmem:v29+s3+$0x0], $0xffff  }
0x80: {  	v20 =	vld.idx.msk [tilespmem:v20+s3+$0x0], $0xffff;
	_ =	sdelay $0x1  }
0x81: {  	v19 =	vor.u32 $0x20, v12  }
0x82: {  	v15 =	vor.u32 v15, v19  }
0x83: {  	[tilespmem:v25+s15+$0x0] =	vst.idx.msk $0xffff, v18  }
0x84: {  	v12 =	vor.u32 $0x30, v12;
	[tilespmem:v21+s15+$0x0] =	vst.idx.msk $0xffff, v20  }
0x85: {  	v21 =	vor.u32 v9, v12;
	v9 =	vld [tilespmem:$0x1FFA0];
	_ =	sdelay $0x1  }
0x86: {  	v15 =	vld.idx.msk [tilespmem:v15+s3+$0x0], $0xffff  }
0x87: {  	v17 =	vld.idx.msk [tilespmem:v30+s3+$0x0], $0xffff;
	_ =	sdelay $0x3  }
0x88: {  	[tilespmem:v27+s15+$0x0] =	vst.idx.msk $0xffff, v15  }
0x89: {  	[tilespmem:v9+s15+$0x0] =	vst.idx.msk $0xffff, v17  }
0x8a: {  	v26 =	vld [tilespmem:$0x1FFB0];
	_ =	sdelay $0x2  }
0x8b: {  	v16 =	vld.idx.msk [tilespmem:v16+s3+$0x0], $0xffff;
	_ =	sdelay $0x3  }
0x8c: {  	v13 =	vor.u32 v13, v19  }
0x8d: {  	[tilespmem:v26+s15+$0x0] =	vst.idx.msk $0xffff, v16  }
0x8e: {  	v33 =	vld [tilespmem:$0x1FFC0];
	_ =	sdelay $0x2  }
0x8f: {  	v18 =	vld.idx.msk [tilespmem:v13+s3+$0x0], $0xffff;
	_ =	sdelay $0x1  }
0x90: {  	s23 =	simm.s32 $0x4  }
0x91: {  	s24 =	sand.u32 $0x70, s23  }
0x92: {  	v14 =	vld [tilespmem:s24+$0x10080];
	v20 =	vor.u32 v10, v19  }
0x93: {  	[tilespmem:v33+s15+$0x0] =	vst.idx.msk $0xffff, v18  }
0x94: {  	v37 =	vld [tilespmem:$0x1FFD0];
	_ =	sdelay $0x1  }
0x95: {  	s25 =	sand.u32 $0xC, s23;
	v22 =	vor.u32 v6, v12;
	v17 =	vld.idx.msk [tilespmem:v21+s3+$0x0], $0xffff  }
0x96: {  	s26 =	sor.u32 $0x1, s25;
	s28 =	sor.u32 $0x2, s25;
	v6 =	vadd.s32 s25, v0;
	s25 =	sor.u32 $0x3, s25;
	v19 =	vor.u32 v11, v19;
	v11 =	vshll.u32 v14, $0x6;
	v14 =	vld.idx.msk [tilespmem:v20+s3+$0x0], $0xffff  }
0x97: {  	v9 =	vadd.s32 s25, v0  }
0x98: {  	v10 =	vor.u32 v4, v24;
	v24 =	vand.u32 $0xF, v9  }
0x99: {  	v23 =	vor.u32 v7, v12;
	v7 =	vadd.s32 s28, v0;
	v15 =	vor.u32 v24, v11  }
0x9a: {  	v29 =	vshll.u32 v7, $0x7;
	[tilespmem:v28+s15+$0x0] =	vst.idx.msk $0xffff, v17  }
0x9b: {  	v51 =	vand.u32 $0x380, v29;
	v50 =	vshll.u32 v9, $0x7;
	[tilespmem:v37+s15+$0x0] =	vst.idx.msk $0xffff, v14  }
0x9c: {  	v52 =	vand.u32 $0x380, v50;
	v18 =	vor.u32 s24, v0;
	v28 =	vand.u32 $0x400, v29;
	v29 =	vld [tilespmem:$0x1FFE0]  }
0x9d: {  	v32 =	vand.u32 $0x400, v50;
	v54 =	vor.u32 v52, v18  }
0x9e: {  	v13 =	vand.u32 $0xF, v7;
	v36 =	vor.u32 v32, v54;
	v14 =	vld.idx.msk [tilespmem:v15+s3+$0x0], $0xffff  }
0x9f: {  	v26 =	vor.u32 v13, v11;
	v19 =	vld.idx.msk [tilespmem:v19+s3+$0x0], $0xffff;
	_ =	sdelay $0x1  }
0xa0: {  	v27 =	vand.u32 $0xF, v6  }
0xa1: {  	v12 =	vor.u32 v8, v12;
	v8 =	vadd.s32 s26, v0;
	v20 =	vor.u32 v27, v11  }
0xa2: {  	v30 =	vshll.u32 v6, $0x7;
	v25 =	vand.u32 $0xF, v8;
	[tilespmem:v36+s15+$0x0] =	vst.idx.msk $0xffff, v14  }
0xa3: {  	v53 =	vand.u32 $0x380, v30;
	v21 =	vor.u32 v25, v11;
	v16 =	vshll.u32 v8, $0x7;
	v58 =	vld.idx.msk [tilespmem:v26+s3+$0x0], $0xffff;
	[tilespmem:v29+s15+$0x0] =	vst.idx.msk $0xffff, v19  }
0xa4: {  	v57 =	vand.u32 $0x400, v30;
	v31 =	vand.u32 $0x380, v16;
	v55 =	vand.u32 $0x400, v16;
	v26 =	vld [tilespmem:$0x1FFF0]  }
0xa5: {  	v16 =	vor.u32 v31, v18;
	v17 =	vor.u32 v51, v18;
	v18 =	vor.u32 v53, v18  }
0xa6: {  	v20 =	vld.idx.msk [tilespmem:v20+s3+$0x0], $0xffff;
	v18 =	vor.u32 v57, v18;
	v15 =	vor.u32 $0x10, v11  }
0xa7: {  	v22 =	vld.idx.msk [tilespmem:v22+s3+$0x0], $0xffff;
	v56 =	vor.u32 v9, v15  }
0xa8: {  	v21 =	vld.idx.msk [tilespmem:v21+s3+$0x0], $0xffff;
	v59 =	vor.u32 v55, v16;
	v60 =	vor.u32 v28, v17  }
0xa9: {  	v16 =	vld.idx.msk [tilespmem:v23+s3+$0x0], $0xffff;
	v23 =	vor.u32 v6, v15;
	v61 =	vor.u32 v8, v15;
	v19 =	vor.u32 s24, v1  }
0xaa: {  	v62 =	vor.u32 v7, v15;
	v15 =	vor.u32 v19, v32;
	v14 =	vld.idx.msk [tilespmem:v12+s3+$0x0], $0xffff;
	v12 =	vor.u32 v19, v55  }
0xab: {  	v63 =	vor.u32 v19, v28;
	[tilespmem:v18+s15+$0x0] =	vst.idx.msk $0xffff, v20;
	v15 =	vor.u32 v52, v15  }
0xac: {  	v28 =	vor.u32 $0x20, v11;
	v29 =	vor.u32 v2, v15;
	[tilespmem:v26+s15+$0x0] =	vst.idx.msk $0xffff, v22;
	v26 =	vld.idx.msk [tilespmem:v56+s3+$0x0], $0xffff  }
0xad: {  	v17 =	vand.u32 $0xC00, v30;
	v19 =	vor.u32 v19, v53;
	[tilespmem:v59+s15+$0x0] =	vst.idx.msk $0xffff, v21;
	v30 =	vor.u32 v24, v28  }
0xae: {  	[tilespmem:v60+s15+$0x0] =	vst.idx.msk $0xffff, v58;
	v18 =	vor.u32 v31, v12;
	v24 =	vld.idx.msk [tilespmem:v23+s3+$0x0], $0xffff;
	v31 =	vor.u32 v57, v19  }
0xaf: {  	v12 =	vor.u32 v51, v63;
	v27 =	vor.u32 v27, v28;
	v21 =	vor.u32 v25, v28;
	v25 =	vld.idx.msk [tilespmem:v62+s3+$0x0], $0xffff  }
0xb0: {  	v23 =	vor.u32 v2, v18;
	v20 =	vor.u32 v2, v12;
	v32 =	vor.u32 v2, v31;
	v22 =	vld.idx.msk [tilespmem:v61+s3+$0x0], $0xffff  }
.LBB2_4:
0xb1: {  	s23 =	sadd.s32 $0x4, s23;
	v33 =	vor.u32 v3, v18;
	v28 =	vor.u32 v13, v28;
	[tilespmem:v29+s15+$0x0] =	vst.idx.msk $0xffff, v26  }
0xb2: {  	v26 =	vor.u32 v3, v31;
	v13 =	vor.u32 v17, v19;
	v17 =	vor.u32 v3, v12;
	s24 =	sand.u32 $0x70, s23;
	p0 =	slt.u32 s23, $0x7C;
	v19 =	vld.idx.msk [tilespmem:v30+s3+$0x0], $0xffff  }
0xb3: {  	v11 =	vor.u32 $0x30, v11;
	v30 =	vor.u32 v3, v15;
	v29 =	vld [tilespmem:s24+$0x10080];
	[tilespmem:v10+s15+$0x0] =	vst.idx.msk $0xffff, v16;
	v10 =	vor.u32 v4, v18  }
0xb4: {  	v31 =	vor.u32 v9, v11;
	v16 =	vor.u32 v6, v11;
	v18 =	vor.u32 v8, v11  }
0xb5: {  	v12 =	vor.u32 v4, v12;
	s25 =	sand.u32 $0xC, s23;
	[tilespmem:v32+s15+$0x0] =	vst.idx.msk $0xffff, v24;
	v24 =	vor.u32 v7, v11  }
0xb6: {  	v6 =	vadd.s32 s25, v0;
	s26 =	sor.u32 $0x1, s25;
	s28 =	sor.u32 $0x2, s25;
	s25 =	sor.u32 $0x3, s25;
	v32 =	vor.u32 v4, v13;
	v27 =	vld.idx.msk [tilespmem:v27+s3+$0x0], $0xffff;
	[tilespmem:v23+s15+$0x0] =	vst.idx.msk $0xffff, v22  }
0xb7: {  	v8 =	vadd.s32 s26, v0;
	v9 =	vadd.s32 s25, v0;
	v7 =	vadd.s32 s28, v0;
	[tilespmem:v20+s15+$0x0] =	vst.idx.msk $0xffff, v25  }
0xb8: {  	v25 =	vand.u32 $0xF, v8;
	v20 =	vand.u32 $0xF, v9;
	v11 =	vshll.u32 v29, $0x6;
	v21 =	vld.idx.msk [tilespmem:v21+s3+$0x0], $0xffff;
	[tilespmem:v30+s15+$0x0] =	vst.idx.msk $0xffff, v19  }
0xb9: {  	v34 =	vand.u32 $0xF, v6;
	v13 =	vand.u32 $0xF, v7;
	v19 =	vor.u32 v20, v11;
	v22 =	vld.idx.msk [tilespmem:v31+s3+$0x0], $0xffff;
	[tilespmem:v5+s15+$0x0] =	vst.idx.msk $0xffff, v14  }
0xba: {  	v15 =	vor.u32 v4, v15;
	v14 =	vor.u32 v34, v11;
	v23 =	vor.u32 v25, v11;
	v28 =	vld.idx.msk [tilespmem:v28+s3+$0x0], $0xffff  }
0xbb: {  	v29 =	vshll.u32 v8, $0x7;
	v30 =	vor.u32 v13, v11;
	v31 =	vshll.u32 v7, $0x7;
	v5 =	vmovc v12  }
0xbc: {  	v36 =	vshll.u32 v9, $0x7;
	v12 =	vshll.u32 v6, $0x7;
	v35 =	vand.u32 $0x380, v29;
	[tilespmem:v26+s15+$0x0] =	vst.idx.msk $0xffff, v27  }
0xbd: {  	v37 =	vand.u32 $0x380, v36;
	v26 =	vor.u32 s24, v0;
	v27 =	vand.u32 $0x380, v31;
	v38 =	vld.idx.msk [tilespmem:v16+s3+$0x0], $0xffff  }
0xbe: {  	v36 =	vand.u32 $0x400, v36;
	v39 =	vand.u32 $0x380, v12;
	v16 =	vor.u32 v37, v26;
	v19 =	vld.idx.msk [tilespmem:v19+s3+$0x0], $0xffff;
	[tilespmem:v33+s15+$0x0] =	vst.idx.msk $0xffff, v21  }
0xbf: {  	v29 =	vand.u32 $0x400, v29;
	v33 =	vor.u32 $0x10, v11;
	v40 =	vor.u32 v36, v16;
	v21 =	vld.idx.msk [tilespmem:v14+s3+$0x0], $0xffff;
	[tilespmem:v15+s15+$0x0] =	vst.idx.msk $0xffff, v22  }
0xc0: {  	v14 =	vor.u32 v35, v26;
	v15 =	vor.u32 v27, v26;
	v22 =	vld.idx.msk [tilespmem:v23+s3+$0x0], $0xffff;
	v23 =	vor.u32 v9, v33  }
0xc1: {  	v41 =	vand.u32 $0x400, v12;
	v16 =	vor.u32 v39, v26;
	v26 =	vand.u32 $0x400, v31;
	v42 =	vld.idx.msk [tilespmem:v30+s3+$0x0], $0xffff;
	[tilespmem:v17+s15+$0x0] =	vst.idx.msk $0xffff, v28  }
0xc2: {  	v43 =	vor.u32 v29, v14;
	v44 =	vor.u32 v26, v15;
	v30 =	vor.u32 v41, v16;
	v16 =	vld.idx.msk [tilespmem:v18+s3+$0x0], $0xffff  }
0xc3: {  	v31 =	vor.u32 v6, v33;
	v45 =	vor.u32 v8, v33;
	v18 =	vor.u32 s24, v1;
	v14 =	vld.idx.msk [tilespmem:v24+s3+$0x0], $0xffff  }
0xc4: {  	v33 =	vor.u32 v7, v33;
	v17 =	vand.u32 $0xC00, v12;
	v12 =	vor.u32 v18, v36;
	[tilespmem:v40+s15+$0x0] =	vst.idx.msk $0xffff, v19  }
0xc5: {  	v24 =	vor.u32 v18, v29;
	v36 =	vor.u32 v18, v26;
	v15 =	vor.u32 v37, v12;
	v26 =	vld.idx.msk [tilespmem:v23+s3+$0x0], $0xffff  }
.Ltmp1:
0xc6: {  	v28 =	vor.u32 $0x20, v11;
	v19 =	vor.u32 v18, v39;
	v29 =	vor.u32 v2, v15;
	[tilespmem:v32+s15+$0x0] =	vst.idx.msk $0xffff, v38;
	(pc) =	sbr.rel @p0 .LBB2_4-.Ltmp1, $4  }
0xc7: {  	v18 =	vor.u32 v35, v24;
	[tilespmem:v30+s15+$0x0] =	vst.idx.msk $0xffff, v21;
	v30 =	vor.u32 v20, v28  }
0xc8: {  	v12 =	vor.u32 v27, v36;
	v24 =	vld.idx.msk [tilespmem:v31+s3+$0x0], $0xffff;
	v31 =	vor.u32 v41, v19;
	[tilespmem:v43+s15+$0x0] =	vst.idx.msk $0xffff, v22  }
0xc9: {  	v23 =	vor.u32 v2, v18;
	v20 =	vor.u32 v2, v12;
	v22 =	vld.idx.msk [tilespmem:v45+s3+$0x0], $0xffff;
	[tilespmem:v44+s15+$0x0] =	vst.idx.msk $0xffff, v42  }
0xca: {  	v27 =	vor.u32 v34, v28;
	v21 =	vor.u32 v25, v28;
	v32 =	vor.u32 v2, v31;
	v25 =	vld.idx.msk [tilespmem:v33+s3+$0x0], $0xffff  }
0xcb: {  	_ =	sdelay $0x2  }
0xcc: {  	v13 =	vor.u32 v13, v28  }
0xcd: {  	[tilespmem:v29+s15+$0x0] =	vst.idx.msk $0xffff, v26  }
0xce: {  	v11 =	vor.u32 $0x30, v11;
	v28 =	vor.u32 v3, v15;
	v26 =	vld.idx.msk [tilespmem:v30+s3+$0x0], $0xffff;
	[tilespmem:v32+s15+$0x0] =	vst.idx.msk $0xffff, v24  }
0xcf: {  	v9 =	vor.u32 v9, v11;
	v24 =	vor.u32 v3, v31;
	v27 =	vld.idx.msk [tilespmem:v27+s3+$0x0], $0xffff;
	[tilespmem:v23+s15+$0x0] =	vst.idx.msk $0xffff, v22  }
0xd0: {  	v6 =	vor.u32 v6, v11;
	v22 =	vor.u32 v3, v18;
	[tilespmem:v20+s15+$0x0] =	vst.idx.msk $0xffff, v25;
	v20 =	vld.idx.msk [tilespmem:v21+s3+$0x0], $0xffff  }
0xd1: {  	v8 =	vor.u32 v8, v11;
	v21 =	vor.u32 v3, v12;
	v13 =	vld.idx.msk [tilespmem:v13+s3+$0x0], $0xffff  }
0xd2: {  	v7 =	vor.u32 v7, v11  }
0xd3: {  	[tilespmem:v28+s15+$0x0] =	vst.idx.msk $0xffff, v26  }
0xd4: {  	v15 =	vor.u32 v4, v15;
	v11 =	vor.u32 v17, v19;
	v9 =	vld.idx.msk [tilespmem:v9+s3+$0x0], $0xffff;
	[tilespmem:v24+s15+$0x0] =	vst.idx.msk $0xffff, v27  }
0xd5: {  	v11 =	vor.u32 v4, v11;
	v6 =	vld.idx.msk [tilespmem:v6+s3+$0x0], $0xffff;
	[tilespmem:v22+s15+$0x0] =	vst.idx.msk $0xffff, v20  }
0xd6: {  	v17 =	vor.u32 v4, v18;
	[tilespmem:v21+s15+$0x0] =	vst.idx.msk $0xffff, v13;
	v8 =	vld.idx.msk [tilespmem:v8+s3+$0x0], $0xffff  }
0xd7: {  	[tilespmem:v10+s15+$0x0] =	vst.idx.msk $0xffff, v16;
	v10 =	vor.u32 v4, v12;
	v7 =	vld.idx.msk [tilespmem:v7+s3+$0x0], $0xffff  }
0xd8: {  	[tilespmem:v5+s15+$0x0] =	vst.idx.msk $0xffff, v14  }
0xd9: {  	[tilespmem:v15+s15+$0x0] =	vst.idx.msk $0xffff, v9  }
0xda: {  	s24 =	simm.s32 $0x0;
	[tilespmem:v11+s15+$0x0] =	vst.idx.msk $0xffff, v6  }
0xdb: {  	s23 =	sand.u32 $0x70, s24;
	s24 =	sand.u32 $0xC, s24;
	[tilespmem:v17+s15+$0x0] =	vst.idx.msk $0xffff, v8  }
0xdc: {  	s25 =	sor.u32 $0x1, s24;
	s26 =	sor.u32 $0x2, s24;
	v6 =	vadd.s32 s24, v0;
	s24 =	sor.u32 $0x3, s24;
	[tilespmem:v10+s15+$0x0] =	vst.idx.msk $0xffff, v7  }
0xdd: {  	[hbm4b:s7+s16] =	stream.strided.scatter [tilespmem:s14], [sflag:$0x1], $0x4000, s17, s16, $0x38;
	[tilespmem:$0x1E400] =	vst v63  }
0xde: {  	v22 =	vor.u32 s23, v0;
	v8 =	vadd.s32 s26, v0;
	v9 =	vadd.s32 s24, v0;
	v5 =	vld [tilespmem:s23+$0x10100]  }
0xdf: {  	v13 =	vand.u32 $0xF, v6;
	v20 =	vshll.u32 v6, $0x7;
	v7 =	vadd.s32 s25, v0  }
0xe0: {  	v15 =	vand.u32 $0xF, v9;
	v11 =	vand.u32 $0xF, v8;
	v56 =	vshll.u32 v8, $0x7  }
0xe1: {  	v21 =	vshll.u32 v9, $0x7;
	v27 =	vand.u32 $0x380, v20;
	v33 =	vand.u32 $0x400, v20  }
0xe2: {  	v10 =	vand.u32 $0xF, v7;
	v17 =	vshll.u32 v7, $0x7;
	v25 =	vand.u32 $0x380, v56  }
0xe3: {  	s24 =	simm.s32 $0x4;
	v26 =	vand.u32 $0x380, v21;
	v28 =	vand.u32 $0x400, v21;
	v5 =	vshll.u32 v5, $0x6  }
0xe4: {  	s31 =	sand.u32 $0xC, s24;
	v34 =	vand.u32 $0x400, v56;
	v24 =	vand.u32 $0x380, v17;
	v12 =	vor.u32 v15, v5  }
0xe5: {  	s28 =	sor.u32 $0x1, s31;
	v21 =	vor.u32 v26, v22;
	v17 =	vand.u32 $0x400, v17;
	v14 =	vor.u32 v13, v5  }
0xe6: {  	v31 =	vor.u32 v25, v22;
	v32 =	vadd.s32 s28, v0;
	v16 =	vor.u32 v10, v5  }
0xe7: {  	v21 =	vor.u32 v28, v21;
	v30 =	vor.u32 v24, v22;
	v22 =	vor.u32 v27, v22  }
0xe8: {  	v19 =	vor.u32 v34, v31;
	v23 =	vor.u32 v33, v22;
	v22 =	vor.u32 v17, v30  }
0xe9: {  	v30 =	vor.u32 s23, v1;
	v55 =	vor.u32 v11, v5;
	v29 =	vor.u32 $0x10, v5;
	v12 =	vld.idx.msk [tilespmem:v12+s3+$0x0], $0xffff  }
0xea: {  	v28 =	vor.u32 v30, v28;
	v17 =	vor.u32 v30, v17;
	v57 =	vor.u32 v9, v29;
	v14 =	vld.idx.msk [tilespmem:v14+s3+$0x0], $0xffff  }
0xeb: {  	v28 =	vor.u32 v26, v28;
	v24 =	vor.u32 v24, v17;
	v31 =	vor.u32 v6, v29;
	v16 =	vld.idx.msk [tilespmem:v16+s3+$0x0], $0xffff  }
0xec: {  	v35 =	vor.u32 v7, v29;
	v36 =	vor.u32 v8, v29;
	v29 =	vor.u32 v30, v34  }
0xed: {  	v26 =	vor.u32 v2, v28;
	v59 =	vor.u32 v25, v29;
	v29 =	vand.u32 $0xC00, v20  }
0xee: {  	v20 =	vor.u32 v2, v24;
	v17 =	vor.u32 v2, v59;
	v18 =	vld.idx.msk [tilespmem:v55+s3+$0x0], $0xffff;
	[tilespmem:v21+s18+$0x0] =	vst.idx.msk $0xffff, v12  }
0xef: {  	v49 =	vand.u32 $0xF, v32;
	v12 =	vor.u32 v30, v27;
	v27 =	vor.u32 $0x20, v5;
	[tilespmem:v23+s18+$0x0] =	vst.idx.msk $0xffff, v14;
	v30 =	vld.idx.msk [tilespmem:v57+s3+$0x0], $0xffff  }
0xf0: {  	[tilespmem:v22+s18+$0x0] =	vst.idx.msk $0xffff, v16;
	v16 =	vor.u32 v3, v24;
	v5 =	vor.u32 $0x30, v5;
	v58 =	vor.u32 v15, v27  }
0xf1: {  	v14 =	vor.u32 v33, v12;
	[tilespmem:$0x1FF20] =	vst v19;
	v60 =	vor.u32 v13, v27;
	v37 =	vor.u32 v10, v27  }
0xf2: {  	v38 =	vor.u32 v11, v27;
	v12 =	vor.u32 v29, v12;
	v31 =	vld.idx.msk [tilespmem:v31+s3+$0x0], $0xffff;
	v25 =	vor.u32 v2, v14  }
0xf3: {  	s30 =	sand.u32 $0x70, s24;
	v29 =	vor.u32 v4, v24;
	v27 =	vor.u32 v3, v28;
	v41 =	vor.u32 v6, v5;
	v35 =	vld.idx.msk [tilespmem:v35+s3+$0x0], $0xffff  }
0xf4: {  	v63 =	vshll.u32 v32, $0x7;
	v42 =	vor.u32 v7, v5;
	v43 =	vor.u32 v9, v5;
	v39 =	vld [tilespmem:s30+$0x10100];
	[tilespmem:v26+s18+$0x0] =	vst.idx.msk $0xffff, v30  }
0xf5: {  	s26 =	sor.u32 $0x3, s31;
	v44 =	vor.u32 v8, v5;
	v5 =	vor.u32 v4, v59;
	v28 =	vor.u32 v4, v28;
	v40 =	vld.idx.msk [tilespmem:v58+s3+$0x0], $0xffff  }
0xf6: {  	v33 =	vadd.s32 s26, v0;
	[tilespmem:v19+s18+$0x0] =	vst.idx.msk $0xffff, v18;
	v61 =	vor.u32 v3, v14;
	v14 =	vor.u32 v3, v59  }
0xf7: {  	v54 =	vand.u32 $0x380, v63;
	v18 =	vor.u32 v4, v12;
	v53 =	vshll.u32 v33, $0x7;
	v36 =	vld.idx.msk [tilespmem:v36+s3+$0x0], $0xffff;
	[tilespmem:v25+s18+$0x0] =	vst.idx.msk $0xffff, v31  }
0xf8: {  	s29 =	sor.u32 $0x2, s31;
	v46 =	vand.u32 $0xF, v33;
	v19 =	vor.u32 s30, v0;
	v55 =	vand.u32 $0x380, v53;
	v45 =	vld.idx.msk [tilespmem:v60+s3+$0x0], $0xffff;
	[tilespmem:$0x1FF30] =	vst v20  }
0xf9: {  	v53 =	vand.u32 $0x400, v53;
	v30 =	vadd.s32 s31, v0;
	v31 =	vadd.s32 s29, v0;
	[tilespmem:v20+s18+$0x0] =	vst.idx.msk $0xffff, v35  }
0xfa: {  	v34 =	vshll.u32 v39, $0x6;
	v51 =	vand.u32 $0xF, v30;
	v58 =	vor.u32 v55, v19;
	v37 =	vld.idx.msk [tilespmem:v37+s3+$0x0], $0xffff;
	[tilespmem:v27+s18+$0x0] =	vst.idx.msk $0xffff, v40  }
0xfb: {  	v52 =	vshll.u32 v30, $0x7;
	v39 =	vor.u32 v46, v34;
	v62 =	vor.u32 v51, v34;
	v40 =	vld.idx.msk [tilespmem:v43+s3+$0x0], $0xffff;
	[tilespmem:$0x1FF40] =	vst v17  }
0xfc: {  	v47 =	vor.u32 v49, v34;
	v50 =	vshll.u32 v31, $0x7;
	v57 =	vand.u32 $0x380, v52;
	[tilespmem:v17+s18+$0x0] =	vst.idx.msk $0xffff, v36  }
0xfd: {  	v59 =	vor.u32 $0x10, v34;
	v58 =	vor.u32 v53, v58;
	v35 =	vand.u32 $0xF, v31;
	v38 =	vld.idx.msk [tilespmem:v38+s3+$0x0], $0xffff;
	[tilespmem:$0x1FF50] =	vst v61  }
0xfe: {  	v56 =	vand.u32 $0x380, v50;
	v48 =	vor.u32 v35, v34;
	v36 =	vand.u32 $0x400, v63;
	[tilespmem:v61+s18+$0x0] =	vst.idx.msk $0xffff, v45  }
0xff: {  	v17 =	vor.u32 v32, v59;
	v45 =	vand.u32 $0x400, v50;
	v50 =	vor.u32 s30, v1;
	v41 =	vld.idx.msk [tilespmem:v41+s3+$0x0], $0xffff;
	[tilespmem:$0x1FF60] =	vst v16  }
0x100: {  	v61 =	vor.u32 v33, v59;
	v53 =	vor.u32 v50, v53;
	[tilespmem:v16+s18+$0x0] =	vst.idx.msk $0xffff, v37;
	v37 =	vld.idx.msk [tilespmem:v39+s3+$0x0], $0xffff  }
0x101: {  	v43 =	vor.u32 v50, v57;
	[tilespmem:v28+s18+$0x0] =	vst.idx.msk $0xffff, v40;
	v60 =	vld.idx.msk [tilespmem:v62+s3+$0x0], $0xffff;
	v39 =	vor.u32 v54, v19  }
0x102: {  	v40 =	vor.u32 v56, v19;
	v47 =	vld.idx.msk [tilespmem:v47+s3+$0x0], $0xffff;
	v62 =	vand.u32 $0x400, v52;
	v19 =	vor.u32 v57, v19;
	[tilespmem:$0x1FF70] =	vst v14  }
0x103: {  	v16 =	vor.u32 v30, v59;
	v59 =	vor.u32 v31, v59;
	v63 =	vld.idx.msk [tilespmem:v48+s3+$0x0], $0xffff;
	v48 =	vor.u32 v62, v19  }
0x104: {  	v12 =	vor.u32 v36, v39;
	v36 =	vor.u32 v50, v36;
	[tilespmem:v14+s18+$0x0] =	vst.idx.msk $0xffff, v38  }
0x105: {  	v14 =	vor.u32 v45, v40;
	v39 =	vld.idx.msk [tilespmem:v42+s3+$0x0], $0xffff;
	v40 =	vand.u32 $0xC00, v52;
	[tilespmem:v58+s18+$0x0] =	vst.idx.msk $0xffff, v37  }
0x106: {  	v38 =	vor.u32 v55, v53;
	v52 =	vor.u32 $0x20, v34;
	v42 =	vor.u32 v54, v36;
	v37 =	vld.idx.msk [tilespmem:v44+s3+$0x0], $0xffff;
	[tilespmem:$0x1FF80] =	vst v18  }
0x107: {  	v53 =	vor.u32 v2, v38;
	v58 =	vor.u32 v50, v45;
	[tilespmem:v18+s18+$0x0] =	vst.idx.msk $0xffff, v41;
	v50 =	vld.idx.msk [tilespmem:v61+s3+$0x0], $0xffff  }
0x108: {  	v55 =	vor.u32 v62, v43;
	v54 =	vor.u32 v46, v52;
	[tilespmem:v48+s18+$0x0] =	vst.idx.msk $0xffff, v60  }
0x109: {  	v51 =	vor.u32 v51, v52;
	v36 =	vmov v5;
	[tilespmem:v12+s18+$0x0] =	vst.idx.msk $0xffff, v47;
	v48 =	vld.idx.msk [tilespmem:v16+s3+$0x0], $0xffff  }
0x10a: {  	v45 =	vor.u32 v49, v52;
	v41 =	vor.u32 v56, v58;
	[tilespmem:v14+s18+$0x0] =	vst.idx.msk $0xffff, v63;
	v46 =	vld.idx.msk [tilespmem:v17+s3+$0x0], $0xffff  }
0x10b: {  	v47 =	vor.u32 v2, v42;
	v56 =	vor.u32 v2, v55;
	v44 =	vor.u32 v2, v41;
	v49 =	vld.idx.msk [tilespmem:v59+s3+$0x0], $0xffff  }
.LBB2_6:
0x10c: {  	s24 =	sadd.s32 $0x4, s24;
	v12 =	vor.u32 v3, v42;
	v14 =	vor.u32 v35, v52;
	[tilespmem:v53+s18+$0x0] =	vst.idx.msk $0xffff, v50  }
0x10d: {  	v16 =	vor.u32 v3, v55;
	v17 =	vor.u32 v40, v43;
	v40 =	vor.u32 v3, v41;
	s25 =	sand.u32 $0x70, s24;
	p0 =	slt.u32 s24, $0x7C;
	v35 =	vld.idx.msk [tilespmem:v54+s3+$0x0], $0xffff  }
0x10e: {  	v34 =	vor.u32 $0x30, v34;
	v50 =	vor.u32 v3, v38;
	v43 =	vld [tilespmem:s25+$0x10100];
	[tilespmem:v29+s18+$0x0] =	vst.idx.msk $0xffff, v39;
	v29 =	vor.u32 v4, v42  }
0x10f: {  	v52 =	vor.u32 v33, v34;
	v39 =	vor.u32 v30, v34;
	v42 =	vor.u32 v32, v34  }
0x110: {  	v41 =	vor.u32 v4, v41;
	s26 =	sand.u32 $0xC, s24;
	[tilespmem:v56+s18+$0x0] =	vst.idx.msk $0xffff, v48;
	v48 =	vor.u32 v31, v34  }
0x111: {  	v17 =	vor.u32 v4, v17;
	v30 =	vadd.s32 s26, v0;
	s28 =	sor.u32 $0x1, s26;
	s29 =	sor.u32 $0x2, s26;
	s26 =	sor.u32 $0x3, s26;
	v51 =	vld.idx.msk [tilespmem:v51+s3+$0x0], $0xffff;
	[tilespmem:v47+s18+$0x0] =	vst.idx.msk $0xffff, v46  }
0x112: {  	v32 =	vadd.s32 s28, v0;
	v33 =	vadd.s32 s26, v0;
	v31 =	vadd.s32 s29, v0;
	[tilespmem:v44+s18+$0x0] =	vst.idx.msk $0xffff, v49  }
0x113: {  	v49 =	vand.u32 $0xF, v32;
	v44 =	vand.u32 $0xF, v33;
	v34 =	vshll.u32 v43, $0x6;
	v43 =	vld.idx.msk [tilespmem:v45+s3+$0x0], $0xffff;
	[tilespmem:v50+s18+$0x0] =	vst.idx.msk $0xffff, v35  }
0x114: {  	v45 =	vand.u32 $0xF, v30;
	v35 =	vand.u32 $0xF, v31;
	v46 =	vor.u32 v44, v34;
	v47 =	vld.idx.msk [tilespmem:v52+s3+$0x0], $0xffff;
	[tilespmem:v36+s18+$0x0] =	vst.idx.msk $0xffff, v37  }
0x115: {  	v38 =	vor.u32 v4, v38;
	v37 =	vor.u32 v45, v34;
	v50 =	vor.u32 v49, v34;
	v14 =	vld.idx.msk [tilespmem:v14+s3+$0x0], $0xffff  }
0x116: {  	v54 =	vshll.u32 v31, $0x7;
	v52 =	vshll.u32 v32, $0x7;
	v53 =	vor.u32 v35, v34;
	v36 =	vmovc v41  }
0x117: {  	v56 =	vshll.u32 v33, $0x7;
	v41 =	vshll.u32 v30, $0x7;
	v55 =	vand.u32 $0x380, v52;
	[tilespmem:v16+s18+$0x0] =	vst.idx.msk $0xffff, v51  }
0x118: {  	v57 =	vand.u32 $0x380, v56;
	v16 =	vor.u32 s25, v0;
	v51 =	vand.u32 $0x380, v54;
	v58 =	vld.idx.msk [tilespmem:v39+s3+$0x0], $0xffff  }
0x119: {  	v56 =	vand.u32 $0x400, v56;
	v59 =	vand.u32 $0x380, v41;
	v39 =	vor.u32 v57, v16;
	v46 =	vld.idx.msk [tilespmem:v46+s3+$0x0], $0xffff;
	[tilespmem:v12+s18+$0x0] =	vst.idx.msk $0xffff, v43  }
0x11a: {  	v52 =	vand.u32 $0x400, v52;
	v43 =	vor.u32 $0x10, v34;
	v60 =	vor.u32 v56, v39;
	v12 =	vld.idx.msk [tilespmem:v37+s3+$0x0], $0xffff;
	[tilespmem:v38+s18+$0x0] =	vst.idx.msk $0xffff, v47  }
0x11b: {  	v37 =	vor.u32 v55, v16;
	v38 =	vor.u32 v51, v16;
	v47 =	vld.idx.msk [tilespmem:v50+s3+$0x0], $0xffff;
	v50 =	vor.u32 v33, v43  }
0x11c: {  	v61 =	vand.u32 $0x400, v41;
	v16 =	vor.u32 v59, v16;
	v62 =	vld.idx.msk [tilespmem:v53+s3+$0x0], $0xffff;
	v53 =	vand.u32 $0x400, v54;
	[tilespmem:v40+s18+$0x0] =	vst.idx.msk $0xffff, v14  }
0x11d: {  	v14 =	vor.u32 v61, v16;
	v16 =	vor.u32 v52, v37;
	v63 =	vor.u32 v53, v38;
	v39 =	vld.idx.msk [tilespmem:v42+s3+$0x0], $0xffff  }
0x11e: {  	v18 =	vor.u32 v30, v43;
	v19 =	vor.u32 v32, v43;
	v42 =	vor.u32 s25, v1;
	v37 =	vld.idx.msk [tilespmem:v48+s3+$0x0], $0xffff  }
0x11f: {  	v20 =	vor.u32 v31, v43;
	v40 =	vand.u32 $0xC00, v41;
	v38 =	vor.u32 v42, v56;
	[tilespmem:v60+s18+$0x0] =	vst.idx.msk $0xffff, v46  }
0x120: {  	v41 =	vor.u32 v42, v52;
	v46 =	vor.u32 v42, v53;
	v38 =	vor.u32 v57, v38;
	v50 =	vld.idx.msk [tilespmem:v50+s3+$0x0], $0xffff  }
.Ltmp2:
0x121: {  	v43 =	vor.u32 v42, v59;
	v52 =	vor.u32 $0x20, v34;
	v53 =	vor.u32 v2, v38;
	[tilespmem:v17+s18+$0x0] =	vst.idx.msk $0xffff, v58;
	(pc) =	sbr.rel @p0 .LBB2_6-.Ltmp2, $4  }
0x122: {  	v42 =	vor.u32 v55, v41;
	v54 =	vor.u32 v44, v52;
	[tilespmem:v14+s18+$0x0] =	vst.idx.msk $0xffff, v12  }
0x123: {  	v55 =	vor.u32 v61, v43;
	v41 =	vor.u32 v51, v46;
	v48 =	vld.idx.msk [tilespmem:v18+s3+$0x0], $0xffff;
	[tilespmem:v16+s18+$0x0] =	vst.idx.msk $0xffff, v47  }
0x124: {  	v44 =	vor.u32 v2, v41;
	v47 =	vor.u32 v2, v42;
	v46 =	vld.idx.msk [tilespmem:v19+s3+$0x0], $0xffff;
	[tilespmem:v63+s18+$0x0] =	vst.idx.msk $0xffff, v62  }
0x125: {  	v56 =	vor.u32 v2, v55;
	v51 =	vor.u32 v45, v52;
	v45 =	vor.u32 v49, v52;
	v49 =	vld.idx.msk [tilespmem:v20+s3+$0x0], $0xffff  }
0x126: {  	_ =	sdelay $0x2  }
0x127: {  	v12 =	vor.u32 v35, v52  }
0x128: {  	[tilespmem:v53+s18+$0x0] =	vst.idx.msk $0xffff, v50  }
0x129: {  	v16 =	vor.u32 $0x30, v34;
	v17 =	vor.u32 v3, v38;
	v14 =	vld.idx.msk [tilespmem:v54+s3+$0x0], $0xffff;
	[tilespmem:v56+s18+$0x0] =	vst.idx.msk $0xffff, v48  }
0x12a: {  	v18 =	vor.u32 v3, v55;
	v19 =	vor.u32 v33, v16;
	v20 =	vld.idx.msk [tilespmem:v51+s3+$0x0], $0xffff;
	[tilespmem:v47+s18+$0x0] =	vst.idx.msk $0xffff, v46  }
0x12b: {  	v30 =	vor.u32 v30, v16;
	v47 =	vor.u32 v3, v42;
	[tilespmem:v44+s18+$0x0] =	vst.idx.msk $0xffff, v49;
	v48 =	vld.idx.msk [tilespmem:v45+s3+$0x0], $0xffff  }
0x12c: {  	v32 =	vor.u32 v32, v16;
	v49 =	vor.u32 v3, v41;
	v12 =	vld.idx.msk [tilespmem:v12+s3+$0x0], $0xffff  }
0x12d: {  	v16 =	vor.u32 v31, v16  }
0x12e: {  	[tilespmem:v17+s18+$0x0] =	vst.idx.msk $0xffff, v14  }
0x12f: {  	v14 =	vor.u32 v40, v43;
	v17 =	vld.idx.msk [tilespmem:v19+s3+$0x0], $0xffff;
	v19 =	vor.u32 v4, v38;
	[tilespmem:v18+s18+$0x0] =	vst.idx.msk $0xffff, v20  }
0x130: {  	v14 =	vor.u32 v4, v14;
	v18 =	vld.idx.msk [tilespmem:v30+s3+$0x0], $0xffff;
	[tilespmem:v47+s18+$0x0] =	vst.idx.msk $0xffff, v48  }
0x131: {  	v20 =	vor.u32 v4, v42;
	[tilespmem:v49+s18+$0x0] =	vst.idx.msk $0xffff, v12;
	v12 =	vld.idx.msk [tilespmem:v32+s3+$0x0], $0xffff  }
0x132: {  	[tilespmem:v29+s18+$0x0] =	vst.idx.msk $0xffff, v39;
	v29 =	vor.u32 v4, v41;
	v16 =	vld.idx.msk [tilespmem:v16+s3+$0x0], $0xffff  }
0x133: {  	[tilespmem:v36+s18+$0x0] =	vst.idx.msk $0xffff, v37  }
0x134: {  	[tilespmem:v19+s18+$0x0] =	vst.idx.msk $0xffff, v17  }
0x135: {  	[tilespmem:v14+s18+$0x0] =	vst.idx.msk $0xffff, v18  }
0x136: {  	[tilespmem:v20+s18+$0x0] =	vst.idx.msk $0xffff, v12  }
0x137: {  	[tilespmem:v29+s18+$0x0] =	vst.idx.msk $0xffff, v16  }
0x138: {  	v12 =	vld [tilespmem:s23+$0x10180];
	_ =	sdelay $0x4  }
0x139: {  	v12 =	vshll.u32 v12, $0x6  }
0x13a: {  	v14 =	vor.u32 v15, v12;
	_ =	sdelay $0x3  }
0x13b: {  	v16 =	vor.u32 v13, v12  }
0x13c: {  	v17 =	vor.u32 v10, v12;
	v18 =	vor.u32 $0x10, v12;
	v14 =	vld.idx.msk [tilespmem:v14+s3+$0x0], $0xffff  }
0x13d: {  	v19 =	vor.u32 v9, v18;
	_ =	sdelay $0x2  }
0x13e: {  	v16 =	vld.idx.msk [tilespmem:v16+s3+$0x0], $0xffff  }
0x13f: {  	v17 =	vld.idx.msk [tilespmem:v17+s3+$0x0], $0xffff;
	[tilespmem:v21+s19+$0x0] =	vst.idx.msk $0xffff, v14  }
0x140: {  	v14 =	vld.idx.msk [tilespmem:v19+s3+$0x0], $0xffff;
	_ =	sdelay $0x2  }
0x141: {  	v29 =	vor.u32 v6, v18;
	[tilespmem:v23+s19+$0x0] =	vst.idx.msk $0xffff, v16  }
0x142: {  	v20 =	vor.u32 v11, v12;
	[tilespmem:v22+s19+$0x0] =	vst.idx.msk $0xffff, v17  }
0x143: {  	[tilespmem:v26+s19+$0x0] =	vst.idx.msk $0xffff, v14  }
0x144: {  	v21 =	vld [tilespmem:$0x1FF20];
	_ =	sdelay $0x1  }
0x145: {  	v30 =	vor.u32 v7, v18;
	v16 =	vor.u32 v8, v18;
	v18 =	vld.idx.msk [tilespmem:v29+s3+$0x0], $0xffff  }
0x146: {  	v20 =	vld.idx.msk [tilespmem:v20+s3+$0x0], $0xffff;
	_ =	sdelay $0x1  }
0x147: {  	v19 =	vor.u32 $0x20, v12  }
0x148: {  	v15 =	vor.u32 v15, v19  }
0x149: {  	[tilespmem:v25+s19+$0x0] =	vst.idx.msk $0xffff, v18  }
0x14a: {  	v12 =	vor.u32 $0x30, v12;
	[tilespmem:v21+s19+$0x0] =	vst.idx.msk $0xffff, v20  }
0x14b: {  	v21 =	vor.u32 v9, v12;
	v9 =	vld [tilespmem:$0x1FF30];
	_ =	sdelay $0x1  }
0x14c: {  	v15 =	vld.idx.msk [tilespmem:v15+s3+$0x0], $0xffff  }
0x14d: {  	v17 =	vld.idx.msk [tilespmem:v30+s3+$0x0], $0xffff;
	_ =	sdelay $0x3  }
0x14e: {  	[tilespmem:v27+s19+$0x0] =	vst.idx.msk $0xffff, v15  }
0x14f: {  	[tilespmem:v9+s19+$0x0] =	vst.idx.msk $0xffff, v17  }
0x150: {  	v26 =	vld [tilespmem:$0x1FF40];
	_ =	sdelay $0x2  }
0x151: {  	v16 =	vld.idx.msk [tilespmem:v16+s3+$0x0], $0xffff;
	_ =	sdelay $0x3  }
0x152: {  	v13 =	vor.u32 v13, v19  }
0x153: {  	[tilespmem:v26+s19+$0x0] =	vst.idx.msk $0xffff, v16  }
0x154: {  	v33 =	vld [tilespmem:$0x1FF50];
	_ =	sdelay $0x2  }
0x155: {  	v18 =	vld.idx.msk [tilespmem:v13+s3+$0x0], $0xffff;
	_ =	sdelay $0x1  }
0x156: {  	s23 =	simm.s32 $0x4  }
0x157: {  	s24 =	sand.u32 $0x70, s23  }
0x158: {  	v14 =	vld [tilespmem:s24+$0x10180];
	v20 =	vor.u32 v10, v19  }
0x159: {  	[tilespmem:v33+s19+$0x0] =	vst.idx.msk $0xffff, v18  }
0x15a: {  	v37 =	vld [tilespmem:$0x1FF60];
	_ =	sdelay $0x1  }
0x15b: {  	s25 =	sand.u32 $0xC, s23;
	v22 =	vor.u32 v6, v12;
	v17 =	vld.idx.msk [tilespmem:v21+s3+$0x0], $0xffff  }
0x15c: {  	s26 =	sor.u32 $0x1, s25;
	s28 =	sor.u32 $0x2, s25;
	v6 =	vadd.s32 s25, v0;
	s25 =	sor.u32 $0x3, s25;
	v19 =	vor.u32 v11, v19;
	v11 =	vshll.u32 v14, $0x6;
	v14 =	vld.idx.msk [tilespmem:v20+s3+$0x0], $0xffff  }
0x15d: {  	v9 =	vadd.s32 s25, v0  }
0x15e: {  	v10 =	vor.u32 v4, v24;
	v24 =	vand.u32 $0xF, v9  }
0x15f: {  	v23 =	vor.u32 v7, v12;
	v7 =	vadd.s32 s28, v0;
	v15 =	vor.u32 v24, v11  }
0x160: {  	v29 =	vshll.u32 v7, $0x7;
	[tilespmem:v28+s19+$0x0] =	vst.idx.msk $0xffff, v17  }
0x161: {  	v51 =	vand.u32 $0x380, v29;
	v50 =	vshll.u32 v9, $0x7;
	[tilespmem:v37+s19+$0x0] =	vst.idx.msk $0xffff, v14  }
0x162: {  	v52 =	vand.u32 $0x380, v50;
	v18 =	vor.u32 s24, v0;
	v28 =	vand.u32 $0x400, v29;
	v29 =	vld [tilespmem:$0x1FF70]  }
0x163: {  	v32 =	vand.u32 $0x400, v50;
	v54 =	vor.u32 v52, v18  }
0x164: {  	v13 =	vand.u32 $0xF, v7;
	v36 =	vor.u32 v32, v54;
	v14 =	vld.idx.msk [tilespmem:v15+s3+$0x0], $0xffff  }
0x165: {  	v26 =	vor.u32 v13, v11;
	v19 =	vld.idx.msk [tilespmem:v19+s3+$0x0], $0xffff;
	_ =	sdelay $0x1  }
0x166: {  	v27 =	vand.u32 $0xF, v6  }
0x167: {  	v12 =	vor.u32 v8, v12;
	v8 =	vadd.s32 s26, v0;
	v20 =	vor.u32 v27, v11  }
0x168: {  	v30 =	vshll.u32 v6, $0x7;
	v25 =	vand.u32 $0xF, v8;
	[tilespmem:v36+s19+$0x0] =	vst.idx.msk $0xffff, v14  }
0x169: {  	v53 =	vand.u32 $0x380, v30;
	v21 =	vor.u32 v25, v11;
	v16 =	vshll.u32 v8, $0x7;
	v58 =	vld.idx.msk [tilespmem:v26+s3+$0x0], $0xffff;
	[tilespmem:v29+s19+$0x0] =	vst.idx.msk $0xffff, v19  }
0x16a: {  	v57 =	vand.u32 $0x400, v30;
	v31 =	vand.u32 $0x380, v16;
	v55 =	vand.u32 $0x400, v16;
	v26 =	vld [tilespmem:$0x1FF80]  }
0x16b: {  	v16 =	vor.u32 v31, v18;
	v17 =	vor.u32 v51, v18;
	v18 =	vor.u32 v53, v18  }
0x16c: {  	v20 =	vld.idx.msk [tilespmem:v20+s3+$0x0], $0xffff;
	v18 =	vor.u32 v57, v18;
	v15 =	vor.u32 $0x10, v11  }
0x16d: {  	v22 =	vld.idx.msk [tilespmem:v22+s3+$0x0], $0xffff;
	v56 =	vor.u32 v9, v15  }
0x16e: {  	v21 =	vld.idx.msk [tilespmem:v21+s3+$0x0], $0xffff;
	v59 =	vor.u32 v55, v16;
	v60 =	vor.u32 v28, v17  }
0x16f: {  	v16 =	vld.idx.msk [tilespmem:v23+s3+$0x0], $0xffff;
	v23 =	vor.u32 v6, v15;
	v61 =	vor.u32 v8, v15;
	v19 =	vor.u32 s24, v1  }
0x170: {  	v62 =	vor.u32 v7, v15;
	v15 =	vor.u32 v19, v32;
	v14 =	vld.idx.msk [tilespmem:v12+s3+$0x0], $0xffff;
	v12 =	vor.u32 v19, v55  }
0x171: {  	v63 =	vor.u32 v19, v28;
	[tilespmem:v18+s19+$0x0] =	vst.idx.msk $0xffff, v20;
	v15 =	vor.u32 v52, v15  }
0x172: {  	v28 =	vor.u32 $0x20, v11;
	v29 =	vor.u32 v2, v15;
	[tilespmem:v26+s19+$0x0] =	vst.idx.msk $0xffff, v22;
	v26 =	vld.idx.msk [tilespmem:v56+s3+$0x0], $0xffff  }
0x173: {  	v17 =	vand.u32 $0xC00, v30;
	v19 =	vor.u32 v19, v53;
	[tilespmem:v59+s19+$0x0] =	vst.idx.msk $0xffff, v21;
	v30 =	vor.u32 v24, v28  }
0x174: {  	[tilespmem:v60+s19+$0x0] =	vst.idx.msk $0xffff, v58;
	v18 =	vor.u32 v31, v12;
	v24 =	vld.idx.msk [tilespmem:v23+s3+$0x0], $0xffff;
	v31 =	vor.u32 v57, v19  }
0x175: {  	v12 =	vor.u32 v51, v63;
	v27 =	vor.u32 v27, v28;
	v21 =	vor.u32 v25, v28;
	v25 =	vld.idx.msk [tilespmem:v62+s3+$0x0], $0xffff  }
0x176: {  	v23 =	vor.u32 v2, v18;
	v20 =	vor.u32 v2, v12;
	v32 =	vor.u32 v2, v31;
	v22 =	vld.idx.msk [tilespmem:v61+s3+$0x0], $0xffff  }
.LBB2_8:
0x177: {  	s23 =	sadd.s32 $0x4, s23;
	v33 =	vor.u32 v3, v18;
	v28 =	vor.u32 v13, v28;
	[tilespmem:v29+s19+$0x0] =	vst.idx.msk $0xffff, v26  }
0x178: {  	v26 =	vor.u32 v3, v31;
	v13 =	vor.u32 v17, v19;
	v17 =	vor.u32 v3, v12;
	s24 =	sand.u32 $0x70, s23;
	p0 =	slt.u32 s23, $0x7C;
	v19 =	vld.idx.msk [tilespmem:v30+s3+$0x0], $0xffff  }
0x179: {  	v11 =	vor.u32 $0x30, v11;
	v30 =	vor.u32 v3, v15;
	v29 =	vld [tilespmem:s24+$0x10180];
	[tilespmem:v10+s19+$0x0] =	vst.idx.msk $0xffff, v16;
	v10 =	vor.u32 v4, v18  }
0x17a: {  	v31 =	vor.u32 v9, v11;
	v16 =	vor.u32 v6, v11;
	v18 =	vor.u32 v8, v11  }
0x17b: {  	v12 =	vor.u32 v4, v12;
	s25 =	sand.u32 $0xC, s23;
	[tilespmem:v32+s19+$0x0] =	vst.idx.msk $0xffff, v24;
	v24 =	vor.u32 v7, v11  }
0x17c: {  	v6 =	vadd.s32 s25, v0;
	s26 =	sor.u32 $0x1, s25;
	s28 =	sor.u32 $0x2, s25;
	s25 =	sor.u32 $0x3, s25;
	v32 =	vor.u32 v4, v13;
	v27 =	vld.idx.msk [tilespmem:v27+s3+$0x0], $0xffff;
	[tilespmem:v23+s19+$0x0] =	vst.idx.msk $0xffff, v22  }
0x17d: {  	v8 =	vadd.s32 s26, v0;
	v9 =	vadd.s32 s25, v0;
	v7 =	vadd.s32 s28, v0;
	[tilespmem:v20+s19+$0x0] =	vst.idx.msk $0xffff, v25  }
0x17e: {  	v25 =	vand.u32 $0xF, v8;
	v20 =	vand.u32 $0xF, v9;
	v11 =	vshll.u32 v29, $0x6;
	v21 =	vld.idx.msk [tilespmem:v21+s3+$0x0], $0xffff;
	[tilespmem:v30+s19+$0x0] =	vst.idx.msk $0xffff, v19  }
0x17f: {  	v34 =	vand.u32 $0xF, v6;
	v13 =	vand.u32 $0xF, v7;
	v19 =	vor.u32 v20, v11;
	v22 =	vld.idx.msk [tilespmem:v31+s3+$0x0], $0xffff;
	[tilespmem:v5+s19+$0x0] =	vst.idx.msk $0xffff, v14  }
0x180: {  	v15 =	vor.u32 v4, v15;
	v14 =	vor.u32 v34, v11;
	v23 =	vor.u32 v25, v11;
	v28 =	vld.idx.msk [tilespmem:v28+s3+$0x0], $0xffff  }
0x181: {  	v29 =	vshll.u32 v8, $0x7;
	v30 =	vor.u32 v13, v11;
	v31 =	vshll.u32 v7, $0x7;
	v5 =	vmovc v12  }
0x182: {  	v36 =	vshll.u32 v9, $0x7;
	v12 =	vshll.u32 v6, $0x7;
	v35 =	vand.u32 $0x380, v29;
	[tilespmem:v26+s19+$0x0] =	vst.idx.msk $0xffff, v27  }
0x183: {  	v37 =	vand.u32 $0x380, v36;
	v26 =	vor.u32 s24, v0;
	v27 =	vand.u32 $0x380, v31;
	v38 =	vld.idx.msk [tilespmem:v16+s3+$0x0], $0xffff  }
0x184: {  	v36 =	vand.u32 $0x400, v36;
	v39 =	vand.u32 $0x380, v12;
	v16 =	vor.u32 v37, v26;
	v19 =	vld.idx.msk [tilespmem:v19+s3+$0x0], $0xffff;
	[tilespmem:v33+s19+$0x0] =	vst.idx.msk $0xffff, v21  }
0x185: {  	v29 =	vand.u32 $0x400, v29;
	v33 =	vor.u32 $0x10, v11;
	v40 =	vor.u32 v36, v16;
	v21 =	vld.idx.msk [tilespmem:v14+s3+$0x0], $0xffff;
	[tilespmem:v15+s19+$0x0] =	vst.idx.msk $0xffff, v22  }
0x186: {  	v14 =	vor.u32 v35, v26;
	v15 =	vor.u32 v27, v26;
	v22 =	vld.idx.msk [tilespmem:v23+s3+$0x0], $0xffff;
	v23 =	vor.u32 v9, v33  }
0x187: {  	v41 =	vand.u32 $0x400, v12;
	v16 =	vor.u32 v39, v26;
	v26 =	vand.u32 $0x400, v31;
	v42 =	vld.idx.msk [tilespmem:v30+s3+$0x0], $0xffff;
	[tilespmem:v17+s19+$0x0] =	vst.idx.msk $0xffff, v28  }
0x188: {  	v43 =	vor.u32 v29, v14;
	v44 =	vor.u32 v26, v15;
	v30 =	vor.u32 v41, v16;
	v16 =	vld.idx.msk [tilespmem:v18+s3+$0x0], $0xffff  }
0x189: {  	v31 =	vor.u32 v6, v33;
	v45 =	vor.u32 v8, v33;
	v18 =	vor.u32 s24, v1;
	v14 =	vld.idx.msk [tilespmem:v24+s3+$0x0], $0xffff  }
0x18a: {  	v33 =	vor.u32 v7, v33;
	v17 =	vand.u32 $0xC00, v12;
	v12 =	vor.u32 v18, v36;
	[tilespmem:v40+s19+$0x0] =	vst.idx.msk $0xffff, v19  }
0x18b: {  	v24 =	vor.u32 v18, v29;
	v36 =	vor.u32 v18, v26;
	v15 =	vor.u32 v37, v12;
	v26 =	vld.idx.msk [tilespmem:v23+s3+$0x0], $0xffff  }
.Ltmp3:
0x18c: {  	v28 =	vor.u32 $0x20, v11;
	v19 =	vor.u32 v18, v39;
	v29 =	vor.u32 v2, v15;
	[tilespmem:v32+s19+$0x0] =	vst.idx.msk $0xffff, v38;
	(pc) =	sbr.rel @p0 .LBB2_8-.Ltmp3, $4  }
0x18d: {  	v18 =	vor.u32 v35, v24;
	[tilespmem:v30+s19+$0x0] =	vst.idx.msk $0xffff, v21;
	v30 =	vor.u32 v20, v28  }
0x18e: {  	v12 =	vor.u32 v27, v36;
	v24 =	vld.idx.msk [tilespmem:v31+s3+$0x0], $0xffff;
	v31 =	vor.u32 v41, v19;
	[tilespmem:v43+s19+$0x0] =	vst.idx.msk $0xffff, v22  }
0x18f: {  	v23 =	vor.u32 v2, v18;
	v20 =	vor.u32 v2, v12;
	v22 =	vld.idx.msk [tilespmem:v45+s3+$0x0], $0xffff;
	[tilespmem:v44+s19+$0x0] =	vst.idx.msk $0xffff, v42  }
0x190: {  	v27 =	vor.u32 v34, v28;
	v21 =	vor.u32 v25, v28;
	v32 =	vor.u32 v2, v31;
	v25 =	vld.idx.msk [tilespmem:v33+s3+$0x0], $0xffff  }
0x191: {  	_ =	sdelay $0x2  }
0x192: {  	v13 =	vor.u32 v13, v28  }
0x193: {  	[tilespmem:v29+s19+$0x0] =	vst.idx.msk $0xffff, v26  }
0x194: {  	v11 =	vor.u32 $0x30, v11;
	v55 =	vor.u32 v3, v15;
	v26 =	vld.idx.msk [tilespmem:v30+s3+$0x0], $0xffff;
	[tilespmem:v32+s19+$0x0] =	vst.idx.msk $0xffff, v24  }
0x195: {  	v56 =	vor.u32 v3, v31;
	v9 =	vor.u32 v9, v11;
	v27 =	vld.idx.msk [tilespmem:v27+s3+$0x0], $0xffff;
	[tilespmem:v23+s19+$0x0] =	vst.idx.msk $0xffff, v22  }
0x196: {  	v57 =	vor.u32 v3, v18;
	v6 =	vor.u32 v6, v11;
	[tilespmem:v20+s19+$0x0] =	vst.idx.msk $0xffff, v25;
	v58 =	vld.idx.msk [tilespmem:v21+s3+$0x0], $0xffff  }
0x197: {  	v59 =	vor.u32 v3, v12;
	v8 =	vor.u32 v8, v11;
	v13 =	vld.idx.msk [tilespmem:v13+s3+$0x0], $0xffff  }
0x198: {  	v7 =	vor.u32 v7, v11  }
0x199: {  	[tilespmem:v55+s19+$0x0] =	vst.idx.msk $0xffff, v26  }
0x19a: {  	v60 =	vor.u32 v17, v19;
	v61 =	vor.u32 v4, v15;
	v9 =	vld.idx.msk [tilespmem:v9+s3+$0x0], $0xffff;
	[tilespmem:v56+s19+$0x0] =	vst.idx.msk $0xffff, v27  }
0x19b: {  	v11 =	vor.u32 v4, v60;
	v6 =	vld.idx.msk [tilespmem:v6+s3+$0x0], $0xffff;
	[tilespmem:v57+s19+$0x0] =	vst.idx.msk $0xffff, v58  }
0x19c: {  	v62 =	vor.u32 v4, v18;
	[tilespmem:v59+s19+$0x0] =	vst.idx.msk $0xffff, v13;
	v8 =	vld.idx.msk [tilespmem:v8+s3+$0x0], $0xffff  }
0x19d: {  	[tilespmem:v10+s19+$0x0] =	vst.idx.msk $0xffff, v16;
	v63 =	vor.u32 v4, v12;
	v7 =	vld.idx.msk [tilespmem:v7+s3+$0x0], $0xffff  }
0x19e: {  	[tilespmem:v5+s19+$0x0] =	vst.idx.msk $0xffff, v14  }
0x19f: {  	[tilespmem:v61+s19+$0x0] =	vst.idx.msk $0xffff, v9  }
0x1a0: {  	[tilespmem:v11+s19+$0x0] =	vst.idx.msk $0xffff, v6  }
0x1a1: {  	[tilespmem:v62+s19+$0x0] =	vst.idx.msk $0xffff, v8  }
0x1a2: {  	s23 =	simm.s32 $0x0;
	[tilespmem:v63+s19+$0x0] =	vst.idx.msk $0xffff, v7  }
0x1a3: {  	[hbm4b:s8+s16] =	stream.strided.scatter [tilespmem:s18], [sflag:$0x2], $0x4000, s17, s16, $0x38;
	[tilespmem:$0x1E400] =	vst v63  }
.LBB2_10:
0x1a4: {  	s23 =	sadd.s32 $0x1, s23  }
0x1a5: {  	s24 =	sshll.u32 s23, $0x9  }
0x1a6: {  	s24 =	sand.u32 $0x3FFFFE00, s24  }
0x1a7: {  	s25 =	sadd.s32 $0x10000, s24  }
0x1a8: {  	v5 =	vmov s25;
	_ =	sdelay $0x1  }
0x1a9: {  	_ =	swait.ge [sflag:s20], $0x4000  }
0x1aa: {  	s30 =	simm.s32 $0x0;
	[sflag:s20] =	ssyncset.done $0x0  }
0x1ab: {  	s26 =	sand.u32 $0x70, s30;
	[sflag:s20] =	ssyncadd.s32 $0xFFFFC000  }
0x1ac: {  	s25 =	sand.u32 $0xC, s30;
	v6 =	vld.idx.msk [tilespmem:v5+s26+$0x0 ss:$0x1], $0xffff  }
0x1ad: {  	v24 =	vor.u32 s26, v0;
	v34 =	vor.u32 s26, v1;
	s28 =	sor.u32 $0x1, s25;
	v7 =	vadd.s32 s25, v0;
	s29 =	sor.u32 $0x2, s25;
	s25 =	sor.u32 $0x3, s25  }
0x1ae: {  	v8 =	vadd.s32 s28, v0;
	v9 =	vadd.s32 s29, v0;
	v10 =	vadd.s32 s25, v0  }
0x1af: {  	v13 =	vand.u32 $0xF, v7;
	v21 =	vshll.u32 v7, $0x7;
	v11 =	vand.u32 $0xF, v8  }
0x1b0: {  	v12 =	vand.u32 $0xF, v10;
	v14 =	vand.u32 $0xF, v9;
	v18 =	vshll.u32 v8, $0x7  }
0x1b1: {  	v20 =	vshll.u32 v9, $0x7;
	v23 =	vshll.u32 v10, $0x7;
	v6 =	vshll.u32 v6, $0x6  }
0x1b2: {  	v27 =	vand.u32 $0x380, v21;
	v33 =	vand.u32 $0x400, v21;
	v15 =	vor.u32 v12, v6  }
0x1b3: {  	v22 =	vand.u32 $0x380, v18;
	v25 =	vand.u32 $0x380, v20;
	v16 =	vor.u32 v13, v6  }
0x1b4: {  	v26 =	vand.u32 $0x380, v23;
	v23 =	vand.u32 $0x400, v23;
	v17 =	vor.u32 v11, v6  }
0x1b5: {  	v18 =	vand.u32 $0x400, v18;
	v28 =	vor.u32 v26, v24;
	v19 =	vor.u32 v14, v6  }
0x1b6: {  	v30 =	vor.u32 v22, v24;
	v31 =	vor.u32 v25, v24;
	v24 =	vor.u32 v27, v24  }
0x1b7: {  	v20 =	vand.u32 $0x400, v20;
	v28 =	vor.u32 v23, v28;
	v24 =	vor.u32 v33, v24;
	v15 =	vld.idx.msk [tilespmem:v15+s3+$0x0], $0xffff  }
0x1b8: {  	v30 =	vor.u32 v18, v30;
	v31 =	vor.u32 v20, v31;
	v23 =	vor.u32 v34, v23;
	v16 =	vld.idx.msk [tilespmem:v16+s3+$0x0], $0xffff  }
0x1b9: {  	v18 =	vor.u32 v34, v18;
	v20 =	vor.u32 v34, v20;
	v29 =	vor.u32 $0x10, v6;
	v17 =	vld.idx.msk [tilespmem:v17+s3+$0x0], $0xffff  }
0x1ba: {  	v23 =	vor.u32 v26, v23;
	v26 =	vor.u32 $0x20, v6;
	v32 =	vor.u32 v10, v29;
	v19 =	vld.idx.msk [tilespmem:v19+s3+$0x0], $0xffff  }
0x1bb: {  	v35 =	vor.u32 v7, v29;
	v36 =	vor.u32 v8, v29;
	v29 =	vor.u32 v9, v29  }
0x1bc: {  	v12 =	vor.u32 v12, v26;
	v13 =	vor.u32 v13, v26;
	[tilespmem:v28+s14+$0x0] =	vst.idx.msk $0xffff, v15  }
0x1bd: {  	s25 =	simm.s32 $0x4;
	v15 =	vor.u32 v34, v27;
	v27 =	vor.u32 v2, v23;
	[tilespmem:v24+s14+$0x0] =	vst.idx.msk $0xffff, v16  }
0x1be: {  	s26 =	sand.u32 $0x70, s25;
	v16 =	vor.u32 v22, v18;
	v18 =	vand.u32 $0xC00, v21;
	[tilespmem:v30+s14+$0x0] =	vst.idx.msk $0xffff, v17;
	v17 =	vor.u32 v25, v20  }
0x1bf: {  	[tilespmem:v31+s14+$0x0] =	vst.idx.msk $0xffff, v19;
	v30 =	vor.u32 v11, v26;
	v31 =	vld.idx.msk [tilespmem:v5+s26+$0x0 ss:$0x1], $0xffff;
	v26 =	vor.u32 v14, v26  }
0x1c0: {  	v14 =	vor.u32 $0x30, v6;
	v28 =	vld.idx.msk [tilespmem:v32+s3+$0x0], $0xffff;
	v21 =	vor.u32 v33, v15;
	v22 =	vor.u32 v2, v16  }
0x1c1: {  	v19 =	vor.u32 v2, v17;
	v24 =	vld.idx.msk [tilespmem:v36+s3+$0x0], $0xffff;
	v56 =	vor.u32 v3, v16;
	v11 =	vor.u32 v18, v15  }
0x1c2: {  	s28 =	sand.u32 $0xC, s25;
	v18 =	vor.u32 v3, v17;
	v6 =	vor.u32 v4, v16;
	v16 =	vor.u32 v3, v23;
	v29 =	vld.idx.msk [tilespmem:v29+s3+$0x0], $0xffff  }
0x1c3: {  	s31 =	sor.u32 $0x1, s28;
	v20 =	vld.idx.msk [tilespmem:v35+s3+$0x0], $0xffff;
	v57 =	vor.u32 v10, v14;
	v58 =	vor.u32 v9, v14;
	v25 =	vor.u32 v2, v21  }
0x1c4: {  	s30 =	sor.u32 $0x2, s28;
	v10 =	vadd.s32 s31, v0;
	v23 =	vor.u32 v4, v23;
	v21 =	vor.u32 v3, v21  }
0x1c5: {  	v9 =	vadd.s32 s30, v0;
	v59 =	vor.u32 v4, v11;
	[tilespmem:v27+s14+$0x0] =	vst.idx.msk $0xffff, v28;
	v27 =	vor.u32 v7, v14  }
0x1c6: {  	v28 =	vor.u32 v8, v14;
	v7 =	vor.u32 v4, v17;
	[tilespmem:v22+s14+$0x0] =	vst.idx.msk $0xffff, v24;
	v15 =	vld.idx.msk [tilespmem:v12+s3+$0x0], $0xffff  }
0x1c7: {  	v8 =	vadd.s32 s28, v0;
	s28 =	sor.u32 $0x3, s28;
	v14 =	vand.u32 $0xF, v9;
	[tilespmem:v19+s14+$0x0] =	vst.idx.msk $0xffff, v29;
	v19 =	vshll.u32 v10, $0x7  }
0x1c8: {  	[tilespmem:v25+s14+$0x0] =	vst.idx.msk $0xffff, v20;
	v11 =	vadd.s32 s28, v0;
	v12 =	vshll.u32 v31, $0x6;
	v22 =	vld.idx.msk [tilespmem:v30+s3+$0x0], $0xffff;
	v31 =	vshll.u32 v9, $0x7  }
0x1c9: {  	v60 =	vshll.u32 v8, $0x7;
	v61 =	vand.u32 $0x380, v19;
	v17 =	vld.idx.msk [tilespmem:v13+s3+$0x0], $0xffff;
	v29 =	vor.u32 v14, v12  }
0x1ca: {  	v41 =	vand.u32 $0x400, v19;
	v13 =	vand.u32 $0xF, v10;
	v20 =	vand.u32 $0xF, v11  }
0x1cb: {  	v26 =	vld.idx.msk [tilespmem:v26+s3+$0x0], $0xffff;
	v37 =	vshll.u32 v11, $0x7;
	v38 =	vand.u32 $0x380, v31;
	[tilespmem:v16+s14+$0x0] =	vst.idx.msk $0xffff, v15;
	v16 =	vor.u32 v20, v12  }
0x1cc: {  	v40 =	vand.u32 $0x380, v60;
	v30 =	vor.u32 v13, v12;
	v15 =	vand.u32 $0xF, v8;
	v24 =	vld.idx.msk [tilespmem:v57+s3+$0x0], $0xffff  }
0x1cd: {  	v62 =	vor.u32 $0x10, v12;
	v46 =	vand.u32 $0x400, v60;
	[tilespmem:v56+s14+$0x0] =	vst.idx.msk $0xffff, v22;
	v25 =	vor.u32 v15, v12  }
0x1ce: {  	v44 =	vor.u32 v11, v62;
	[tilespmem:v21+s14+$0x0] =	vst.idx.msk $0xffff, v17;
	v17 =	vor.u32 s26, v0;
	v21 =	vand.u32 $0x380, v37;
	v22 =	vld.idx.msk [tilespmem:v29+s3+$0x0], $0xffff  }
0x1cf: {  	v48 =	vor.u32 v8, v62;
	v37 =	vand.u32 $0x400, v37;
	v39 =	vld.idx.msk [tilespmem:v27+s3+$0x0], $0xffff;
	v27 =	vor.u32 v21, v17  }
0x1d0: {  	[tilespmem:v18+s14+$0x0] =	vst.idx.msk $0xffff, v26;
	v19 =	vor.u32 v61, v17;
	v42 =	vor.u32 v37, v27;
	v16 =	vld.idx.msk [tilespmem:v16+s3+$0x0], $0xffff  }
0x1d1: {  	v45 =	vld.idx.msk [tilespmem:v30+s3+$0x0], $0xffff;
	[tilespmem:v23+s14+$0x0] =	vst.idx.msk $0xffff, v24;
	v23 =	vor.u32 v38, v17;
	v17 =	vor.u32 v40, v17  }
0x1d2: {  	v30 =	vand.u32 $0x400, v31;
	v47 =	vor.u32 v41, v19;
	v43 =	vld.idx.msk [tilespmem:v25+s3+$0x0], $0xffff;
	v26 =	vor.u32 v46, v17  }
0x1d3: {  	v18 =	vld.idx.msk [tilespmem:v28+s3+$0x0], $0xffff;
	v27 =	vor.u32 v10, v62;
	v24 =	vor.u32 v30, v23;
	v23 =	vor.u32 s26, v1  }
0x1d4: {  	v29 =	vor.u32 $0x20, v12;
	v25 =	vor.u32 v9, v62;
	[tilespmem:v59+s14+$0x0] =	vst.idx.msk $0xffff, v39;
	v17 =	vor.u32 v23, v37  }
0x1d5: {  	v19 =	vand.u32 $0xC00, v60;
	v31 =	vor.u32 v23, v41;
	v17 =	vor.u32 v21, v17;
	[tilespmem:v42+s14+$0x0] =	vst.idx.msk $0xffff, v16  }
0x1d6: {  	v63 =	vor.u32 v23, v30;
	v23 =	vor.u32 v23, v40;
	v30 =	vor.u32 v2, v17;
	v28 =	vld.idx.msk [tilespmem:v44+s3+$0x0], $0xffff  }
0x1d7: {  	v21 =	vor.u32 v61, v31;
	v31 =	vor.u32 v20, v29;
	v16 =	vld.idx.msk [tilespmem:v58+s3+$0x0], $0xffff;
	[tilespmem:v26+s14+$0x0] =	vst.idx.msk $0xffff, v43  }
0x1d8: {  	[tilespmem:v47+s14+$0x0] =	vst.idx.msk $0xffff, v45;
	v32 =	vor.u32 v46, v23;
	v20 =	vor.u32 v38, v63;
	v26 =	vld.idx.msk [tilespmem:v48+s3+$0x0], $0xffff  }
.LBB2_11:
0x1d9: {  	s25 =	sadd.s32 $0x4, s25;
	v27 =	vld.idx.msk [tilespmem:v27+s3+$0x0], $0xffff;
	v33 =	vor.u32 v2, v21;
	[tilespmem:v24+s14+$0x0] =	vst.idx.msk $0xffff, v22;
	v22 =	vor.u32 v2, v20  }
0x1da: {  	v24 =	vor.u32 v2, v32;
	v15 =	vor.u32 v15, v29;
	v34 =	vor.u32 v13, v29;
	s26 =	sand.u32 $0x70, s25;
	p0 =	slt.u32 s25, $0x7C;
	v13 =	vld.idx.msk [tilespmem:v25+s3+$0x0], $0xffff  }
0x1db: {  	v35 =	vor.u32 v3, v21;
	v29 =	vor.u32 v14, v29;
	v25 =	vld.idx.msk [tilespmem:v5+s26+$0x0 ss:$0x1], $0xffff;
	[tilespmem:v30+s14+$0x0] =	vst.idx.msk $0xffff, v28  }
0x1dc: {  	v14 =	vor.u32 v19, v23;
	v19 =	vor.u32 v3, v20;
	v28 =	vor.u32 v3, v32;
	v23 =	vld.idx.msk [tilespmem:v31+s3+$0x0], $0xffff  }
0x1dd: {  	v12 =	vor.u32 $0x30, v12;
	v30 =	vor.u32 v3, v17;
	[tilespmem:v6+s14+$0x0] =	vst.idx.msk $0xffff, v18;
	v6 =	vor.u32 v4, v21  }
0x1de: {  	v31 =	vor.u32 v11, v12;
	v18 =	vor.u32 v8, v12;
	v21 =	vor.u32 v10, v12  }
0x1df: {  	v20 =	vor.u32 v4, v20;
	s28 =	sand.u32 $0xC, s25;
	[tilespmem:v24+s14+$0x0] =	vst.idx.msk $0xffff, v26;
	v26 =	vor.u32 v9, v12  }
0x1e0: {  	s29 =	sor.u32 $0x1, s28;
	s30 =	sor.u32 $0x2, s28;
	v32 =	vor.u32 v4, v14;
	v8 =	vadd.s32 s28, v0;
	s28 =	sor.u32 $0x3, s28;
	v24 =	vld.idx.msk [tilespmem:v15+s3+$0x0], $0xffff;
	[tilespmem:v33+s14+$0x0] =	vst.idx.msk $0xffff, v27  }
0x1e1: {  	v10 =	vadd.s32 s29, v0;
	v11 =	vadd.s32 s28, v0;
	v9 =	vadd.s32 s30, v0;
	[tilespmem:v22+s14+$0x0] =	vst.idx.msk $0xffff, v13  }
0x1e2: {  	v12 =	vshll.u32 v25, $0x6;
	v33 =	vand.u32 $0xF, v11;
	v13 =	vand.u32 $0xF, v10;
	v22 =	vld.idx.msk [tilespmem:v34+s3+$0x0], $0xffff;
	[tilespmem:v30+s14+$0x0] =	vst.idx.msk $0xffff, v23  }
0x1e3: {  	v15 =	vand.u32 $0xF, v8;
	v14 =	vand.u32 $0xF, v9;
	v23 =	vor.u32 v33, v12;
	v25 =	vld.idx.msk [tilespmem:v31+s3+$0x0], $0xffff;
	[tilespmem:v7+s14+$0x0] =	vst.idx.msk $0xffff, v16  }
0x1e4: {  	v17 =	vor.u32 v4, v17;
	v27 =	vor.u32 v13, v12;
	v16 =	vor.u32 v15, v12;
	v29 =	vld.idx.msk [tilespmem:v29+s3+$0x0], $0xffff  }
0x1e5: {  	v30 =	vshll.u32 v10, $0x7;
	v34 =	vshll.u32 v9, $0x7;
	v31 =	vor.u32 v14, v12;
	v7 =	vmovc v20  }
0x1e6: {  	v37 =	vshll.u32 v11, $0x7;
	v20 =	vshll.u32 v8, $0x7;
	v36 =	vand.u32 $0x380, v30;
	[tilespmem:v28+s14+$0x0] =	vst.idx.msk $0xffff, v24  }
0x1e7: {  	v39 =	vand.u32 $0x380, v37;
	v38 =	vand.u32 $0x380, v34;
	v24 =	vor.u32 s26, v0;
	v40 =	vld.idx.msk [tilespmem:v18+s3+$0x0], $0xffff  }
0x1e8: {  	v41 =	vand.u32 $0x380, v20;
	v28 =	vand.u32 $0x400, v37;
	v18 =	vor.u32 v39, v24;
	v23 =	vld.idx.msk [tilespmem:v23+s3+$0x0], $0xffff;
	[tilespmem:v35+s14+$0x0] =	vst.idx.msk $0xffff, v22  }
0x1e9: {  	v30 =	vand.u32 $0x400, v30;
	v37 =	vor.u32 $0x10, v12;
	v42 =	vor.u32 v28, v18;
	v35 =	vld.idx.msk [tilespmem:v16+s3+$0x0], $0xffff;
	[tilespmem:v17+s14+$0x0] =	vst.idx.msk $0xffff, v25  }
0x1ea: {  	v44 =	vor.u32 v11, v37;
	v16 =	vor.u32 v36, v24;
	v17 =	vor.u32 v38, v24;
	v43 =	vld.idx.msk [tilespmem:v27+s3+$0x0], $0xffff  }
0x1eb: {  	v45 =	vand.u32 $0x400, v20;
	v18 =	vor.u32 v41, v24;
	v22 =	vld.idx.msk [tilespmem:v31+s3+$0x0], $0xffff;
	v31 =	vand.u32 $0x400, v34;
	[tilespmem:v19+s14+$0x0] =	vst.idx.msk $0xffff, v29  }
0x1ec: {  	v46 =	vor.u32 v30, v16;
	v34 =	vor.u32 v45, v18;
	v24 =	vor.u32 v31, v17;
	v18 =	vld.idx.msk [tilespmem:v21+s3+$0x0], $0xffff  }
0x1ed: {  	v47 =	vor.u32 v8, v37;
	v27 =	vor.u32 v10, v37;
	v21 =	vor.u32 s26, v1;
	v16 =	vld.idx.msk [tilespmem:v26+s3+$0x0], $0xffff  }
.Ltmp4:
0x1ee: {  	v25 =	vor.u32 v9, v37;
	v19 =	vand.u32 $0xC00, v20;
	v17 =	vor.u32 v21, v28;
	[tilespmem:v42+s14+$0x0] =	vst.idx.msk $0xffff, v23;
	(pc) =	sbr.rel @p0 .LBB2_11-.Ltmp4, $4  }
0x1ef: {  	v20 =	vor.u32 v21, v30;
	v37 =	vor.u32 v21, v31;
	v17 =	vor.u32 v39, v17;
	v28 =	vld.idx.msk [tilespmem:v44+s3+$0x0], $0xffff  }
0x1f0: {  	v29 =	vor.u32 $0x20, v12;
	v23 =	vor.u32 v21, v41;
	v30 =	vor.u32 v2, v17;
	[tilespmem:v32+s14+$0x0] =	vst.idx.msk $0xffff, v40  }
0x1f1: {  	v31 =	vor.u32 v33, v29;
	v21 =	vor.u32 v36, v20;
	[tilespmem:v34+s14+$0x0] =	vst.idx.msk $0xffff, v35  }
0x1f2: {  	v20 =	vor.u32 v38, v37;
	v32 =	vor.u32 v45, v23;
	v26 =	vld.idx.msk [tilespmem:v47+s3+$0x0], $0xffff;
	[tilespmem:v46+s14+$0x0] =	vst.idx.msk $0xffff, v43  }
0x1f3: {  	_ = 	snop  }
0x1f4: {  	v5 =	vor.u32 v2, v32  }
0x1f5: {  	v15 =	vor.u32 v15, v29;
	_ =	sdelay $0x1  }
0x1f6: {  	v27 =	vld.idx.msk [tilespmem:v27+s3+$0x0], $0xffff;
	v33 =	vor.u32 v2, v21;
	[tilespmem:v24+s14+$0x0] =	vst.idx.msk $0xffff, v22  }
0x1f7: {  	v22 =	vor.u32 v2, v20;
	v13 =	vor.u32 v13, v29;
	v24 =	vld.idx.msk [tilespmem:v25+s3+$0x0], $0xffff  }
0x1f8: {  	v14 =	vor.u32 v14, v29;
	[tilespmem:v5+s14+$0x0] =	vst.idx.msk $0xffff, v26  }
0x1f9: {  	v12 =	vor.u32 $0x30, v12;
	v5 =	vor.u32 v3, v32;
	v15 =	vld.idx.msk [tilespmem:v15+s3+$0x0], $0xffff  }
0x1fa: {  	[tilespmem:v30+s14+$0x0] =	vst.idx.msk $0xffff, v28;
	v8 =	vor.u32 v8, v12  }
0x1fb: {  	v28 =	vor.u32 v3, v17;
	v25 =	vld.idx.msk [tilespmem:v31+s3+$0x0], $0xffff;
	[tilespmem:v33+s14+$0x0] =	vst.idx.msk $0xffff, v27  }
0x1fc: {  	v11 =	vor.u32 v11, v12;
	v26 =	vor.u32 v3, v21;
	[tilespmem:v22+s14+$0x0] =	vst.idx.msk $0xffff, v24;
	v13 =	vld.idx.msk [tilespmem:v13+s3+$0x0], $0xffff  }
0x1fd: {  	v10 =	vor.u32 v10, v12;
	v22 =	vor.u32 v3, v20;
	v14 =	vld.idx.msk [tilespmem:v14+s3+$0x0], $0xffff  }
0x1fe: {  	v9 =	vor.u32 v9, v12;
	v12 =	vor.u32 v19, v23;
	[tilespmem:v5+s14+$0x0] =	vst.idx.msk $0xffff, v15  }
0x1ff: {  	v5 =	vor.u32 v4, v12;
	v8 =	vld.idx.msk [tilespmem:v8+s3+$0x0], $0xffff  }
0x200: {  	[tilespmem:v28+s14+$0x0] =	vst.idx.msk $0xffff, v25  }
0x201: {  	v17 =	vor.u32 v4, v17;
	v11 =	vld.idx.msk [tilespmem:v11+s3+$0x0], $0xffff;
	[tilespmem:v26+s14+$0x0] =	vst.idx.msk $0xffff, v13  }
0x202: {  	v12 =	vor.u32 v4, v21;
	[tilespmem:v22+s14+$0x0] =	vst.idx.msk $0xffff, v14;
	v10 =	vld.idx.msk [tilespmem:v10+s3+$0x0], $0xffff  }
0x203: {  	[tilespmem:v6+s14+$0x0] =	vst.idx.msk $0xffff, v18;
	v6 =	vor.u32 v4, v20;
	s25 =	sadd.s32 $0x10080, s24;
	v9 =	vld.idx.msk [tilespmem:v9+s3+$0x0], $0xffff  }
0x204: {  	[tilespmem:v5+s14+$0x0] =	vst.idx.msk $0xffff, v8;
	v5 =	vmov s25  }
0x205: {  	[tilespmem:v7+s14+$0x0] =	vst.idx.msk $0xffff, v16  }
0x206: {  	[tilespmem:v17+s14+$0x0] =	vst.idx.msk $0xffff, v11  }
0x207: {  	s30 =	simm.s32 $0x0;
	[tilespmem:v12+s14+$0x0] =	vst.idx.msk $0xffff, v10  }
0x208: {  	s26 =	sand.u32 $0x70, s30;
	[tilespmem:v6+s14+$0x0] =	vst.idx.msk $0xffff, v9  }
0x209: {  	s25 =	sand.u32 $0xC, s30;
	v6 =	vld.idx.msk [tilespmem:v5+s26+$0x0 ss:$0x1], $0xffff  }
0x20a: {  	v34 =	vor.u32 s26, v1;
	v24 =	vor.u32 s26, v0;
	s28 =	sor.u32 $0x1, s25;
	v7 =	vadd.s32 s25, v0;
	s29 =	sor.u32 $0x2, s25;
	s25 =	sor.u32 $0x3, s25  }
0x20b: {  	v8 =	vadd.s32 s28, v0;
	v9 =	vadd.s32 s29, v0;
	v10 =	vadd.s32 s25, v0  }
0x20c: {  	v13 =	vand.u32 $0xF, v7;
	v21 =	vshll.u32 v7, $0x7;
	v11 =	vand.u32 $0xF, v8  }
0x20d: {  	v12 =	vand.u32 $0xF, v10;
	v14 =	vand.u32 $0xF, v9;
	v18 =	vshll.u32 v8, $0x7  }
0x20e: {  	v20 =	vshll.u32 v9, $0x7;
	v23 =	vshll.u32 v10, $0x7;
	v6 =	vshll.u32 v6, $0x6  }
0x20f: {  	v27 =	vand.u32 $0x380, v21;
	v55 =	vand.u32 $0x400, v21;
	v15 =	vor.u32 v12, v6  }
0x210: {  	v22 =	vand.u32 $0x380, v18;
	v25 =	vand.u32 $0x380, v20;
	v16 =	vor.u32 v13, v6  }
0x211: {  	v26 =	vand.u32 $0x380, v23;
	v23 =	vand.u32 $0x400, v23;
	v17 =	vor.u32 v11, v6  }
0x212: {  	v18 =	vand.u32 $0x400, v18;
	v28 =	vor.u32 v26, v24;
	v19 =	vor.u32 v14, v6  }
0x213: {  	v30 =	vor.u32 v22, v24;
	v31 =	vor.u32 v25, v24;
	v24 =	vor.u32 v27, v24  }
0x214: {  	v20 =	vand.u32 $0x400, v20;
	v28 =	vor.u32 v23, v28;
	v24 =	vor.u32 v55, v24;
	v15 =	vld.idx.msk [tilespmem:v15+s3+$0x0], $0xffff  }
0x215: {  	v30 =	vor.u32 v18, v30;
	v31 =	vor.u32 v20, v31;
	v23 =	vor.u32 v34, v23;
	v16 =	vld.idx.msk [tilespmem:v16+s3+$0x0], $0xffff  }
0x216: {  	v18 =	vor.u32 v34, v18;
	v20 =	vor.u32 v34, v20;
	v29 =	vor.u32 $0x10, v6;
	v17 =	vld.idx.msk [tilespmem:v17+s3+$0x0], $0xffff  }
0x217: {  	v23 =	vor.u32 v26, v23;
	v26 =	vor.u32 $0x20, v6;
	v54 =	vor.u32 v10, v29;
	v19 =	vld.idx.msk [tilespmem:v19+s3+$0x0], $0xffff  }
0x218: {  	v35 =	vor.u32 v7, v29;
	v36 =	vor.u32 v8, v29;
	v29 =	vor.u32 v9, v29  }
0x219: {  	v12 =	vor.u32 v12, v26;
	v13 =	vor.u32 v13, v26;
	[tilespmem:v28+s15+$0x0] =	vst.idx.msk $0xffff, v15  }
0x21a: {  	s25 =	simm.s32 $0x4;
	v15 =	vor.u32 v34, v27;
	v27 =	vor.u32 v2, v23;
	[tilespmem:v24+s15+$0x0] =	vst.idx.msk $0xffff, v16  }
0x21b: {  	s26 =	sand.u32 $0x70, s25;
	v16 =	vor.u32 v22, v18;
	v18 =	vand.u32 $0xC00, v21;
	[tilespmem:v30+s15+$0x0] =	vst.idx.msk $0xffff, v17;
	v17 =	vor.u32 v25, v20  }
0x21c: {  	[tilespmem:v31+s15+$0x0] =	vst.idx.msk $0xffff, v19;
	v30 =	vor.u32 v11, v26;
	v31 =	vld.idx.msk [tilespmem:v5+s26+$0x0 ss:$0x1], $0xffff;
	v26 =	vor.u32 v14, v26  }
0x21d: {  	v14 =	vor.u32 $0x30, v6;
	v28 =	vld.idx.msk [tilespmem:v54+s3+$0x0], $0xffff;
	v21 =	vor.u32 v55, v15;
	v22 =	vor.u32 v2, v16  }
0x21e: {  	v19 =	vor.u32 v2, v17;
	v24 =	vld.idx.msk [tilespmem:v36+s3+$0x0], $0xffff;
	v56 =	vor.u32 v3, v16;
	v11 =	vor.u32 v18, v15  }
0x21f: {  	s28 =	sand.u32 $0xC, s25;
	v18 =	vor.u32 v3, v17;
	v6 =	vor.u32 v4, v16;
	v16 =	vor.u32 v3, v23;
	v29 =	vld.idx.msk [tilespmem:v29+s3+$0x0], $0xffff  }
0x220: {  	s31 =	sor.u32 $0x1, s28;
	v20 =	vld.idx.msk [tilespmem:v35+s3+$0x0], $0xffff;
	v57 =	vor.u32 v10, v14;
	v58 =	vor.u32 v9, v14;
	v25 =	vor.u32 v2, v21  }
0x221: {  	s30 =	sor.u32 $0x2, s28;
	v10 =	vadd.s32 s31, v0;
	v23 =	vor.u32 v4, v23;
	v21 =	vor.u32 v3, v21  }
0x222: {  	v9 =	vadd.s32 s30, v0;
	v59 =	vor.u32 v4, v11;
	[tilespmem:v27+s15+$0x0] =	vst.idx.msk $0xffff, v28;
	v27 =	vor.u32 v7, v14  }
0x223: {  	v28 =	vor.u32 v8, v14;
	v7 =	vor.u32 v4, v17;
	[tilespmem:v22+s15+$0x0] =	vst.idx.msk $0xffff, v24;
	v15 =	vld.idx.msk [tilespmem:v12+s3+$0x0], $0xffff  }
0x224: {  	v8 =	vadd.s32 s28, v0;
	s28 =	sor.u32 $0x3, s28;
	v14 =	vand.u32 $0xF, v9;
	[tilespmem:v19+s15+$0x0] =	vst.idx.msk $0xffff, v29;
	v19 =	vshll.u32 v10, $0x7  }
0x225: {  	[tilespmem:v25+s15+$0x0] =	vst.idx.msk $0xffff, v20;
	v11 =	vadd.s32 s28, v0;
	v12 =	vshll.u32 v31, $0x6;
	v22 =	vld.idx.msk [tilespmem:v30+s3+$0x0], $0xffff;
	v31 =	vshll.u32 v9, $0x7  }
0x226: {  	v60 =	vshll.u32 v8, $0x7;
	v61 =	vand.u32 $0x380, v19;
	v17 =	vld.idx.msk [tilespmem:v13+s3+$0x0], $0xffff;
	v29 =	vor.u32 v14, v12  }
0x227: {  	v41 =	vand.u32 $0x400, v19;
	v13 =	vand.u32 $0xF, v10;
	v20 =	vand.u32 $0xF, v11  }
0x228: {  	v26 =	vld.idx.msk [tilespmem:v26+s3+$0x0], $0xffff;
	v37 =	vshll.u32 v11, $0x7;
	v38 =	vand.u32 $0x380, v31;
	[tilespmem:v16+s15+$0x0] =	vst.idx.msk $0xffff, v15;
	v16 =	vor.u32 v20, v12  }
0x229: {  	v40 =	vand.u32 $0x380, v60;
	v30 =	vor.u32 v13, v12;
	v15 =	vand.u32 $0xF, v8;
	v24 =	vld.idx.msk [tilespmem:v57+s3+$0x0], $0xffff  }
0x22a: {  	v62 =	vor.u32 $0x10, v12;
	v46 =	vand.u32 $0x400, v60;
	[tilespmem:v56+s15+$0x0] =	vst.idx.msk $0xffff, v22;
	v25 =	vor.u32 v15, v12  }
0x22b: {  	v44 =	vor.u32 v11, v62;
	[tilespmem:v21+s15+$0x0] =	vst.idx.msk $0xffff, v17;
	v17 =	vor.u32 s26, v0;
	v21 =	vand.u32 $0x380, v37;
	v22 =	vld.idx.msk [tilespmem:v29+s3+$0x0], $0xffff  }
0x22c: {  	v48 =	vor.u32 v8, v62;
	v37 =	vand.u32 $0x400, v37;
	v39 =	vld.idx.msk [tilespmem:v27+s3+$0x0], $0xffff;
	v27 =	vor.u32 v21, v17  }
0x22d: {  	[tilespmem:v18+s15+$0x0] =	vst.idx.msk $0xffff, v26;
	v19 =	vor.u32 v61, v17;
	v42 =	vor.u32 v37, v27;
	v16 =	vld.idx.msk [tilespmem:v16+s3+$0x0], $0xffff  }
0x22e: {  	v45 =	vld.idx.msk [tilespmem:v30+s3+$0x0], $0xffff;
	[tilespmem:v23+s15+$0x0] =	vst.idx.msk $0xffff, v24;
	v23 =	vor.u32 v38, v17;
	v17 =	vor.u32 v40, v17  }
0x22f: {  	v30 =	vand.u32 $0x400, v31;
	v47 =	vor.u32 v41, v19;
	v43 =	vld.idx.msk [tilespmem:v25+s3+$0x0], $0xffff;
	v26 =	vor.u32 v46, v17  }
0x230: {  	v18 =	vld.idx.msk [tilespmem:v28+s3+$0x0], $0xffff;
	v27 =	vor.u32 v10, v62;
	v24 =	vor.u32 v30, v23;
	v23 =	vor.u32 s26, v1  }
0x231: {  	v29 =	vor.u32 $0x20, v12;
	v25 =	vor.u32 v9, v62;
	[tilespmem:v59+s15+$0x0] =	vst.idx.msk $0xffff, v39;
	v17 =	vor.u32 v23, v37  }
0x232: {  	v19 =	vand.u32 $0xC00, v60;
	v31 =	vor.u32 v23, v41;
	v17 =	vor.u32 v21, v17;
	[tilespmem:v42+s15+$0x0] =	vst.idx.msk $0xffff, v16  }
0x233: {  	v63 =	vor.u32 v23, v30;
	v23 =	vor.u32 v23, v40;
	v30 =	vor.u32 v2, v17;
	v28 =	vld.idx.msk [tilespmem:v44+s3+$0x0], $0xffff  }
0x234: {  	v21 =	vor.u32 v61, v31;
	v31 =	vor.u32 v20, v29;
	v16 =	vld.idx.msk [tilespmem:v58+s3+$0x0], $0xffff;
	[tilespmem:v26+s15+$0x0] =	vst.idx.msk $0xffff, v43  }
0x235: {  	[tilespmem:v47+s15+$0x0] =	vst.idx.msk $0xffff, v45;
	v32 =	vor.u32 v46, v23;
	v20 =	vor.u32 v38, v63;
	v26 =	vld.idx.msk [tilespmem:v48+s3+$0x0], $0xffff  }
.LBB2_13:
0x236: {  	s25 =	sadd.s32 $0x4, s25;
	v27 =	vld.idx.msk [tilespmem:v27+s3+$0x0], $0xffff;
	v33 =	vor.u32 v2, v21;
	[tilespmem:v24+s15+$0x0] =	vst.idx.msk $0xffff, v22;
	v22 =	vor.u32 v2, v20  }
0x237: {  	v24 =	vor.u32 v2, v32;
	v15 =	vor.u32 v15, v29;
	v34 =	vor.u32 v13, v29;
	s26 =	sand.u32 $0x70, s25;
	p0 =	slt.u32 s25, $0x7C;
	v13 =	vld.idx.msk [tilespmem:v25+s3+$0x0], $0xffff  }
0x238: {  	v35 =	vor.u32 v3, v21;
	v29 =	vor.u32 v14, v29;
	v25 =	vld.idx.msk [tilespmem:v5+s26+$0x0 ss:$0x1], $0xffff;
	[tilespmem:v30+s15+$0x0] =	vst.idx.msk $0xffff, v28  }
0x239: {  	v14 =	vor.u32 v19, v23;
	v19 =	vor.u32 v3, v20;
	v28 =	vor.u32 v3, v32;
	v23 =	vld.idx.msk [tilespmem:v31+s3+$0x0], $0xffff  }
0x23a: {  	v12 =	vor.u32 $0x30, v12;
	v30 =	vor.u32 v3, v17;
	[tilespmem:v6+s15+$0x0] =	vst.idx.msk $0xffff, v18;
	v6 =	vor.u32 v4, v21  }
0x23b: {  	v31 =	vor.u32 v11, v12;
	v18 =	vor.u32 v8, v12;
	v21 =	vor.u32 v10, v12  }
0x23c: {  	v20 =	vor.u32 v4, v20;
	s28 =	sand.u32 $0xC, s25;
	[tilespmem:v24+s15+$0x0] =	vst.idx.msk $0xffff, v26;
	v26 =	vor.u32 v9, v12  }
0x23d: {  	s29 =	sor.u32 $0x1, s28;
	s30 =	sor.u32 $0x2, s28;
	v32 =	vor.u32 v4, v14;
	v8 =	vadd.s32 s28, v0;
	s28 =	sor.u32 $0x3, s28;
	v24 =	vld.idx.msk [tilespmem:v15+s3+$0x0], $0xffff;
	[tilespmem:v33+s15+$0x0] =	vst.idx.msk $0xffff, v27  }
0x23e: {  	v10 =	vadd.s32 s29, v0;
	v11 =	vadd.s32 s28, v0;
	v9 =	vadd.s32 s30, v0;
	[tilespmem:v22+s15+$0x0] =	vst.idx.msk $0xffff, v13  }
0x23f: {  	v12 =	vshll.u32 v25, $0x6;
	v33 =	vand.u32 $0xF, v11;
	v13 =	vand.u32 $0xF, v10;
	v22 =	vld.idx.msk [tilespmem:v34+s3+$0x0], $0xffff;
	[tilespmem:v30+s15+$0x0] =	vst.idx.msk $0xffff, v23  }
0x240: {  	v15 =	vand.u32 $0xF, v8;
	v14 =	vand.u32 $0xF, v9;
	v23 =	vor.u32 v33, v12;
	v25 =	vld.idx.msk [tilespmem:v31+s3+$0x0], $0xffff;
	[tilespmem:v7+s15+$0x0] =	vst.idx.msk $0xffff, v16  }
0x241: {  	v17 =	vor.u32 v4, v17;
	v27 =	vor.u32 v13, v12;
	v16 =	vor.u32 v15, v12;
	v29 =	vld.idx.msk [tilespmem:v29+s3+$0x0], $0xffff  }
0x242: {  	v30 =	vshll.u32 v10, $0x7;
	v34 =	vshll.u32 v9, $0x7;
	v31 =	vor.u32 v14, v12;
	v7 =	vmovc v20  }
0x243: {  	v37 =	vshll.u32 v11, $0x7;
	v20 =	vshll.u32 v8, $0x7;
	v36 =	vand.u32 $0x380, v30;
	[tilespmem:v28+s15+$0x0] =	vst.idx.msk $0xffff, v24  }
0x244: {  	v39 =	vand.u32 $0x380, v37;
	v38 =	vand.u32 $0x380, v34;
	v24 =	vor.u32 s26, v0;
	v40 =	vld.idx.msk [tilespmem:v18+s3+$0x0], $0xffff  }
0x245: {  	v41 =	vand.u32 $0x380, v20;
	v28 =	vand.u32 $0x400, v37;
	v18 =	vor.u32 v39, v24;
	v23 =	vld.idx.msk [tilespmem:v23+s3+$0x0], $0xffff;
	[tilespmem:v35+s15+$0x0] =	vst.idx.msk $0xffff, v22  }
0x246: {  	v30 =	vand.u32 $0x400, v30;
	v37 =	vor.u32 $0x10, v12;
	v42 =	vor.u32 v28, v18;
	v35 =	vld.idx.msk [tilespmem:v16+s3+$0x0], $0xffff;
	[tilespmem:v17+s15+$0x0] =	vst.idx.msk $0xffff, v25  }
0x247: {  	v44 =	vor.u32 v11, v37;
	v16 =	vor.u32 v36, v24;
	v17 =	vor.u32 v38, v24;
	v43 =	vld.idx.msk [tilespmem:v27+s3+$0x0], $0xffff  }
0x248: {  	v45 =	vand.u32 $0x400, v20;
	v18 =	vor.u32 v41, v24;
	v22 =	vld.idx.msk [tilespmem:v31+s3+$0x0], $0xffff;
	v31 =	vand.u32 $0x400, v34;
	[tilespmem:v19+s15+$0x0] =	vst.idx.msk $0xffff, v29  }
0x249: {  	v46 =	vor.u32 v30, v16;
	v34 =	vor.u32 v45, v18;
	v24 =	vor.u32 v31, v17;
	v18 =	vld.idx.msk [tilespmem:v21+s3+$0x0], $0xffff  }
0x24a: {  	v47 =	vor.u32 v8, v37;
	v27 =	vor.u32 v10, v37;
	v21 =	vor.u32 s26, v1;
	v16 =	vld.idx.msk [tilespmem:v26+s3+$0x0], $0xffff  }
.Ltmp5:
0x24b: {  	v25 =	vor.u32 v9, v37;
	v19 =	vand.u32 $0xC00, v20;
	v17 =	vor.u32 v21, v28;
	[tilespmem:v42+s15+$0x0] =	vst.idx.msk $0xffff, v23;
	(pc) =	sbr.rel @p0 .LBB2_13-.Ltmp5, $4  }
0x24c: {  	v20 =	vor.u32 v21, v30;
	v37 =	vor.u32 v21, v31;
	v17 =	vor.u32 v39, v17;
	v28 =	vld.idx.msk [tilespmem:v44+s3+$0x0], $0xffff  }
0x24d: {  	v29 =	vor.u32 $0x20, v12;
	v23 =	vor.u32 v21, v41;
	v30 =	vor.u32 v2, v17;
	[tilespmem:v32+s15+$0x0] =	vst.idx.msk $0xffff, v40  }
0x24e: {  	v31 =	vor.u32 v33, v29;
	v21 =	vor.u32 v36, v20;
	[tilespmem:v34+s15+$0x0] =	vst.idx.msk $0xffff, v35  }
0x24f: {  	v20 =	vor.u32 v38, v37;
	v32 =	vor.u32 v45, v23;
	v26 =	vld.idx.msk [tilespmem:v47+s3+$0x0], $0xffff;
	[tilespmem:v46+s15+$0x0] =	vst.idx.msk $0xffff, v43  }
0x250: {  	_ =	sdelay $0x2  }
0x251: {  	v5 =	vor.u32 v2, v32  }
0x252: {  	v27 =	vld.idx.msk [tilespmem:v27+s3+$0x0], $0xffff;
	v33 =	vor.u32 v2, v21;
	[tilespmem:v24+s15+$0x0] =	vst.idx.msk $0xffff, v22;
	v15 =	vor.u32 v15, v29  }
0x253: {  	v22 =	vor.u32 v2, v20;
	v13 =	vor.u32 v13, v29;
	v24 =	vld.idx.msk [tilespmem:v25+s3+$0x0], $0xffff  }
0x254: {  	v14 =	vor.u32 v14, v29  }
0x255: {  	[tilespmem:v30+s15+$0x0] =	vst.idx.msk $0xffff, v28  }
0x256: {  	v12 =	vor.u32 $0x30, v12;
	v28 =	vor.u32 v3, v17;
	v25 =	vld.idx.msk [tilespmem:v31+s3+$0x0], $0xffff;
	[tilespmem:v5+s15+$0x0] =	vst.idx.msk $0xffff, v26  }
0x257: {  	v11 =	vor.u32 v11, v12;
	v5 =	vor.u32 v3, v32;
	[tilespmem:v33+s15+$0x0] =	vst.idx.msk $0xffff, v27;
	v15 =	vld.idx.msk [tilespmem:v15+s3+$0x0], $0xffff  }
0x258: {  	v8 =	vor.u32 v8, v12;
	v26 =	vor.u32 v3, v21;
	[tilespmem:v22+s15+$0x0] =	vst.idx.msk $0xffff, v24;
	v13 =	vld.idx.msk [tilespmem:v13+s3+$0x0], $0xffff  }
0x259: {  	v10 =	vor.u32 v10, v12;
	v22 =	vor.u32 v3, v20;
	v14 =	vld.idx.msk [tilespmem:v14+s3+$0x0], $0xffff  }
0x25a: {  	v9 =	vor.u32 v9, v12  }
0x25b: {  	[tilespmem:v28+s15+$0x0] =	vst.idx.msk $0xffff, v25  }
0x25c: {  	v12 =	vor.u32 v19, v23;
	v17 =	vor.u32 v4, v17;
	v11 =	vld.idx.msk [tilespmem:v11+s3+$0x0], $0xffff;
	[tilespmem:v5+s15+$0x0] =	vst.idx.msk $0xffff, v15  }
0x25d: {  	v5 =	vor.u32 v4, v12;
	[tilespmem:v26+s15+$0x0] =	vst.idx.msk $0xffff, v13;
	v8 =	vld.idx.msk [tilespmem:v8+s3+$0x0], $0xffff  }
0x25e: {  	v12 =	vor.u32 v4, v21;
	[tilespmem:v22+s15+$0x0] =	vst.idx.msk $0xffff, v14;
	v10 =	vld.idx.msk [tilespmem:v10+s3+$0x0], $0xffff  }
0x25f: {  	[tilespmem:v6+s15+$0x0] =	vst.idx.msk $0xffff, v18;
	v6 =	vor.u32 v4, v20;
	v9 =	vld.idx.msk [tilespmem:v9+s3+$0x0], $0xffff  }
0x260: {  	[tilespmem:v7+s15+$0x0] =	vst.idx.msk $0xffff, v16  }
0x261: {  	s25 =	sshll.u32 s23, $0x14;
	[tilespmem:v17+s15+$0x0] =	vst.idx.msk $0xffff, v11  }
0x262: {  	s25 =	sor.u32 s6, s25;
	[tilespmem:v5+s15+$0x0] =	vst.idx.msk $0xffff, v8  }
0x263: {  	s25 =	sshrl.u32 s25, $0x3;
	[tilespmem:v12+s15+$0x0] =	vst.idx.msk $0xffff, v10  }
0x264: {  	s26 =	sshll.u32 s23, $0x2;
	s25 =	sadd.s32 s2, s25;
	[tilespmem:v6+s15+$0x0] =	vst.idx.msk $0xffff, v9  }
0x265: {  	[hbm4b:s25+s16] =	stream.strided.scatter [tilespmem:s14], [sflag:$0x1], $0x4000, s17, s16, $0x38;
	[tilespmem:$0x1E400] =	vst v63  }
0x266: {  	s25 =	sor.u32 $0x2, s26  }
0x267: {  	s26 =	sshll.u32 s25, $0x7  }
0x268: {  	s26 =	sand.u32 $0x3FFFFF00, s26  }
0x269: {  	s26 =	sadd.s32 $0x10000, s26  }
0x26a: {  	v5 =	vmov s26;
	_ =	sdelay $0x1  }
0x26b: {  	_ =	swait.ge [sflag:s21], $0x4000  }
0x26c: {  	s31 =	simm.s32 $0x0;
	[sflag:s21] =	ssyncset.done $0x0  }
0x26d: {  	s28 =	sand.u32 $0x70, s31;
	[sflag:s21] =	ssyncadd.s32 $0xFFFFC000  }
0x26e: {  	s26 =	sand.u32 $0xC, s31;
	v6 =	vld.idx.msk [tilespmem:v5+s28+$0x0 ss:$0x1], $0xffff  }
0x26f: {  	v34 =	vor.u32 s28, v1;
	v24 =	vor.u32 s28, v0;
	s29 =	sor.u32 $0x1, s26;
	v7 =	vadd.s32 s26, v0;
	s30 =	sor.u32 $0x2, s26;
	s26 =	sor.u32 $0x3, s26  }
0x270: {  	v8 =	vadd.s32 s29, v0;
	v9 =	vadd.s32 s30, v0;
	v10 =	vadd.s32 s26, v0  }
0x271: {  	v13 =	vand.u32 $0xF, v7;
	v21 =	vshll.u32 v7, $0x7;
	v11 =	vand.u32 $0xF, v8  }
0x272: {  	v12 =	vand.u32 $0xF, v10;
	v14 =	vand.u32 $0xF, v9;
	v18 =	vshll.u32 v8, $0x7  }
0x273: {  	v20 =	vshll.u32 v9, $0x7;
	v23 =	vshll.u32 v10, $0x7;
	v6 =	vshll.u32 v6, $0x6  }
0x274: {  	v27 =	vand.u32 $0x380, v21;
	v55 =	vand.u32 $0x400, v21;
	v15 =	vor.u32 v12, v6  }
0x275: {  	v22 =	vand.u32 $0x380, v18;
	v25 =	vand.u32 $0x380, v20;
	v16 =	vor.u32 v13, v6  }
0x276: {  	v26 =	vand.u32 $0x380, v23;
	v23 =	vand.u32 $0x400, v23;
	v17 =	vor.u32 v11, v6  }
0x277: {  	v18 =	vand.u32 $0x400, v18;
	v28 =	vor.u32 v26, v24;
	v19 =	vor.u32 v14, v6  }
0x278: {  	v30 =	vor.u32 v22, v24;
	v31 =	vor.u32 v25, v24;
	v24 =	vor.u32 v27, v24  }
0x279: {  	v20 =	vand.u32 $0x400, v20;
	v28 =	vor.u32 v23, v28;
	v24 =	vor.u32 v55, v24;
	v15 =	vld.idx.msk [tilespmem:v15+s3+$0x0], $0xffff  }
0x27a: {  	v30 =	vor.u32 v18, v30;
	v31 =	vor.u32 v20, v31;
	v23 =	vor.u32 v34, v23;
	v16 =	vld.idx.msk [tilespmem:v16+s3+$0x0], $0xffff  }
0x27b: {  	v18 =	vor.u32 v34, v18;
	v20 =	vor.u32 v34, v20;
	v29 =	vor.u32 $0x10, v6;
	v17 =	vld.idx.msk [tilespmem:v17+s3+$0x0], $0xffff  }
0x27c: {  	v23 =	vor.u32 v26, v23;
	v26 =	vor.u32 $0x20, v6;
	v54 =	vor.u32 v10, v29;
	v19 =	vld.idx.msk [tilespmem:v19+s3+$0x0], $0xffff  }
0x27d: {  	v35 =	vor.u32 v7, v29;
	v36 =	vor.u32 v8, v29;
	v29 =	vor.u32 v9, v29  }
0x27e: {  	v12 =	vor.u32 v12, v26;
	v13 =	vor.u32 v13, v26;
	[tilespmem:v28+s18+$0x0] =	vst.idx.msk $0xffff, v15  }
0x27f: {  	s26 =	simm.s32 $0x4;
	v15 =	vor.u32 v34, v27;
	v27 =	vor.u32 v2, v23;
	[tilespmem:v24+s18+$0x0] =	vst.idx.msk $0xffff, v16  }
0x280: {  	s28 =	sand.u32 $0x70, s26;
	v16 =	vor.u32 v22, v18;
	v18 =	vand.u32 $0xC00, v21;
	[tilespmem:v30+s18+$0x0] =	vst.idx.msk $0xffff, v17;
	v17 =	vor.u32 v25, v20  }
0x281: {  	[tilespmem:v31+s18+$0x0] =	vst.idx.msk $0xffff, v19;
	v30 =	vor.u32 v11, v26;
	v31 =	vld.idx.msk [tilespmem:v5+s28+$0x0 ss:$0x1], $0xffff;
	v26 =	vor.u32 v14, v26  }
0x282: {  	v14 =	vor.u32 $0x30, v6;
	v28 =	vld.idx.msk [tilespmem:v54+s3+$0x0], $0xffff;
	v21 =	vor.u32 v55, v15;
	v22 =	vor.u32 v2, v16  }
0x283: {  	v19 =	vor.u32 v2, v17;
	v24 =	vld.idx.msk [tilespmem:v36+s3+$0x0], $0xffff;
	v56 =	vor.u32 v3, v16;
	v11 =	vor.u32 v18, v15  }
0x284: {  	s29 =	sand.u32 $0xC, s26;
	v18 =	vor.u32 v3, v17;
	v6 =	vor.u32 v4, v16;
	v16 =	vor.u32 v3, v23;
	v29 =	vld.idx.msk [tilespmem:v29+s3+$0x0], $0xffff  }
0x285: {  	s30 =	sor.u32 $0x1, s29;
	v20 =	vld.idx.msk [tilespmem:v35+s3+$0x0], $0xffff;
	v57 =	vor.u32 v10, v14;
	v58 =	vor.u32 v9, v14;
	v25 =	vor.u32 v2, v21  }
0x286: {  	s31 =	sor.u32 $0x2, s29;
	v10 =	vadd.s32 s30, v0;
	v23 =	vor.u32 v4, v23;
	v21 =	vor.u32 v3, v21  }
0x287: {  	v9 =	vadd.s32 s31, v0;
	v59 =	vor.u32 v4, v11;
	[tilespmem:v27+s18+$0x0] =	vst.idx.msk $0xffff, v28;
	v27 =	vor.u32 v7, v14  }
0x288: {  	v28 =	vor.u32 v8, v14;
	v7 =	vor.u32 v4, v17;
	[tilespmem:v22+s18+$0x0] =	vst.idx.msk $0xffff, v24;
	v15 =	vld.idx.msk [tilespmem:v12+s3+$0x0], $0xffff  }
0x289: {  	v8 =	vadd.s32 s29, v0;
	s29 =	sor.u32 $0x3, s29;
	v14 =	vand.u32 $0xF, v9;
	[tilespmem:v19+s18+$0x0] =	vst.idx.msk $0xffff, v29;
	v19 =	vshll.u32 v10, $0x7  }
0x28a: {  	[tilespmem:v25+s18+$0x0] =	vst.idx.msk $0xffff, v20;
	v11 =	vadd.s32 s29, v0;
	v12 =	vshll.u32 v31, $0x6;
	v22 =	vld.idx.msk [tilespmem:v30+s3+$0x0], $0xffff;
	v31 =	vshll.u32 v9, $0x7  }
0x28b: {  	v60 =	vshll.u32 v8, $0x7;
	v61 =	vand.u32 $0x380, v19;
	v17 =	vld.idx.msk [tilespmem:v13+s3+$0x0], $0xffff;
	v29 =	vor.u32 v14, v12  }
0x28c: {  	v41 =	vand.u32 $0x400, v19;
	v13 =	vand.u32 $0xF, v10;
	v20 =	vand.u32 $0xF, v11  }
0x28d: {  	v26 =	vld.idx.msk [tilespmem:v26+s3+$0x0], $0xffff;
	v37 =	vshll.u32 v11, $0x7;
	v38 =	vand.u32 $0x380, v31;
	[tilespmem:v16+s18+$0x0] =	vst.idx.msk $0xffff, v15;
	v16 =	vor.u32 v20, v12  }
0x28e: {  	v40 =	vand.u32 $0x380, v60;
	v30 =	vor.u32 v13, v12;
	v15 =	vand.u32 $0xF, v8;
	v24 =	vld.idx.msk [tilespmem:v57+s3+$0x0], $0xffff  }
0x28f: {  	v62 =	vor.u32 $0x10, v12;
	v46 =	vand.u32 $0x400, v60;
	[tilespmem:v56+s18+$0x0] =	vst.idx.msk $0xffff, v22;
	v25 =	vor.u32 v15, v12  }
0x290: {  	v44 =	vor.u32 v11, v62;
	[tilespmem:v21+s18+$0x0] =	vst.idx.msk $0xffff, v17;
	v17 =	vor.u32 s28, v0;
	v21 =	vand.u32 $0x380, v37;
	v22 =	vld.idx.msk [tilespmem:v29+s3+$0x0], $0xffff  }
0x291: {  	v48 =	vor.u32 v8, v62;
	v37 =	vand.u32 $0x400, v37;
	v39 =	vld.idx.msk [tilespmem:v27+s3+$0x0], $0xffff;
	v27 =	vor.u32 v21, v17  }
0x292: {  	[tilespmem:v18+s18+$0x0] =	vst.idx.msk $0xffff, v26;
	v19 =	vor.u32 v61, v17;
	v42 =	vor.u32 v37, v27;
	v16 =	vld.idx.msk [tilespmem:v16+s3+$0x0], $0xffff  }
0x293: {  	v45 =	vld.idx.msk [tilespmem:v30+s3+$0x0], $0xffff;
	[tilespmem:v23+s18+$0x0] =	vst.idx.msk $0xffff, v24;
	v23 =	vor.u32 v38, v17;
	v17 =	vor.u32 v40, v17  }
0x294: {  	v30 =	vand.u32 $0x400, v31;
	v47 =	vor.u32 v41, v19;
	v43 =	vld.idx.msk [tilespmem:v25+s3+$0x0], $0xffff;
	v26 =	vor.u32 v46, v17  }
0x295: {  	v18 =	vld.idx.msk [tilespmem:v28+s3+$0x0], $0xffff;
	v27 =	vor.u32 v10, v62;
	v24 =	vor.u32 v30, v23;
	v23 =	vor.u32 s28, v1  }
0x296: {  	v29 =	vor.u32 $0x20, v12;
	v25 =	vor.u32 v9, v62;
	[tilespmem:v59+s18+$0x0] =	vst.idx.msk $0xffff, v39;
	v17 =	vor.u32 v23, v37  }
0x297: {  	v19 =	vand.u32 $0xC00, v60;
	v31 =	vor.u32 v23, v41;
	v17 =	vor.u32 v21, v17;
	[tilespmem:v42+s18+$0x0] =	vst.idx.msk $0xffff, v16  }
0x298: {  	v63 =	vor.u32 v23, v30;
	v23 =	vor.u32 v23, v40;
	v30 =	vor.u32 v2, v17;
	v28 =	vld.idx.msk [tilespmem:v44+s3+$0x0], $0xffff  }
0x299: {  	v21 =	vor.u32 v61, v31;
	v31 =	vor.u32 v20, v29;
	v16 =	vld.idx.msk [tilespmem:v58+s3+$0x0], $0xffff;
	[tilespmem:v26+s18+$0x0] =	vst.idx.msk $0xffff, v43  }
0x29a: {  	[tilespmem:v47+s18+$0x0] =	vst.idx.msk $0xffff, v45;
	v32 =	vor.u32 v46, v23;
	v20 =	vor.u32 v38, v63;
	v26 =	vld.idx.msk [tilespmem:v48+s3+$0x0], $0xffff  }
.LBB2_15:
0x29b: {  	s26 =	sadd.s32 $0x4, s26;
	v27 =	vld.idx.msk [tilespmem:v27+s3+$0x0], $0xffff;
	v33 =	vor.u32 v2, v21;
	[tilespmem:v24+s18+$0x0] =	vst.idx.msk $0xffff, v22;
	v22 =	vor.u32 v2, v20  }
0x29c: {  	v24 =	vor.u32 v2, v32;
	v15 =	vor.u32 v15, v29;
	v34 =	vor.u32 v13, v29;
	s28 =	sand.u32 $0x70, s26;
	p0 =	slt.u32 s26, $0x7C;
	v13 =	vld.idx.msk [tilespmem:v25+s3+$0x0], $0xffff  }
0x29d: {  	v35 =	vor.u32 v3, v21;
	v29 =	vor.u32 v14, v29;
	v25 =	vld.idx.msk [tilespmem:v5+s28+$0x0 ss:$0x1], $0xffff;
	[tilespmem:v30+s18+$0x0] =	vst.idx.msk $0xffff, v28  }
0x29e: {  	v14 =	vor.u32 v19, v23;
	v19 =	vor.u32 v3, v20;
	v28 =	vor.u32 v3, v32;
	v23 =	vld.idx.msk [tilespmem:v31+s3+$0x0], $0xffff  }
0x29f: {  	v12 =	vor.u32 $0x30, v12;
	v30 =	vor.u32 v3, v17;
	[tilespmem:v6+s18+$0x0] =	vst.idx.msk $0xffff, v18;
	v6 =	vor.u32 v4, v21  }
0x2a0: {  	v31 =	vor.u32 v11, v12;
	v18 =	vor.u32 v8, v12;
	v21 =	vor.u32 v10, v12  }
0x2a1: {  	v20 =	vor.u32 v4, v20;
	s29 =	sand.u32 $0xC, s26;
	[tilespmem:v24+s18+$0x0] =	vst.idx.msk $0xffff, v26;
	v26 =	vor.u32 v9, v12  }
0x2a2: {  	s30 =	sor.u32 $0x1, s29;
	s31 =	sor.u32 $0x2, s29;
	v32 =	vor.u32 v4, v14;
	v8 =	vadd.s32 s29, v0;
	s29 =	sor.u32 $0x3, s29;
	v24 =	vld.idx.msk [tilespmem:v15+s3+$0x0], $0xffff;
	[tilespmem:v33+s18+$0x0] =	vst.idx.msk $0xffff, v27  }
0x2a3: {  	v10 =	vadd.s32 s30, v0;
	v11 =	vadd.s32 s29, v0;
	v9 =	vadd.s32 s31, v0;
	[tilespmem:v22+s18+$0x0] =	vst.idx.msk $0xffff, v13  }
0x2a4: {  	v12 =	vshll.u32 v25, $0x6;
	v33 =	vand.u32 $0xF, v11;
	v13 =	vand.u32 $0xF, v10;
	v22 =	vld.idx.msk [tilespmem:v34+s3+$0x0], $0xffff;
	[tilespmem:v30+s18+$0x0] =	vst.idx.msk $0xffff, v23  }
0x2a5: {  	v15 =	vand.u32 $0xF, v8;
	v14 =	vand.u32 $0xF, v9;
	v23 =	vor.u32 v33, v12;
	v25 =	vld.idx.msk [tilespmem:v31+s3+$0x0], $0xffff;
	[tilespmem:v7+s18+$0x0] =	vst.idx.msk $0xffff, v16  }
0x2a6: {  	v17 =	vor.u32 v4, v17;
	v27 =	vor.u32 v13, v12;
	v16 =	vor.u32 v15, v12;
	v29 =	vld.idx.msk [tilespmem:v29+s3+$0x0], $0xffff  }
0x2a7: {  	v30 =	vshll.u32 v10, $0x7;
	v34 =	vshll.u32 v9, $0x7;
	v31 =	vor.u32 v14, v12;
	v7 =	vmovc v20  }
0x2a8: {  	v37 =	vshll.u32 v11, $0x7;
	v20 =	vshll.u32 v8, $0x7;
	v36 =	vand.u32 $0x380, v30;
	[tilespmem:v28+s18+$0x0] =	vst.idx.msk $0xffff, v24  }
0x2a9: {  	v39 =	vand.u32 $0x380, v37;
	v38 =	vand.u32 $0x380, v34;
	v24 =	vor.u32 s28, v0;
	v40 =	vld.idx.msk [tilespmem:v18+s3+$0x0], $0xffff  }
0x2aa: {  	v41 =	vand.u32 $0x380, v20;
	v28 =	vand.u32 $0x400, v37;
	v18 =	vor.u32 v39, v24;
	v23 =	vld.idx.msk [tilespmem:v23+s3+$0x0], $0xffff;
	[tilespmem:v35+s18+$0x0] =	vst.idx.msk $0xffff, v22  }
0x2ab: {  	v30 =	vand.u32 $0x400, v30;
	v37 =	vor.u32 $0x10, v12;
	v42 =	vor.u32 v28, v18;
	v35 =	vld.idx.msk [tilespmem:v16+s3+$0x0], $0xffff;
	[tilespmem:v17+s18+$0x0] =	vst.idx.msk $0xffff, v25  }
0x2ac: {  	v44 =	vor.u32 v11, v37;
	v16 =	vor.u32 v36, v24;
	v17 =	vor.u32 v38, v24;
	v43 =	vld.idx.msk [tilespmem:v27+s3+$0x0], $0xffff  }
0x2ad: {  	v45 =	vand.u32 $0x400, v20;
	v18 =	vor.u32 v41, v24;
	v22 =	vld.idx.msk [tilespmem:v31+s3+$0x0], $0xffff;
	v31 =	vand.u32 $0x400, v34;
	[tilespmem:v19+s18+$0x0] =	vst.idx.msk $0xffff, v29  }
0x2ae: {  	v46 =	vor.u32 v30, v16;
	v34 =	vor.u32 v45, v18;
	v24 =	vor.u32 v31, v17;
	v18 =	vld.idx.msk [tilespmem:v21+s3+$0x0], $0xffff  }
0x2af: {  	v47 =	vor.u32 v8, v37;
	v27 =	vor.u32 v10, v37;
	v21 =	vor.u32 s28, v1;
	v16 =	vld.idx.msk [tilespmem:v26+s3+$0x0], $0xffff  }
.Ltmp6:
0x2b0: {  	v25 =	vor.u32 v9, v37;
	v19 =	vand.u32 $0xC00, v20;
	v17 =	vor.u32 v21, v28;
	[tilespmem:v42+s18+$0x0] =	vst.idx.msk $0xffff, v23;
	(pc) =	sbr.rel @p0 .LBB2_15-.Ltmp6, $4  }
0x2b1: {  	v20 =	vor.u32 v21, v30;
	v37 =	vor.u32 v21, v31;
	v17 =	vor.u32 v39, v17;
	v28 =	vld.idx.msk [tilespmem:v44+s3+$0x0], $0xffff  }
0x2b2: {  	v29 =	vor.u32 $0x20, v12;
	v23 =	vor.u32 v21, v41;
	v30 =	vor.u32 v2, v17;
	[tilespmem:v32+s18+$0x0] =	vst.idx.msk $0xffff, v40  }
0x2b3: {  	v31 =	vor.u32 v33, v29;
	v21 =	vor.u32 v36, v20;
	[tilespmem:v34+s18+$0x0] =	vst.idx.msk $0xffff, v35  }
0x2b4: {  	v20 =	vor.u32 v38, v37;
	v32 =	vor.u32 v45, v23;
	v26 =	vld.idx.msk [tilespmem:v47+s3+$0x0], $0xffff;
	[tilespmem:v46+s18+$0x0] =	vst.idx.msk $0xffff, v43  }
0x2b5: {  	_ = 	snop  }
0x2b6: {  	v5 =	vor.u32 v2, v32  }
0x2b7: {  	v15 =	vor.u32 v15, v29;
	_ =	sdelay $0x1  }
0x2b8: {  	v27 =	vld.idx.msk [tilespmem:v27+s3+$0x0], $0xffff;
	v33 =	vor.u32 v2, v21;
	[tilespmem:v24+s18+$0x0] =	vst.idx.msk $0xffff, v22  }
0x2b9: {  	v22 =	vor.u32 v2, v20;
	v13 =	vor.u32 v13, v29;
	v24 =	vld.idx.msk [tilespmem:v25+s3+$0x0], $0xffff  }
0x2ba: {  	v14 =	vor.u32 v14, v29;
	[tilespmem:v5+s18+$0x0] =	vst.idx.msk $0xffff, v26  }
0x2bb: {  	v12 =	vor.u32 $0x30, v12;
	v5 =	vor.u32 v3, v32;
	v15 =	vld.idx.msk [tilespmem:v15+s3+$0x0], $0xffff  }
0x2bc: {  	[tilespmem:v30+s18+$0x0] =	vst.idx.msk $0xffff, v28;
	v8 =	vor.u32 v8, v12  }
0x2bd: {  	v28 =	vor.u32 v3, v17;
	v25 =	vld.idx.msk [tilespmem:v31+s3+$0x0], $0xffff;
	[tilespmem:v33+s18+$0x0] =	vst.idx.msk $0xffff, v27  }
0x2be: {  	v11 =	vor.u32 v11, v12;
	v26 =	vor.u32 v3, v21;
	[tilespmem:v22+s18+$0x0] =	vst.idx.msk $0xffff, v24;
	v13 =	vld.idx.msk [tilespmem:v13+s3+$0x0], $0xffff  }
0x2bf: {  	v10 =	vor.u32 v10, v12;
	v22 =	vor.u32 v3, v20;
	v14 =	vld.idx.msk [tilespmem:v14+s3+$0x0], $0xffff  }
0x2c0: {  	v9 =	vor.u32 v9, v12;
	v12 =	vor.u32 v19, v23;
	[tilespmem:v5+s18+$0x0] =	vst.idx.msk $0xffff, v15  }
0x2c1: {  	v5 =	vor.u32 v4, v12;
	v8 =	vld.idx.msk [tilespmem:v8+s3+$0x0], $0xffff  }
0x2c2: {  	[tilespmem:v28+s18+$0x0] =	vst.idx.msk $0xffff, v25  }
0x2c3: {  	v17 =	vor.u32 v4, v17;
	v11 =	vld.idx.msk [tilespmem:v11+s3+$0x0], $0xffff;
	[tilespmem:v26+s18+$0x0] =	vst.idx.msk $0xffff, v13  }
0x2c4: {  	v12 =	vor.u32 v4, v21;
	[tilespmem:v22+s18+$0x0] =	vst.idx.msk $0xffff, v14;
	v10 =	vld.idx.msk [tilespmem:v10+s3+$0x0], $0xffff  }
0x2c5: {  	[tilespmem:v6+s18+$0x0] =	vst.idx.msk $0xffff, v18;
	v6 =	vor.u32 v4, v20;
	s24 =	sadd.s32 $0x10180, s24;
	v9 =	vld.idx.msk [tilespmem:v9+s3+$0x0], $0xffff  }
0x2c6: {  	[tilespmem:v5+s18+$0x0] =	vst.idx.msk $0xffff, v8;
	v5 =	vmov s24  }
0x2c7: {  	[tilespmem:v7+s18+$0x0] =	vst.idx.msk $0xffff, v16  }
0x2c8: {  	[tilespmem:v17+s18+$0x0] =	vst.idx.msk $0xffff, v11  }
0x2c9: {  	s30 =	simm.s32 $0x0;
	[tilespmem:v12+s18+$0x0] =	vst.idx.msk $0xffff, v10  }
0x2ca: {  	s26 =	sand.u32 $0x70, s30;
	[tilespmem:v6+s18+$0x0] =	vst.idx.msk $0xffff, v9  }
0x2cb: {  	s24 =	sand.u32 $0xC, s30;
	v6 =	vld.idx.msk [tilespmem:v5+s26+$0x0 ss:$0x1], $0xffff  }
0x2cc: {  	v34 =	vor.u32 s26, v1;
	v24 =	vor.u32 s26, v0;
	s28 =	sor.u32 $0x1, s24;
	v7 =	vadd.s32 s24, v0;
	s29 =	sor.u32 $0x2, s24;
	s24 =	sor.u32 $0x3, s24  }
0x2cd: {  	v8 =	vadd.s32 s28, v0;
	v9 =	vadd.s32 s29, v0;
	v10 =	vadd.s32 s24, v0  }
0x2ce: {  	v13 =	vand.u32 $0xF, v7;
	v21 =	vshll.u32 v7, $0x7;
	v11 =	vand.u32 $0xF, v8  }
0x2cf: {  	v12 =	vand.u32 $0xF, v10;
	v14 =	vand.u32 $0xF, v9;
	v18 =	vshll.u32 v8, $0x7  }
0x2d0: {  	v20 =	vshll.u32 v9, $0x7;
	v23 =	vshll.u32 v10, $0x7;
	v6 =	vshll.u32 v6, $0x6  }
0x2d1: {  	v27 =	vand.u32 $0x380, v21;
	v55 =	vand.u32 $0x400, v21;
	v15 =	vor.u32 v12, v6  }
0x2d2: {  	v22 =	vand.u32 $0x380, v18;
	v25 =	vand.u32 $0x380, v20;
	v16 =	vor.u32 v13, v6  }
0x2d3: {  	v26 =	vand.u32 $0x380, v23;
	v23 =	vand.u32 $0x400, v23;
	v17 =	vor.u32 v11, v6  }
0x2d4: {  	v18 =	vand.u32 $0x400, v18;
	v28 =	vor.u32 v26, v24;
	v19 =	vor.u32 v14, v6  }
0x2d5: {  	v30 =	vor.u32 v22, v24;
	v31 =	vor.u32 v25, v24;
	v24 =	vor.u32 v27, v24  }
0x2d6: {  	v20 =	vand.u32 $0x400, v20;
	v28 =	vor.u32 v23, v28;
	v24 =	vor.u32 v55, v24;
	v15 =	vld.idx.msk [tilespmem:v15+s3+$0x0], $0xffff  }
0x2d7: {  	v30 =	vor.u32 v18, v30;
	v31 =	vor.u32 v20, v31;
	v23 =	vor.u32 v34, v23;
	v16 =	vld.idx.msk [tilespmem:v16+s3+$0x0], $0xffff  }
0x2d8: {  	v18 =	vor.u32 v34, v18;
	v20 =	vor.u32 v34, v20;
	v29 =	vor.u32 $0x10, v6;
	v17 =	vld.idx.msk [tilespmem:v17+s3+$0x0], $0xffff  }
0x2d9: {  	v23 =	vor.u32 v26, v23;
	v26 =	vor.u32 $0x20, v6;
	v54 =	vor.u32 v10, v29;
	v19 =	vld.idx.msk [tilespmem:v19+s3+$0x0], $0xffff  }
0x2da: {  	v35 =	vor.u32 v7, v29;
	v36 =	vor.u32 v8, v29;
	v29 =	vor.u32 v9, v29  }
0x2db: {  	v12 =	vor.u32 v12, v26;
	v13 =	vor.u32 v13, v26;
	[tilespmem:v28+s19+$0x0] =	vst.idx.msk $0xffff, v15  }
0x2dc: {  	s24 =	simm.s32 $0x4;
	v15 =	vor.u32 v34, v27;
	v27 =	vor.u32 v2, v23;
	[tilespmem:v24+s19+$0x0] =	vst.idx.msk $0xffff, v16  }
0x2dd: {  	s26 =	sand.u32 $0x70, s24;
	v16 =	vor.u32 v22, v18;
	v18 =	vand.u32 $0xC00, v21;
	[tilespmem:v30+s19+$0x0] =	vst.idx.msk $0xffff, v17;
	v17 =	vor.u32 v25, v20  }
0x2de: {  	[tilespmem:v31+s19+$0x0] =	vst.idx.msk $0xffff, v19;
	v30 =	vor.u32 v11, v26;
	v31 =	vld.idx.msk [tilespmem:v5+s26+$0x0 ss:$0x1], $0xffff;
	v26 =	vor.u32 v14, v26  }
0x2df: {  	v14 =	vor.u32 $0x30, v6;
	v28 =	vld.idx.msk [tilespmem:v54+s3+$0x0], $0xffff;
	v21 =	vor.u32 v55, v15;
	v22 =	vor.u32 v2, v16  }
0x2e0: {  	v19 =	vor.u32 v2, v17;
	v24 =	vld.idx.msk [tilespmem:v36+s3+$0x0], $0xffff;
	v56 =	vor.u32 v3, v16;
	v11 =	vor.u32 v18, v15  }
0x2e1: {  	s28 =	sand.u32 $0xC, s24;
	v18 =	vor.u32 v3, v17;
	v6 =	vor.u32 v4, v16;
	v16 =	vor.u32 v3, v23;
	v29 =	vld.idx.msk [tilespmem:v29+s3+$0x0], $0xffff  }
0x2e2: {  	s31 =	sor.u32 $0x1, s28;
	v20 =	vld.idx.msk [tilespmem:v35+s3+$0x0], $0xffff;
	v57 =	vor.u32 v10, v14;
	v58 =	vor.u32 v9, v14;
	v25 =	vor.u32 v2, v21  }
0x2e3: {  	s30 =	sor.u32 $0x2, s28;
	v10 =	vadd.s32 s31, v0;
	v23 =	vor.u32 v4, v23;
	v21 =	vor.u32 v3, v21  }
0x2e4: {  	v9 =	vadd.s32 s30, v0;
	v59 =	vor.u32 v4, v11;
	[tilespmem:v27+s19+$0x0] =	vst.idx.msk $0xffff, v28;
	v27 =	vor.u32 v7, v14  }
0x2e5: {  	v28 =	vor.u32 v8, v14;
	v7 =	vor.u32 v4, v17;
	[tilespmem:v22+s19+$0x0] =	vst.idx.msk $0xffff, v24;
	v15 =	vld.idx.msk [tilespmem:v12+s3+$0x0], $0xffff  }
0x2e6: {  	v8 =	vadd.s32 s28, v0;
	s28 =	sor.u32 $0x3, s28;
	v14 =	vand.u32 $0xF, v9;
	[tilespmem:v19+s19+$0x0] =	vst.idx.msk $0xffff, v29;
	v19 =	vshll.u32 v10, $0x7  }
0x2e7: {  	[tilespmem:v25+s19+$0x0] =	vst.idx.msk $0xffff, v20;
	v11 =	vadd.s32 s28, v0;
	v12 =	vshll.u32 v31, $0x6;
	v22 =	vld.idx.msk [tilespmem:v30+s3+$0x0], $0xffff;
	v31 =	vshll.u32 v9, $0x7  }
0x2e8: {  	v60 =	vshll.u32 v8, $0x7;
	v61 =	vand.u32 $0x380, v19;
	v17 =	vld.idx.msk [tilespmem:v13+s3+$0x0], $0xffff;
	v29 =	vor.u32 v14, v12  }
0x2e9: {  	v41 =	vand.u32 $0x400, v19;
	v13 =	vand.u32 $0xF, v10;
	v20 =	vand.u32 $0xF, v11  }
0x2ea: {  	v26 =	vld.idx.msk [tilespmem:v26+s3+$0x0], $0xffff;
	v37 =	vshll.u32 v11, $0x7;
	v38 =	vand.u32 $0x380, v31;
	[tilespmem:v16+s19+$0x0] =	vst.idx.msk $0xffff, v15;
	v16 =	vor.u32 v20, v12  }
0x2eb: {  	v40 =	vand.u32 $0x380, v60;
	v30 =	vor.u32 v13, v12;
	v15 =	vand.u32 $0xF, v8;
	v24 =	vld.idx.msk [tilespmem:v57+s3+$0x0], $0xffff  }
0x2ec: {  	v62 =	vor.u32 $0x10, v12;
	v46 =	vand.u32 $0x400, v60;
	[tilespmem:v56+s19+$0x0] =	vst.idx.msk $0xffff, v22;
	v25 =	vor.u32 v15, v12  }
0x2ed: {  	v44 =	vor.u32 v11, v62;
	[tilespmem:v21+s19+$0x0] =	vst.idx.msk $0xffff, v17;
	v17 =	vor.u32 s26, v0;
	v21 =	vand.u32 $0x380, v37;
	v22 =	vld.idx.msk [tilespmem:v29+s3+$0x0], $0xffff  }
0x2ee: {  	v48 =	vor.u32 v8, v62;
	v37 =	vand.u32 $0x400, v37;
	v39 =	vld.idx.msk [tilespmem:v27+s3+$0x0], $0xffff;
	v27 =	vor.u32 v21, v17  }
0x2ef: {  	[tilespmem:v18+s19+$0x0] =	vst.idx.msk $0xffff, v26;
	v19 =	vor.u32 v61, v17;
	v42 =	vor.u32 v37, v27;
	v16 =	vld.idx.msk [tilespmem:v16+s3+$0x0], $0xffff  }
0x2f0: {  	v45 =	vld.idx.msk [tilespmem:v30+s3+$0x0], $0xffff;
	[tilespmem:v23+s19+$0x0] =	vst.idx.msk $0xffff, v24;
	v23 =	vor.u32 v38, v17;
	v17 =	vor.u32 v40, v17  }
0x2f1: {  	v30 =	vand.u32 $0x400, v31;
	v47 =	vor.u32 v41, v19;
	v43 =	vld.idx.msk [tilespmem:v25+s3+$0x0], $0xffff;
	v26 =	vor.u32 v46, v17  }
0x2f2: {  	v18 =	vld.idx.msk [tilespmem:v28+s3+$0x0], $0xffff;
	v27 =	vor.u32 v10, v62;
	v24 =	vor.u32 v30, v23;
	v23 =	vor.u32 s26, v1  }
0x2f3: {  	v29 =	vor.u32 $0x20, v12;
	v25 =	vor.u32 v9, v62;
	[tilespmem:v59+s19+$0x0] =	vst.idx.msk $0xffff, v39;
	v17 =	vor.u32 v23, v37  }
0x2f4: {  	v19 =	vand.u32 $0xC00, v60;
	v31 =	vor.u32 v23, v41;
	v17 =	vor.u32 v21, v17;
	[tilespmem:v42+s19+$0x0] =	vst.idx.msk $0xffff, v16  }
0x2f5: {  	v63 =	vor.u32 v23, v30;
	v23 =	vor.u32 v23, v40;
	v30 =	vor.u32 v2, v17;
	v28 =	vld.idx.msk [tilespmem:v44+s3+$0x0], $0xffff  }
0x2f6: {  	v21 =	vor.u32 v61, v31;
	v31 =	vor.u32 v20, v29;
	v16 =	vld.idx.msk [tilespmem:v58+s3+$0x0], $0xffff;
	[tilespmem:v26+s19+$0x0] =	vst.idx.msk $0xffff, v43  }
0x2f7: {  	[tilespmem:v47+s19+$0x0] =	vst.idx.msk $0xffff, v45;
	v32 =	vor.u32 v46, v23;
	v20 =	vor.u32 v38, v63;
	v26 =	vld.idx.msk [tilespmem:v48+s3+$0x0], $0xffff  }
.LBB2_17:
0x2f8: {  	s24 =	sadd.s32 $0x4, s24;
	v27 =	vld.idx.msk [tilespmem:v27+s3+$0x0], $0xffff;
	v33 =	vor.u32 v2, v21;
	[tilespmem:v24+s19+$0x0] =	vst.idx.msk $0xffff, v22;
	v22 =	vor.u32 v2, v20  }
0x2f9: {  	v24 =	vor.u32 v2, v32;
	v15 =	vor.u32 v15, v29;
	v34 =	vor.u32 v13, v29;
	s26 =	sand.u32 $0x70, s24;
	p0 =	slt.u32 s24, $0x7C;
	v13 =	vld.idx.msk [tilespmem:v25+s3+$0x0], $0xffff  }
0x2fa: {  	v35 =	vor.u32 v3, v21;
	v29 =	vor.u32 v14, v29;
	v25 =	vld.idx.msk [tilespmem:v5+s26+$0x0 ss:$0x1], $0xffff;
	[tilespmem:v30+s19+$0x0] =	vst.idx.msk $0xffff, v28  }
0x2fb: {  	v14 =	vor.u32 v19, v23;
	v19 =	vor.u32 v3, v20;
	v28 =	vor.u32 v3, v32;
	v23 =	vld.idx.msk [tilespmem:v31+s3+$0x0], $0xffff  }
0x2fc: {  	v12 =	vor.u32 $0x30, v12;
	v30 =	vor.u32 v3, v17;
	[tilespmem:v6+s19+$0x0] =	vst.idx.msk $0xffff, v18;
	v6 =	vor.u32 v4, v21  }
0x2fd: {  	v31 =	vor.u32 v11, v12;
	v18 =	vor.u32 v8, v12;
	v21 =	vor.u32 v10, v12  }
0x2fe: {  	v20 =	vor.u32 v4, v20;
	s28 =	sand.u32 $0xC, s24;
	[tilespmem:v24+s19+$0x0] =	vst.idx.msk $0xffff, v26;
	v26 =	vor.u32 v9, v12  }
0x2ff: {  	s29 =	sor.u32 $0x1, s28;
	s30 =	sor.u32 $0x2, s28;
	v32 =	vor.u32 v4, v14;
	v8 =	vadd.s32 s28, v0;
	s28 =	sor.u32 $0x3, s28;
	v24 =	vld.idx.msk [tilespmem:v15+s3+$0x0], $0xffff;
	[tilespmem:v33+s19+$0x0] =	vst.idx.msk $0xffff, v27  }
0x300: {  	v10 =	vadd.s32 s29, v0;
	v11 =	vadd.s32 s28, v0;
	v9 =	vadd.s32 s30, v0;
	[tilespmem:v22+s19+$0x0] =	vst.idx.msk $0xffff, v13  }
0x301: {  	v12 =	vshll.u32 v25, $0x6;
	v33 =	vand.u32 $0xF, v11;
	v13 =	vand.u32 $0xF, v10;
	v22 =	vld.idx.msk [tilespmem:v34+s3+$0x0], $0xffff;
	[tilespmem:v30+s19+$0x0] =	vst.idx.msk $0xffff, v23  }
0x302: {  	v15 =	vand.u32 $0xF, v8;
	v14 =	vand.u32 $0xF, v9;
	v23 =	vor.u32 v33, v12;
	v25 =	vld.idx.msk [tilespmem:v31+s3+$0x0], $0xffff;
	[tilespmem:v7+s19+$0x0] =	vst.idx.msk $0xffff, v16  }
0x303: {  	v17 =	vor.u32 v4, v17;
	v27 =	vor.u32 v13, v12;
	v16 =	vor.u32 v15, v12;
	v29 =	vld.idx.msk [tilespmem:v29+s3+$0x0], $0xffff  }
0x304: {  	v30 =	vshll.u32 v10, $0x7;
	v34 =	vshll.u32 v9, $0x7;
	v31 =	vor.u32 v14, v12;
	v7 =	vmovc v20  }
0x305: {  	v37 =	vshll.u32 v11, $0x7;
	v20 =	vshll.u32 v8, $0x7;
	v36 =	vand.u32 $0x380, v30;
	[tilespmem:v28+s19+$0x0] =	vst.idx.msk $0xffff, v24  }
0x306: {  	v39 =	vand.u32 $0x380, v37;
	v38 =	vand.u32 $0x380, v34;
	v24 =	vor.u32 s26, v0;
	v40 =	vld.idx.msk [tilespmem:v18+s3+$0x0], $0xffff  }
0x307: {  	v41 =	vand.u32 $0x380, v20;
	v28 =	vand.u32 $0x400, v37;
	v18 =	vor.u32 v39, v24;
	v23 =	vld.idx.msk [tilespmem:v23+s3+$0x0], $0xffff;
	[tilespmem:v35+s19+$0x0] =	vst.idx.msk $0xffff, v22  }
0x308: {  	v30 =	vand.u32 $0x400, v30;
	v37 =	vor.u32 $0x10, v12;
	v42 =	vor.u32 v28, v18;
	v35 =	vld.idx.msk [tilespmem:v16+s3+$0x0], $0xffff;
	[tilespmem:v17+s19+$0x0] =	vst.idx.msk $0xffff, v25  }
0x309: {  	v44 =	vor.u32 v11, v37;
	v16 =	vor.u32 v36, v24;
	v17 =	vor.u32 v38, v24;
	v43 =	vld.idx.msk [tilespmem:v27+s3+$0x0], $0xffff  }
0x30a: {  	v45 =	vand.u32 $0x400, v20;
	v18 =	vor.u32 v41, v24;
	v22 =	vld.idx.msk [tilespmem:v31+s3+$0x0], $0xffff;
	v31 =	vand.u32 $0x400, v34;
	[tilespmem:v19+s19+$0x0] =	vst.idx.msk $0xffff, v29  }
0x30b: {  	v46 =	vor.u32 v30, v16;
	v34 =	vor.u32 v45, v18;
	v24 =	vor.u32 v31, v17;
	v18 =	vld.idx.msk [tilespmem:v21+s3+$0x0], $0xffff  }
0x30c: {  	v47 =	vor.u32 v8, v37;
	v27 =	vor.u32 v10, v37;
	v21 =	vor.u32 s26, v1;
	v16 =	vld.idx.msk [tilespmem:v26+s3+$0x0], $0xffff  }
.Ltmp7:
0x30d: {  	v25 =	vor.u32 v9, v37;
	v19 =	vand.u32 $0xC00, v20;
	v17 =	vor.u32 v21, v28;
	[tilespmem:v42+s19+$0x0] =	vst.idx.msk $0xffff, v23;
	(pc) =	sbr.rel @p0 .LBB2_17-.Ltmp7, $4  }
0x30e: {  	v20 =	vor.u32 v21, v30;
	v37 =	vor.u32 v21, v31;
	v17 =	vor.u32 v39, v17;
	v28 =	vld.idx.msk [tilespmem:v44+s3+$0x0], $0xffff  }
0x30f: {  	v29 =	vor.u32 $0x20, v12;
	v23 =	vor.u32 v21, v41;
	v30 =	vor.u32 v2, v17;
	[tilespmem:v32+s19+$0x0] =	vst.idx.msk $0xffff, v40  }
0x310: {  	v31 =	vor.u32 v33, v29;
	v21 =	vor.u32 v36, v20;
	[tilespmem:v34+s19+$0x0] =	vst.idx.msk $0xffff, v35  }
0x311: {  	v20 =	vor.u32 v38, v37;
	v32 =	vor.u32 v45, v23;
	v26 =	vld.idx.msk [tilespmem:v47+s3+$0x0], $0xffff;
	[tilespmem:v46+s19+$0x0] =	vst.idx.msk $0xffff, v43  }
0x312: {  	_ =	sdelay $0x2  }
0x313: {  	v5 =	vor.u32 v2, v32  }
0x314: {  	v27 =	vld.idx.msk [tilespmem:v27+s3+$0x0], $0xffff;
	v33 =	vor.u32 v2, v21;
	[tilespmem:v24+s19+$0x0] =	vst.idx.msk $0xffff, v22;
	v15 =	vor.u32 v15, v29  }
0x315: {  	v56 =	vor.u32 v2, v20;
	v13 =	vor.u32 v13, v29;
	v24 =	vld.idx.msk [tilespmem:v25+s3+$0x0], $0xffff  }
0x316: {  	v14 =	vor.u32 v14, v29  }
0x317: {  	[tilespmem:v30+s19+$0x0] =	vst.idx.msk $0xffff, v28  }
0x318: {  	v12 =	vor.u32 $0x30, v12;
	v58 =	vor.u32 v3, v17;
	v57 =	vld.idx.msk [tilespmem:v31+s3+$0x0], $0xffff;
	[tilespmem:v5+s19+$0x0] =	vst.idx.msk $0xffff, v26  }
0x319: {  	v11 =	vor.u32 v11, v12;
	v5 =	vor.u32 v3, v32;
	[tilespmem:v33+s19+$0x0] =	vst.idx.msk $0xffff, v27;
	v15 =	vld.idx.msk [tilespmem:v15+s3+$0x0], $0xffff  }
0x31a: {  	v59 =	vor.u32 v3, v21;
	v8 =	vor.u32 v8, v12;
	[tilespmem:v56+s19+$0x0] =	vst.idx.msk $0xffff, v24;
	v13 =	vld.idx.msk [tilespmem:v13+s3+$0x0], $0xffff  }
0x31b: {  	v60 =	vor.u32 v3, v20;
	v10 =	vor.u32 v10, v12;
	v14 =	vld.idx.msk [tilespmem:v14+s3+$0x0], $0xffff  }
0x31c: {  	v9 =	vor.u32 v9, v12  }
0x31d: {  	[tilespmem:v58+s19+$0x0] =	vst.idx.msk $0xffff, v57  }
0x31e: {  	v61 =	vor.u32 v19, v23;
	v62 =	vor.u32 v4, v17;
	v11 =	vld.idx.msk [tilespmem:v11+s3+$0x0], $0xffff;
	[tilespmem:v5+s19+$0x0] =	vst.idx.msk $0xffff, v15  }
0x31f: {  	v5 =	vor.u32 v4, v61;
	[tilespmem:v59+s19+$0x0] =	vst.idx.msk $0xffff, v13;
	v8 =	vld.idx.msk [tilespmem:v8+s3+$0x0], $0xffff  }
0x320: {  	v63 =	vor.u32 v4, v21;
	[tilespmem:v60+s19+$0x0] =	vst.idx.msk $0xffff, v14;
	v10 =	vld.idx.msk [tilespmem:v10+s3+$0x0], $0xffff  }
0x321: {  	[tilespmem:v6+s19+$0x0] =	vst.idx.msk $0xffff, v18;
	v6 =	vor.u32 v4, v20;
	v9 =	vld.idx.msk [tilespmem:v9+s3+$0x0], $0xffff  }
0x322: {  	[tilespmem:v7+s19+$0x0] =	vst.idx.msk $0xffff, v16;
	p0 =	sne.s32 s23, $0x31  }
.Ltmp8:
0x323: {  	s24 =	sshll.u32 s25, $0x12;
	[tilespmem:v62+s19+$0x0] =	vst.idx.msk $0xffff, v11;
	(pc) =	sbr.rel @p0 .LBB2_10-.Ltmp8, $4  }
0x324: {  	s24 =	sor.u32 s6, s24;
	[tilespmem:v5+s19+$0x0] =	vst.idx.msk $0xffff, v8  }
0x325: {  	s24 =	sshrl.u32 s24, $0x3;
	[tilespmem:v63+s19+$0x0] =	vst.idx.msk $0xffff, v10  }
0x326: {  	s24 =	sadd.s32 s2, s24;
	[tilespmem:v6+s19+$0x0] =	vst.idx.msk $0xffff, v9  }
0x327: {  	[hbm4b:s24+s16] =	stream.strided.scatter [tilespmem:s18], [sflag:$0x2], $0x4000, s17, s16, $0x38;
	[tilespmem:$0x1E400] =	vst v63  }
0x328: {  	s22 =	sadd.s32 $0x1, s22  }
0x329: {  	_ =	swait.ge [sflag:s20], $0x4000;
	p0 =	sne.s32 s22, s9  }
.Ltmp9:
0x32a: {  	[sflag:s20] =	ssyncset.done $0x0;
	(pc) =	sbr.rel @p0 .LBB2_1-.Ltmp9, $4  }
0x32b: {  	[sflag:s20] =	ssyncadd.s32 $0xFFFFC000  }
0x32c: {  	_ =	swait.ge [sflag:s21], $0x4000  }
0x32d: {  	[sflag:s21] =	ssyncset.done $0x0  }
0x32e: {  	[sflag:s21] =	ssyncadd.s32 $0xFFFFC000  }
0x32f: {  	_ =	sfence.sel $0x180000  }
0x330: {  	[bflag:$0x0] =	sbarrier.arrive $0xFFFF  }
0x331: {  	p0 =	sne.s32 s1, $0x0;
	_ =	strace $0x90000047  }
0x332: {  	s0 =	sadd.s32 @!p0 $0x100000, s0;
	[bflag:$0x2] =	sbarrier.arrive $0xFFFF  }
0x333: {  	[sflag:s0] =	ssyncadd.tile.s32 @!p0 $0x1;
	_ =	shalt  }
.Lfunc_end2:
_tile_overlayer_lowered:
.L_overlay_start_2:
0x334: {  	(tag) =	ssettag $0x2  }
0x335: {  	s0 =	rddreg [dreg:$0x0];
	s2 =	stileid.u32  }
0x336: {  	s1 =	rddreg [dreg:$0x1];
	p0 =	sne.s32 s2, $0x0  }
0x337: {  	s3 =	rddreg [dreg:$0x2];
	[bflag:$0x3] =	sbarrier.arrive $0xFFFF;
	s2 =	simm.s32 @!p0 $0x1C03  }
0x338: {  	[timem:s3], [sflag:s2] =	dma.local @!p0 [hbm:s0], s1  }
0x339: {  	s0 =	simm.s32 @!p0 $0x3  }
0x33a: {  	_ =	swait.ge @!p0 [sflag:s0], s1  }
0x33b: {  	s1 =	ssub.s32 @!p0 $0x0, s1;
	[sflag:s0] =	ssyncset.done @!p0 $0x0  }
0x33c: {  	[sflag:s0] =	ssyncadd.s32 @!p0 s1  }
0x33d: {  	[bflag:$0x3] =	sbarrier.arrive $0xFFFF  }
0x33e: {  	_ =	shalt  }

</sc_bundles>
